<compile_context>
chip_gen: v7x
topology: tpu7x:2x2x1
jax: 0.10.2.dev20260603
libtpu: 0.0.44.dev20260713+nightly
codegen_flags: <defaults>
</compile_context>

<pallas_src>
import functools

import jax
import jax.numpy as jnp
from jax import lax
from jax.experimental import pallas as pl
from jax.experimental.pallas import tpu as pltpu
from jax.experimental.pallas import tpu_sc as plsc

N = 10000
E = 160000
IN_C = 256
HID = 256
NCLS = 8

NC = 2
NS = 16
LANES = 16

CH = 128
CH3 = 64
IB3 = 24
NBUF3 = 3
EROWS = 1344
EPAD = EROWS * CH
NACC = 10240
NDUMMY = NACC - N
ACC_T = NACC // NS

_HIGHEST = lax.Precision.HIGHEST


def _fill(ref, nrows, ncols, value):
    val = jnp.full((LANES,), value, dtype=ref.dtype)

    def body(i, _):
        for k in range(ncols // LANES):
            ref[i, pl.ds(k * LANES, LANES)] = val
        return 0

    lax.fori_loop(0, nrows, body, 0)


def _zero_acc_chunk(zbuf, acc, tile):
    base = tile * ACC_T
    off = 0
    left = ACC_T
    while left > 0:
        sz = min(CH, left)
        pltpu.sync_copy(zbuf.at[pl.ds(0, sz)], acc.at[pl.ds(base + off, sz)])
        off += sz
        left -= sz


def _zero_acc_chunk64(zbuf, acc, tile):
    base = tile * ACC_T
    off = 0
    left = ACC_T
    while left > 0:
        sz = min(CH3, left)
        pltpu.sync_copy(zbuf.at[pl.ds(0, sz)], acc.at[pl.ds(base + off, sz)])
        off += sz
        left -= sz


def _gather_scatter_loop(table, srcb, dstb, acc, bufs, sems, nrows):
    nbuf = len(bufs)

    def gather(j, buf, sem):
        pltpu.async_copy(table.at[srcb.at[j]], buf, sem)

    for b in range(nbuf):
        gather(b, bufs[b], sems[b])
    groups = nrows // nbuf

    def body(g, _):
        for b in range(nbuf):
            j = nbuf * g + b
            buf, sem = bufs[b], sems[b]
            pltpu.make_async_copy(table.at[srcb.at[j]], buf, sem).wait()
            pltpu.sync_copy(buf, acc.at[dstb.at[j]], add=True)

            @pl.when(g < groups - 1)
            def _():
                gather(j + nbuf, buf, sem)

        return 0

    lax.fori_loop(0, groups, body, 0)


def _make_deg_kernel():
    mesh = plsc.VectorSubcoreMesh(core_axis_name="c", subcore_axis_name="s")
    rows_per = EROWS // (NC * NS)

    @functools.partial(
        pl.kernel,
        out_type=jax.ShapeDtypeStruct((NC, NACC, LANES), jnp.float32),
        mesh=mesh,
        scratch_types=[
            pltpu.VMEM_SHARED((NACC, LANES), jnp.float32),
            pltpu.VMEM((rows_per, CH), jnp.int32),
            pltpu.VMEM((CH, LANES), jnp.float32),
            pltpu.VMEM((CH, LANES), jnp.float32),
        ],
        compiler_params=pltpu.CompilerParams(use_tc_tiling_on_sc=False),
    )
    def deg_kernel(dst_hbm, p_out, acc, dstb, ones, zbuf):
        c = lax.axis_index("c")
        s = lax.axis_index("s")
        wid = s * NC + c

        _fill(ones, CH, LANES, 1.0)
        _fill(zbuf, CH, LANES, 0.0)
        _zero_acc_chunk(zbuf, acc, s)
        plsc.subcore_barrier()

        pltpu.sync_copy(dst_hbm.at[pl.ds(wid * rows_per, rows_per)], dstb)

        def body(j, _):
            pltpu.sync_copy(ones, acc.at[dstb.at[j]], add=True)
            return 0

        lax.fori_loop(0, rows_per, body, 0)
        plsc.subcore_barrier()

        pltpu.sync_copy(acc.at[pl.ds(s * ACC_T, ACC_T)],
                        p_out.at[c, pl.ds(s * ACC_T, ACC_T)])

    return deg_kernel


def _make_mp_kernel(feat):
    mesh = plsc.VectorSubcoreMesh(core_axis_name="c", subcore_axis_name="s")
    erows = EROWS * 2
    rows_per = erows // NS

    @functools.partial(
        pl.kernel,
        out_type=jax.ShapeDtypeStruct((NC, NACC, feat), jnp.float32),
        mesh=mesh,
        scratch_types=[
            pltpu.VMEM_SHARED((NACC, feat), jnp.float32),
            pltpu.VMEM((IB3, CH3), jnp.int32),
            pltpu.VMEM((IB3, CH3), jnp.int32),
        pltpu.VMEM((CH3, feat), jnp.float32),
            pltpu.VMEM((CH3, feat), jnp.float32),
            pltpu.VMEM((CH3, feat), jnp.float32),
            pltpu.SemaphoreType.DMA,
            pltpu.SemaphoreType.DMA,
            pltpu.SemaphoreType.DMA,
        ],
    )
    def mp_kernel(hp, src_hbm, dst_hbm, out, acc,
                  srcb, dstb, rows0, rows1, rows2, sem0, sem1, sem2):
        c = lax.axis_index("c")
        s = lax.axis_index("s")

        pltpu.sync_copy(hp.at[c].at[pl.ds(s * ACC_T, ACC_T)],
                        acc.at[pl.ds(s * ACC_T, ACC_T)])
        plsc.subcore_barrier()

        def block(blk, _):
            base = s * rows_per + blk * IB3
            pltpu.sync_copy(src_hbm.at[pl.ds(base, IB3)], srcb)
            pltpu.sync_copy(dst_hbm.at[pl.ds(base, IB3)], dstb)
            _gather_scatter_loop(hp.at[c], srcb, dstb, acc,
                                 (rows0, rows1, rows2), (sem0, sem1, sem2), IB3)
            return 0

        lax.fori_loop(0, rows_per // IB3, block, 0)
        plsc.subcore_barrier()

        pltpu.sync_copy(acc.at[pl.ds(s * ACC_T, ACC_T)],
                        out.at[c, pl.ds(s * ACC_T, ACC_T)])

    return mp_kernel


def _make_mp16_kernel():
    feat = LANES
    mesh = plsc.VectorSubcoreMesh(core_axis_name="c", subcore_axis_name="s")
    rows_per = EROWS // (NC * NS)

    @functools.partial(
        pl.kernel,
        out_type=jax.ShapeDtypeStruct((NC, NACC, feat), jnp.float32),
        mesh=mesh,
        scratch_types=[
            pltpu.VMEM_SHARED((NACC, feat), jnp.float32),
            pltpu.VMEM((rows_per, CH), jnp.int32),
            pltpu.VMEM((rows_per, CH), jnp.int32),
            pltpu.VMEM((CH, feat), jnp.float32),
            pltpu.VMEM((CH, feat), jnp.float32),
            pltpu.SemaphoreType.DMA,
            pltpu.SemaphoreType.DMA,
        ],
        compiler_params=pltpu.CompilerParams(use_tc_tiling_on_sc=False),
    )
    def mp16_kernel(gp, src_hbm, dst_hbm, out, acc,
                    srcb, dstb, rows0, rows1, sem0, sem1):
        c = lax.axis_index("c")
        s = lax.axis_index("s")
        wid = s * NC + c

        _fill(rows0, CH, feat, 0.0)
        _zero_acc_chunk(rows0, acc, s)
        plsc.subcore_barrier()

        pltpu.sync_copy(src_hbm.at[pl.ds(wid * rows_per, rows_per)], srcb)
        pltpu.sync_copy(dst_hbm.at[pl.ds(wid * rows_per, rows_per)], dstb)
        _gather_scatter_loop(gp, srcb, dstb, acc,
                             (rows0, rows1), (sem0, sem1), rows_per)
        plsc.subcore_barrier()

        pltpu.sync_copy(acc.at[pl.ds(s * ACC_T, ACC_T)],
                        out.at[c, pl.ds(s * ACC_T, ACC_T)])

    return mp16_kernel



def _rsqrt16(v):
    i = plsc.bitcast(v, jnp.int32)
    i = 0x5F3759DF - lax.shift_right_logical(i, 1)
    y = plsc.bitcast(i, jnp.float32)
    for _ in range(3):
        y = y * (1.5 - 0.5 * v * y * y)
    return y


def _make_final_kernel():
    mesh = plsc.VectorSubcoreMesh(core_axis_name="c", subcore_axis_name="s")
    rows = NACC // (NC * NS)

    @functools.partial(
        pl.kernel,
        out_type=jax.ShapeDtypeStruct((NACC, LANES), jnp.float32),
        mesh=mesh,
        scratch_types=[
            pltpu.VMEM((rows, LANES), jnp.float32),
            pltpu.VMEM((rows, LANES), jnp.float32),
            pltpu.VMEM((rows, LANES), jnp.float32),
            pltpu.VMEM((rows, LANES), jnp.float32),
            pltpu.VMEM((rows, LANES), jnp.float32),
            pltpu.VMEM((rows, LANES), jnp.float32),
            pltpu.VMEM((8, LANES), jnp.float32),
        ],
        compiler_params=pltpu.CompilerParams(use_tc_tiling_on_sc=False,
                                             needs_layout_passes=False),
    )
    def final_kernel(p, q, gp, b2, out, pb0, pb1, qb0, qb1, gpb, ob, b2b):
        c = lax.axis_index("c")
        s = lax.axis_index("s")
        wid = s * NC + c
        base = wid * rows

        pltpu.sync_copy(p.at[0].at[pl.ds(base, rows)], pb0)
        pltpu.sync_copy(p.at[1].at[pl.ds(base, rows)], pb1)
        pltpu.sync_copy(q.at[0].at[pl.ds(base, rows)], qb0)
        pltpu.sync_copy(q.at[1].at[pl.ds(base, rows)], qb1)
        pltpu.sync_copy(gp.at[pl.ds(base, rows)], gpb)
        pltpu.sync_copy(b2.at[pl.ds(0, 8)], b2b)
        b2v = b2b[0]

        def body(r, _):
            deg = pb0[r] + pb1[r] + 1.0
            d = _rsqrt16(deg)
            ob[r] = d * (qb0[r] + qb1[r] + gpb[r]) + b2v
            return 0

        lax.fori_loop(0, rows, body, 0)
        pltpu.sync_copy(ob, out.at[pl.ds(base, rows)])

    return final_kernel


_RB = 1000
_RB2 = 1024


def _lin1_body(x_ref, w_ref, p0_ref, p1_ref, hp_ref, d_ref):
    deg = p0_ref[0][:, 0:1] + p1_ref[0][:, 0:1] + 1.0
    d = lax.rsqrt(deg)
    h = jnp.dot(x_ref[...], w_ref[...], preferred_element_type=jnp.float32)
    hp = h * d
    hp_ref[0] = hp[:, :HID // 2]
    hp_ref[1] = hp[:, HID // 2:]
    d_ref[...] = jnp.broadcast_to(d, (_RB2, 8))


def _lin2_body(a0_ref, a1_ref, d_ref, b1_ref, w2_ref, gp_ref):
    d = d_ref[:, 0:1]
    h = jnp.concatenate([a0_ref[0], a1_ref[0]], axis=1)
    h = jnp.maximum(h * d + b1_ref[...], 0.0)
    g = jnp.dot(h, w2_ref[...], preferred_element_type=jnp.float32)
    gp_ref[...] = jnp.concatenate(
        [g * d, jnp.zeros((_RB, LANES - NCLS), jnp.float32)], axis=1)


def _row_spec(cols):
    return pl.BlockSpec((_RB, cols), lambda i: (i, 0))


def _half_spec(half, cols):
    return pl.BlockSpec((1, _RB, cols), lambda i: (half, i, 0))


def _full_spec(rows, cols):
    return pl.BlockSpec((rows, cols), lambda i: (0, 0))


def kernel(x, edge_index, W1, b1, W2, b2):
    src = edge_index[0]
    dst = edge_index[1]
    npad = EPAD - E
    ar = jnp.arange(npad, dtype=jnp.int32)
    pad_src = (ar * 2003) % N
    pad_dst = N + (ar % NDUMMY)
    srcp = jnp.concatenate([src, pad_src]).reshape(EROWS, CH)
    dstp = jnp.concatenate([dst, pad_dst]).reshape(EROWS, CH)

    p = _make_deg_kernel()(dstp)

    hp, d8 = pl.pallas_call(
        _lin1_body,
        grid=(NACC // _RB2,),
        in_specs=[
            pl.BlockSpec((_RB2, IN_C), lambda i: (i, 0)),
            pl.BlockSpec((IN_C, HID), lambda i: (0, 0)),
            pl.BlockSpec((1, _RB2, LANES), lambda i: (0, i, 0)),
            pl.BlockSpec((1, _RB2, LANES), lambda i: (1, i, 0)),
        ],
        out_specs=[
            pl.BlockSpec((2, _RB2, HID // 2), lambda i: (0, i, 0)),
            pl.BlockSpec((_RB2, 8), lambda i: (i, 0)),
        ],
        out_shape=[
            jax.ShapeDtypeStruct((NC, NACC, HID // 2), jnp.float32),
            jax.ShapeDtypeStruct((NACC, 8), jnp.float32),
        ],
    )(x, W1, p, p)

    a = _make_mp_kernel(HID // 2)(hp, srcp.reshape(EROWS * 2, CH3),
                                  dstp.reshape(EROWS * 2, CH3))

    gp = pl.pallas_call(
        _lin2_body,
        grid=(N // _RB,),
        in_specs=[
            _half_spec(0, HID // 2),
            _half_spec(1, HID // 2),
            _row_spec(8),
            _full_spec(1, HID),
            _full_spec(HID, NCLS),
        ],
        out_specs=_row_spec(LANES),
        out_shape=jax.ShapeDtypeStruct((N, LANES), jnp.float32),
    )(a, a, d8, b1.reshape(1, HID), W2)

    q = _make_mp16_kernel()(gp, srcp, dstp)

    b2p = jnp.zeros((8, LANES), jnp.float32).at[0, :NCLS].set(b2)
    out16 = _make_final_kernel()(p, q, gp, b2p)

    return out16[:N, :NCLS]

# --- scband reference (transcript-rebuilt; emitter-appended) ---
"""Pipeline reference for scband-gcnclassifier-12008728560014 (READ-ONLY COPY).

The authoritative reference and input builder live on the scoring server;
editing this copy changes nothing except your own understanding.
"""

import jax, jax.numpy as jnp
import numpy as np

N = 10000
E = 160000
IN_C = 256
HID = 256
NUM_CLASSES = 8


def gcn_conv(x, edge_index, W, b):
    # Faithful PyG GCNConv: linear transform, add self-loops, symmetric normalization,
    # scatter-add aggregation over dst nodes, then bias.
    num_nodes = x.shape[0]
    src = edge_index[0]
    dst = edge_index[1]
    loop = jnp.arange(num_nodes, dtype=src.dtype)
    src = jnp.concatenate([src, loop])
    dst = jnp.concatenate([dst, loop])
    deg = jnp.zeros((num_nodes,), dtype=x.dtype).at[dst].add(1.0)
    deg_inv_sqrt = jnp.where(deg > 0, jax.lax.rsqrt(jnp.maximum(deg, 1e-12)), 0.0)
    norm = deg_inv_sqrt[src] * deg_inv_sqrt[dst]
    h = x @ W
    msg = h[src] * norm[:, None]
    out = jnp.zeros((num_nodes, W.shape[1]), dtype=x.dtype).at[dst].add(msg)
    return out + b


def setup_inputs(seed: int = 0) -> dict:
    key = jax.random.key(seed)
    k1, k2, k3, k4 = jax.random.split(key, 4)
    x = jax.random.normal(k1, (N, IN_C), dtype=jnp.float32)
    edge_index = jax.random.randint(k2, (2, E), 0, N, dtype=jnp.int32)
    W1 = jax.random.normal(k3, (IN_C, HID), dtype=jnp.float32) * (1.0 / np.sqrt(IN_C))
    b1 = jnp.zeros((HID,), dtype=jnp.float32)
    W2 = jax.random.normal(k4, (HID, NUM_CLASSES), dtype=jnp.float32) * (1.0 / np.sqrt(HID))
    b2 = jnp.zeros((NUM_CLASSES,), dtype=jnp.float32)
    return {"x": x, "edge_index": edge_index, "W1": W1, "b1": b1, "W2": W2, "b2": b2}


def reference(x, edge_index, W1, b1, W2, b2):
    h = gcn_conv(x, edge_index, W1, b1)
    h = jax.nn.relu(h)
    # F.dropout(p=0.5, training=self.training) is identity in eval mode
    out = gcn_conv(h, edge_index, W2, b2)
    return out

if __name__ == "__main__":
    import jax
    _d = setup_inputs()
    print(jax.jit(kernel)(*tuple(_d.values())))

</pallas_src>

<mosaic_0001>
#map = affine_map<(d0, d1) -> (0, 0)>
#map1 = affine_map<(d0, d1) -> (0, 0, 0)>
module attributes {stable_mosaic.version = 14 : i64} {
  func.func @deg_kernel(%arg0: i32, %arg1: i32, %arg2: memref<1344x128xi32, #tpu.memory_space<hbm>>, %arg3: memref<2x10240x16xf32, #tpu.memory_space<hbm>>, %arg4: memref<10240x16xf32, #tpu.memory_space<vmem_shared>>, %arg5: memref<42x128xi32, #tpu.memory_space<vmem>>, %arg6: memref<128x16xf32, #tpu.memory_space<vmem>>, %arg7: memref<128x16xf32, #tpu.memory_space<vmem>>) attributes {dimension_semantics = [#tpu.dimension_semantics<core_parallel>, #tpu.dimension_semantics<subcore_parallel>], iteration_bounds = array<i64: 2, 16>, scalar_prefetch = 0 : i64, scratch_operands = 4 : i64, tpu.core_type = #tpu.core_type<sc_vector_subcore>, window_params = [{transform_indices = #map}, {transform_indices = #map1}]} {
    %mul3A = arith.constant 2 : i32
    %mul3A_0 = arith.muli %arg1, %mul3A : i32
    %add3A = arith.addi %mul3A_0, %arg0 : i32
    %broadcast_in_dim3A = arith.constant 1.000000e+00 : f32
    %broadcast_in_dim3A_1 = vector.broadcast %broadcast_in_dim3A : f32 to vector<16xf32>
    %scan3A = arith.constant 0 : i32
    %scan3A_2 = arith.constant 0 : i32
    %scan3A_3 = arith.constant 128 : i32
    %scan3A_4 = arith.addi %scan3A_2, %scan3A_3 : i32
    %scan3A_5 = arith.constant 1 : i32
    %scan3A_6 = scf.for %scan3A_43 = %scan3A_2 to %scan3A_4 step %scan3A_5 iter_args(%scan3A_44 = %scan3A) -> (i32)  : i32 {
      %swap3A = arith.index_cast %scan3A_43 : i32 to index
      %swap3A_45 = arith.constant 0 : index
      %swap3A_46 = tpu.vector_load %arg6[%swap3A, %swap3A_45] {strides = array<i32>} : memref<128x16xf32, #tpu.memory_space<vmem>>, vector<1x16xf32>,
      %swap3A_47 = vector.shape_cast %swap3A_46 : vector<1x16xf32> to vector<16xf32>
      %swap3A_48 = vector.shape_cast %broadcast_in_dim3A_1 : vector<16xf32> to vector<1x16xf32>
      tpu.vector_store %arg6[%swap3A, %swap3A_45], %swap3A_48 {strides = array<i32>} : memref<128x16xf32, #tpu.memory_space<vmem>>, vector<1x16xf32>,
      %scan3A_49 = arith.constant 0 : i32
      scf.yield %scan3A_49 : i32
    }
    %scan3A_7 = arith.constant 128 : i32
    %broadcast_in_dim3A_8 = arith.constant 0.000000e+00 : f32
    %broadcast_in_dim3A_9 = vector.broadcast %broadcast_in_dim3A_8 : f32 to vector<16xf32>
    %scan3A_10 = arith.constant 0 : i32
    %scan3A_11 = arith.constant 0 : i32
    %scan3A_12 = arith.constant 128 : i32
    %scan3A_13 = arith.addi %scan3A_11, %scan3A_12 : i32
    %scan3A_14 = arith.constant 1 : i32
    %scan3A_15 = scf.for %scan3A_43 = %scan3A_11 to %scan3A_13 step %scan3A_14 iter_args(%scan3A_44 = %scan3A_10) -> (i32)  : i32 {
      %swap3A = arith.index_cast %scan3A_43 : i32 to index
      %swap3A_45 = arith.constant 0 : index
      %swap3A_46 = tpu.vector_load %arg7[%swap3A, %swap3A_45] {strides = array<i32>} : memref<128x16xf32, #tpu.memory_space<vmem>>, vector<1x16xf32>,
      %swap3A_47 = vector.shape_cast %swap3A_46 : vector<1x16xf32> to vector<16xf32>
      %swap3A_48 = vector.shape_cast %broadcast_in_dim3A_9 : vector<16xf32> to vector<1x16xf32>
      tpu.vector_store %arg7[%swap3A, %swap3A_45], %swap3A_48 {strides = array<i32>} : memref<128x16xf32, #tpu.memory_space<vmem>>, vector<1x16xf32>,
      %scan3A_49 = arith.constant 0 : i32
      scf.yield %scan3A_49 : i32
    }
    %scan3A_16 = arith.constant 128 : i32
    %mul3A_17 = arith.constant 640 : i32
    %mul3A_18 = arith.muli %arg1, %mul3A_17 : i32
    %add3A_19 = arith.constant 0 : i32
    %add3A_20 = arith.addi %mul3A_18, %add3A_19 : i32
    "tpu.region"() ({
      %run_scoped3A = tpu.sem_alloc : memref<!tpu.dma_semaphore, #tpu.memory_space<semaphore_mem>>
      %dma_start3A = arith.constant 0 : i32
      %dma_start3A_43 = arith.constant 0 : i32
      %dma_start3A_44 = tpu.memref_slice %arg7[%dma_start3A, %dma_start3A_43] : memref<128x16xf32, #tpu.memory_space<vmem>> -> memref<128x16xf32, #tpu.memory_space<vmem>>
      %dma_start3A_45 = arith.constant 0 : i32
      %dma_start3A_46 = tpu.memref_slice %arg4[%add3A_20, %dma_start3A_45] : memref<10240x16xf32, #tpu.memory_space<vmem_shared>> -> memref<128x16xf32, #tpu.memory_space<vmem_shared>>
      %dma_start3A_47 = arith.constant 0 : i32
      %dma_start3A_48 = tpu.memref_slice %arg4[%add3A_20, %dma_start3A_47] : memref<10240x16xf32, #tpu.memory_space<vmem_shared>> -> memref<128x16xf32, #tpu.memory_space<vmem_shared>>
      %dma_start3A_49 = arith.constant 0 : i32
      %dma_start3A_50 = arith.constant 0 : i32
      %dma_start3A_51 = tpu.memref_slice %arg7[%dma_start3A_49, %dma_start3A_50] : memref<128x16xf32, #tpu.memory_space<vmem>> -> memref<128x16xf32, #tpu.memory_space<vmem>>
      tpu.enqueue_dma source(%dma_start3A_51 : memref<128x16xf32, #tpu.memory_space<vmem>>) target(%dma_start3A_48 : memref<128x16xf32, #tpu.memory_space<vmem_shared>>) target_semaphore(%run_scoped3A : memref<!tpu.dma_semaphore, #tpu.memory_space<semaphore_mem>>)
      %dma_wait3A = arith.constant 0 : i32
      %dma_wait3A_52 = arith.constant 0 : i32
      %dma_wait3A_53 = tpu.memref_slice %arg7[%dma_wait3A, %dma_wait3A_52] : memref<128x16xf32, #tpu.memory_space<vmem>> -> memref<128x16xf32, #tpu.memory_space<vmem>>
      %dma_wait3A_54 = arith.constant 0 : i32
      %dma_wait3A_55 = tpu.memref_slice %arg4[%add3A_20, %dma_wait3A_54] : memref<10240x16xf32, #tpu.memory_space<vmem_shared>> -> memref<128x16xf32, #tpu.memory_space<vmem_shared>>
      %dma_wait3A_56 = arith.constant 0 : i32
      %dma_wait3A_57 = tpu.memref_slice %arg4[%add3A_20, %dma_wait3A_56] : memref<10240x16xf32, #tpu.memory_space<vmem_shared>> -> memref<128x16xf32, #tpu.memory_space<vmem_shared>>
      %dma_wait3A_58 = arith.constant 0 : i32
      %dma_wait3A_59 = arith.constant 0 : i32
      %dma_wait3A_60 = tpu.memref_slice %arg7[%dma_wait3A_58, %dma_wait3A_59] : memref<128x16xf32, #tpu.memory_space<vmem>> -> memref<128x16xf32, #tpu.memory_space<vmem>>
      tpu.wait_dma2 semaphore(%run_scoped3A : memref<!tpu.dma_semaphore, #tpu.memory_space<semaphore_mem>>) src(%dma_wait3A_60 : memref<128x16xf32, #tpu.memory_space<vmem>>) dst(%dma_wait3A_57 : memref<128x16xf32, #tpu.memory_space<vmem_shared>>)
      tpu.yield
    }) : () -> ()
    %add3A_21 = arith.constant 128 : i32
    %add3A_22 = arith.addi %mul3A_18, %add3A_21 : i32
    "tpu.region"() ({
      %run_scoped3A = tpu.sem_alloc : memref<!tpu.dma_semaphore, #tpu.memory_space<semaphore_mem>>
      %dma_start3A = arith.constant 0 : i32
      %dma_start3A_43 = arith.constant 0 : i32
      %dma_start3A_44 = tpu.memref_slice %arg7[%dma_start3A, %dma_start3A_43] : memref<128x16xf32, #tpu.memory_space<vmem>> -> memref<128x16xf32, #tpu.memory_space<vmem>>
      %dma_start3A_45 = arith.constant 0 : i32
      %dma_start3A_46 = tpu.memref_slice %arg4[%add3A_22, %dma_start3A_45] : memref<10240x16xf32, #tpu.memory_space<vmem_shared>> -> memref<128x16xf32, #tpu.memory_space<vmem_shared>>
      %dma_start3A_47 = arith.constant 0 : i32
      %dma_start3A_48 = tpu.memref_slice %arg4[%add3A_22, %dma_start3A_47] : memref<10240x16xf32, #tpu.memory_space<vmem_shared>> -> memref<128x16xf32, #tpu.memory_space<vmem_shared>>
      %dma_start3A_49 = arith.constant 0 : i32
      %dma_start3A_50 = arith.constant 0 : i32
      %dma_start3A_51 = tpu.memref_slice %arg7[%dma_start3A_49, %dma_start3A_50] : memref<128x16xf32, #tpu.memory_space<vmem>> -> memref<128x16xf32, #tpu.memory_space<vmem>>
      tpu.enqueue_dma source(%dma_start3A_51 : memref<128x16xf32, #tpu.memory_space<vmem>>) target(%dma_start3A_48 : memref<128x16xf32, #tpu.memory_space<vmem_shared>>) target_semaphore(%run_scoped3A : memref<!tpu.dma_semaphore, #tpu.memory_space<semaphore_mem>>)
      %dma_wait3A = arith.constant 0 : i32
      %dma_wait3A_52 = arith.constant 0 : i32
      %dma_wait3A_53 = tpu.memref_slice %arg7[%dma_wait3A, %dma_wait3A_52] : memref<128x16xf32, #tpu.memory_space<vmem>> -> memref<128x16xf32, #tpu.memory_space<vmem>>
      %dma_wait3A_54 = arith.constant 0 : i32
      %dma_wait3A_55 = tpu.memref_slice %arg4[%add3A_22, %dma_wait3A_54] : memref<10240x16xf32, #tpu.memory_space<vmem_shared>> -> memref<128x16xf32, #tpu.memory_space<vmem_shared>>
      %dma_wait3A_56 = arith.constant 0 : i32
      %dma_wait3A_57 = tpu.memref_slice %arg4[%add3A_22, %dma_wait3A_56] : memref<10240x16xf32, #tpu.memory_space<vmem_shared>> -> memref<128x16xf32, #tpu.memory_space<vmem_shared>>
      %dma_wait3A_58 = arith.constant 0 : i32
      %dma_wait3A_59 = arith.constant 0 : i32
      %dma_wait3A_60 = tpu.memref_slice %arg7[%dma_wait3A_58, %dma_wait3A_59] : memref<128x16xf32, #tpu.memory_space<vmem>> -> memref<128x16xf32, #tpu.memory_space<vmem>>
      tpu.wait_dma2 semaphore(%run_scoped3A : memref<!tpu.dma_semaphore, #tpu.memory_space<semaphore_mem>>) src(%dma_wait3A_60 : memref<128x16xf32, #tpu.memory_space<vmem>>) dst(%dma_wait3A_57 : memref<128x16xf32, #tpu.memory_space<vmem_shared>>)
      tpu.yield
    }) : () -> ()
    %add3A_23 = arith.constant 256 : i32
    %add3A_24 = arith.addi %mul3A_18, %add3A_23 : i32
    "tpu.region"() ({
      %run_scoped3A = tpu.sem_alloc : memref<!tpu.dma_semaphore, #tpu.memory_space<semaphore_mem>>
      %dma_start3A = arith.constant 0 : i32
      %dma_start3A_43 = arith.constant 0 : i32
      %dma_start3A_44 = tpu.memref_slice %arg7[%dma_start3A, %dma_start3A_43] : memref<128x16xf32, #tpu.memory_space<vmem>> -> memref<128x16xf32, #tpu.memory_space<vmem>>
      %dma_start3A_45 = arith.constant 0 : i32
      %dma_start3A_46 = tpu.memref_slice %arg4[%add3A_24, %dma_start3A_45] : memref<10240x16xf32, #tpu.memory_space<vmem_shared>> -> memref<128x16xf32, #tpu.memory_space<vmem_shared>>
      %dma_start3A_47 = arith.constant 0 : i32
      %dma_start3A_48 = tpu.memref_slice %arg4[%add3A_24, %dma_start3A_47] : memref<10240x16xf32, #tpu.memory_space<vmem_shared>> -> memref<128x16xf32, #tpu.memory_space<vmem_shared>>
      %dma_start3A_49 = arith.constant 0 : i32
      %dma_start3A_50 = arith.constant 0 : i32
      %dma_start3A_51 = tpu.memref_slice %arg7[%dma_start3A_49, %dma_start3A_50] : memref<128x16xf32, #tpu.memory_space<vmem>> -> memref<128x16xf32, #tpu.memory_space<vmem>>
      tpu.enqueue_dma source(%dma_start3A_51 : memref<128x16xf32, #tpu.memory_space<vmem>>) target(%dma_start3A_48 : memref<128x16xf32, #tpu.memory_space<vmem_shared>>) target_semaphore(%run_scoped3A : memref<!tpu.dma_semaphore, #tpu.memory_space<semaphore_mem>>)
      %dma_wait3A = arith.constant 0 : i32
      %dma_wait3A_52 = arith.constant 0 : i32
      %dma_wait3A_53 = tpu.memref_slice %arg7[%dma_wait3A, %dma_wait3A_52] : memref<128x16xf32, #tpu.memory_space<vmem>> -> memref<128x16xf32, #tpu.memory_space<vmem>>
      %dma_wait3A_54 = arith.constant 0 : i32
      %dma_wait3A_55 = tpu.memref_slice %arg4[%add3A_24, %dma_wait3A_54] : memref<10240x16xf32, #tpu.memory_space<vmem_shared>> -> memref<128x16xf32, #tpu.memory_space<vmem_shared>>
      %dma_wait3A_56 = arith.constant 0 : i32
      %dma_wait3A_57 = tpu.memref_slice %arg4[%add3A_24, %dma_wait3A_56] : memref<10240x16xf32, #tpu.memory_space<vmem_shared>> -> memref<128x16xf32, #tpu.memory_space<vmem_shared>>
      %dma_wait3A_58 = arith.constant 0 : i32
      %dma_wait3A_59 = arith.constant 0 : i32
      %dma_wait3A_60 = tpu.memref_slice %arg7[%dma_wait3A_58, %dma_wait3A_59] : memref<128x16xf32, #tpu.memory_space<vmem>> -> memref<128x16xf32, #tpu.memory_space<vmem>>
      tpu.wait_dma2 semaphore(%run_scoped3A : memref<!tpu.dma_semaphore, #tpu.memory_space<semaphore_mem>>) src(%dma_wait3A_60 : memref<128x16xf32, #tpu.memory_space<vmem>>) dst(%dma_wait3A_57 : memref<128x16xf32, #tpu.memory_space<vmem_shared>>)
      tpu.yield
    }) : () -> ()
    %add3A_25 = arith.constant 384 : i32
    %add3A_26 = arith.addi %mul3A_18, %add3A_25 : i32
    "tpu.region"() ({
      %run_scoped3A = tpu.sem_alloc : memref<!tpu.dma_semaphore, #tpu.memory_space<semaphore_mem>>
      %dma_start3A = arith.constant 0 : i32
      %dma_start3A_43 = arith.constant 0 : i32
      %dma_start3A_44 = tpu.memref_slice %arg7[%dma_start3A, %dma_start3A_43] : memref<128x16xf32, #tpu.memory_space<vmem>> -> memref<128x16xf32, #tpu.memory_space<vmem>>
      %dma_start3A_45 = arith.constant 0 : i32
      %dma_start3A_46 = tpu.memref_slice %arg4[%add3A_26, %dma_start3A_45] : memref<10240x16xf32, #tpu.memory_space<vmem_shared>> -> memref<128x16xf32, #tpu.memory_space<vmem_shared>>
      %dma_start3A_47 = arith.constant 0 : i32
      %dma_start3A_48 = tpu.memref_slice %arg4[%add3A_26, %dma_start3A_47] : memref<10240x16xf32, #tpu.memory_space<vmem_shared>> -> memref<128x16xf32, #tpu.memory_space<vmem_shared>>
      %dma_start3A_49 = arith.constant 0 : i32
      %dma_start3A_50 = arith.constant 0 : i32
      %dma_start3A_51 = tpu.memref_slice %arg7[%dma_start3A_49, %dma_start3A_50] : memref<128x16xf32, #tpu.memory_space<vmem>> -> memref<128x16xf32, #tpu.memory_space<vmem>>
      tpu.enqueue_dma source(%dma_start3A_51 : memref<128x16xf32, #tpu.memory_space<vmem>>) target(%dma_start3A_48 : memref<128x16xf32, #tpu.memory_space<vmem_shared>>) target_semaphore(%run_scoped3A : memref<!tpu.dma_semaphore, #tpu.memory_space<semaphore_mem>>)
      %dma_wait3A = arith.constant 0 : i32
      %dma_wait3A_52 = arith.constant 0 : i32
      %dma_wait3A_53 = tpu.memref_slice %arg7[%dma_wait3A, %dma_wait3A_52] : memref<128x16xf32, #tpu.memory_space<vmem>> -> memref<128x16xf32, #tpu.memory_space<vmem>>
      %dma_wait3A_54 = arith.constant 0 : i32
      %dma_wait3A_55 = tpu.memref_slice %arg4[%add3A_26, %dma_wait3A_54] : memref<10240x16xf32, #tpu.memory_space<vmem_shared>> -> memref<128x16xf32, #tpu.memory_space<vmem_shared>>
      %dma_wait3A_56 = arith.constant 0 : i32
      %dma_wait3A_57 = tpu.memref_slice %arg4[%add3A_26, %dma_wait3A_56] : memref<10240x16xf32, #tpu.memory_space<vmem_shared>> -> memref<128x16xf32, #tpu.memory_space<vmem_shared>>
      %dma_wait3A_58 = arith.constant 0 : i32
      %dma_wait3A_59 = arith.constant 0 : i32
      %dma_wait3A_60 = tpu.memref_slice %arg7[%dma_wait3A_58, %dma_wait3A_59] : memref<128x16xf32, #tpu.memory_space<vmem>> -> memref<128x16xf32, #tpu.memory_space<vmem>>
      tpu.wait_dma2 semaphore(%run_scoped3A : memref<!tpu.dma_semaphore, #tpu.memory_space<semaphore_mem>>) src(%dma_wait3A_60 : memref<128x16xf32, #tpu.memory_space<vmem>>) dst(%dma_wait3A_57 : memref<128x16xf32, #tpu.memory_space<vmem_shared>>)
      tpu.yield
    }) : () -> ()
    %add3A_27 = arith.constant 512 : i32
    %add3A_28 = arith.addi %mul3A_18, %add3A_27 : i32
    "tpu.region"() ({
      %run_scoped3A = tpu.sem_alloc : memref<!tpu.dma_semaphore, #tpu.memory_space<semaphore_mem>>
      %dma_start3A = arith.constant 0 : i32
      %dma_start3A_43 = arith.constant 0 : i32
      %dma_start3A_44 = tpu.memref_slice %arg7[%dma_start3A, %dma_start3A_43] : memref<128x16xf32, #tpu.memory_space<vmem>> -> memref<128x16xf32, #tpu.memory_space<vmem>>
      %dma_start3A_45 = arith.constant 0 : i32
      %dma_start3A_46 = tpu.memref_slice %arg4[%add3A_28, %dma_start3A_45] : memref<10240x16xf32, #tpu.memory_space<vmem_shared>> -> memref<128x16xf32, #tpu.memory_space<vmem_shared>>
      %dma_start3A_47 = arith.constant 0 : i32
      %dma_start3A_48 = tpu.memref_slice %arg4[%add3A_28, %dma_start3A_47] : memref<10240x16xf32, #tpu.memory_space<vmem_shared>> -> memref<128x16xf32, #tpu.memory_space<vmem_shared>>
      %dma_start3A_49 = arith.constant 0 : i32
      %dma_start3A_50 = arith.constant 0 : i32
      %dma_start3A_51 = tpu.memref_slice %arg7[%dma_start3A_49, %dma_start3A_50] : memref<128x16xf32, #tpu.memory_space<vmem>> -> memref<128x16xf32, #tpu.memory_space<vmem>>
      tpu.enqueue_dma source(%dma_start3A_51 : memref<128x16xf32, #tpu.memory_space<vmem>>) target(%dma_start3A_48 : memref<128x16xf32, #tpu.memory_space<vmem_shared>>) target_semaphore(%run_scoped3A : memref<!tpu.dma_semaphore, #tpu.memory_space<semaphore_mem>>)
      %dma_wait3A = arith.constant 0 : i32
      %dma_wait3A_52 = arith.constant 0 : i32
      %dma_wait3A_53 = tpu.memref_slice %arg7[%dma_wait3A, %dma_wait3A_52] : memref<128x16xf32, #tpu.memory_space<vmem>> -> memref<128x16xf32, #tpu.memory_space<vmem>>
      %dma_wait3A_54 = arith.constant 0 : i32
      %dma_wait3A_55 = tpu.memref_slice %arg4[%add3A_28, %dma_wait3A_54] : memref<10240x16xf32, #tpu.memory_space<vmem_shared>> -> memref<128x16xf32, #tpu.memory_space<vmem_shared>>
      %dma_wait3A_56 = arith.constant 0 : i32
      %dma_wait3A_57 = tpu.memref_slice %arg4[%add3A_28, %dma_wait3A_56] : memref<10240x16xf32, #tpu.memory_space<vmem_shared>> -> memref<128x16xf32, #tpu.memory_space<vmem_shared>>
      %dma_wait3A_58 = arith.constant 0 : i32
      %dma_wait3A_59 = arith.constant 0 : i32
      %dma_wait3A_60 = tpu.memref_slice %arg7[%dma_wait3A_58, %dma_wait3A_59] : memref<128x16xf32, #tpu.memory_space<vmem>> -> memref<128x16xf32, #tpu.memory_space<vmem>>
      tpu.wait_dma2 semaphore(%run_scoped3A : memref<!tpu.dma_semaphore, #tpu.memory_space<semaphore_mem>>) src(%dma_wait3A_60 : memref<128x16xf32, #tpu.memory_space<vmem>>) dst(%dma_wait3A_57 : memref<128x16xf32, #tpu.memory_space<vmem_shared>>)
      tpu.yield
    }) : () -> ()
    %barrier3A = arith.constant 0 : index
    tpu.barrier barrier_id(%barrier3A)
    %mul3A_29 = arith.constant 42 : i32
    %mul3A_30 = arith.muli %add3A, %mul3A_29 : i32
    "tpu.region"() ({
      %run_scoped3A = tpu.sem_alloc : memref<!tpu.dma_semaphore, #tpu.memory_space<semaphore_mem>>
      %dma_start3A = arith.constant 0 : i32
      %dma_start3A_43 = tpu.memref_slice %arg2[%mul3A_30, %dma_start3A] : memref<1344x128xi32, #tpu.memory_space<hbm>> -> memref<42x128xi32, #tpu.memory_space<hbm>>
      %dma_start3A_44 = arith.constant 0 : i32
      %dma_start3A_45 = tpu.memref_slice %arg2[%mul3A_30, %dma_start3A_44] : memref<1344x128xi32, #tpu.memory_space<hbm>> -> memref<42x128xi32, #tpu.memory_space<hbm>>
      tpu.enqueue_dma source(%dma_start3A_45 : memref<42x128xi32, #tpu.memory_space<hbm>>) target(%arg5 : memref<42x128xi32, #tpu.memory_space<vmem>>) target_semaphore(%run_scoped3A : memref<!tpu.dma_semaphore, #tpu.memory_space<semaphore_mem>>)
      %dma_wait3A = arith.constant 0 : i32
      %dma_wait3A_46 = tpu.memref_slice %arg2[%mul3A_30, %dma_wait3A] : memref<1344x128xi32, #tpu.memory_space<hbm>> -> memref<42x128xi32, #tpu.memory_space<hbm>>
      %dma_wait3A_47 = arith.constant 0 : i32
      %dma_wait3A_48 = tpu.memref_slice %arg2[%mul3A_30, %dma_wait3A_47] : memref<1344x128xi32, #tpu.memory_space<hbm>> -> memref<42x128xi32, #tpu.memory_space<hbm>>
      tpu.wait_dma2 semaphore(%run_scoped3A : memref<!tpu.dma_semaphore, #tpu.memory_space<semaphore_mem>>) src(%dma_wait3A_48 : memref<42x128xi32, #tpu.memory_space<hbm>>) dst(%arg5 : memref<42x128xi32, #tpu.memory_space<vmem>>)
      tpu.yield
    }) : () -> ()
    %scan3A_31 = arith.constant 0 : i32
    %scan3A_32 = arith.constant 0 : i32
    %scan3A_33 = arith.constant 42 : i32
    %scan3A_34 = arith.addi %scan3A_32, %scan3A_33 : i32
    %scan3A_35 = arith.constant 1 : i32
    %scan3A_36 = scf.for %scan3A_43 = %scan3A_32 to %scan3A_34 step %scan3A_35 iter_args(%scan3A_44 = %scan3A_31) -> (i32)  : i32 {
      "tpu.region"() ({
        %run_scoped3A = tpu.sem_alloc : memref<!tpu.dma_semaphore, #tpu.memory_space<semaphore_mem>>
        %dma_start3A = arith.constant 0 : i32
        %dma_start3A_46 = tpu.memref_slice %arg5[%scan3A_43, %dma_start3A] : memref<42x128xi32, #tpu.memory_space<vmem>> -> memref<1x128xi32, #tpu.memory_space<vmem>>
        %dma_start3A_47 = tpu.memref_squeeze %dma_start3A_46 : memref<1x128xi32, #tpu.memory_space<vmem>> -> memref<128xi32, #tpu.memory_space<vmem>>
        %dma_start3A_48 = arith.constant 0 : i32
        %dma_start3A_49 = arith.constant 0 : i32
        %dma_start3A_50 = tpu.memref_slice %arg4[%dma_start3A_48, %dma_start3A_49] : memref<10240x16xf32, #tpu.memory_space<vmem_shared>> -> memref<10240x16xf32, #tpu.memory_space<vmem_shared>>
        tpu.enqueue_indirect_dma source(%arg6 : memref<128x16xf32, #tpu.memory_space<vmem>>) target(%dma_start3A_50 : memref<10240x16xf32, #tpu.memory_space<vmem_shared>>) offsets(%dma_start3A_47 : memref<128xi32, #tpu.memory_space<vmem>>) semaphore(%run_scoped3A : memref<!tpu.dma_semaphore, #tpu.memory_space<semaphore_mem>>) {add = true}
        %dma_wait3A = arith.constant 0 : i32
        %dma_wait3A_51 = tpu.memref_slice %arg5[%scan3A_43, %dma_wait3A] : memref<42x128xi32, #tpu.memory_space<vmem>> -> memref<1x128xi32, #tpu.memory_space<vmem>>
        %dma_wait3A_52 = tpu.memref_squeeze %dma_wait3A_51 : memref<1x128xi32, #tpu.memory_space<vmem>> -> memref<128xi32, #tpu.memory_space<vmem>>
        %dma_wait3A_53 = arith.constant 0 : i32
        %dma_wait3A_54 = arith.constant 0 : i32
        %dma_wait3A_55 = tpu.memref_slice %arg4[%dma_wait3A_53, %dma_wait3A_54] : memref<10240x16xf32, #tpu.memory_space<vmem_shared>> -> memref<10240x16xf32, #tpu.memory_space<vmem_shared>>
        tpu.wait_indirect_dma semaphore(%run_scoped3A : memref<!tpu.dma_semaphore, #tpu.memory_space<semaphore_mem>>) src(%arg6 : memref<128x16xf32, #tpu.memory_space<vmem>>) dst(%dma_wait3A_55 : memref<10240x16xf32, #tpu.memory_space<vmem_shared>>)
        tpu.yield
      }) : () -> ()
      %scan3A_45 = arith.constant 0 : i32
      scf.yield %scan3A_45 : i32
    }
    %scan3A_37 = arith.constant 42 : i32
    %barrier3A_38 = arith.constant 0 : index
    tpu.barrier barrier_id(%barrier3A_38)
    %mul3A_39 = arith.constant 640 : i32
    %mul3A_40 = arith.muli %arg1, %mul3A_39 : i32
    %mul3A_41 = arith.constant 640 : i32
    %mul3A_42 = arith.muli %arg1, %mul3A_41 : i32
    "tpu.region"() ({
      %run_scoped3A = tpu.sem_alloc : memref<!tpu.dma_semaphore, #tpu.memory_space<semaphore_mem>>
      %dma_start3A = arith.constant 0 : i32
      %dma_start3A_43 = tpu.memref_slice %arg3[%arg0, %mul3A_42, %dma_start3A] : memref<2x10240x16xf32, #tpu.memory_space<hbm>> -> memref<1x640x16xf32, #tpu.memory_space<hbm>>
      %dma_start3A_44 = tpu.memref_squeeze %dma_start3A_43 : memref<1x640x16xf32, #tpu.memory_space<hbm>> -> memref<640x16xf32, #tpu.memory_space<hbm>>
      %dma_start3A_45 = arith.constant 0 : i32
      %dma_start3A_46 = tpu.memref_slice %arg4[%mul3A_40, %dma_start3A_45] : memref<10240x16xf32, #tpu.memory_space<vmem_shared>> -> memref<640x16xf32, #tpu.memory_space<vmem_shared>>
      tpu.enqueue_dma source(%dma_start3A_46 : memref<640x16xf32, #tpu.memory_space<vmem_shared>>) target(%dma_start3A_44 : memref<640x16xf32, #tpu.memory_space<hbm>>) target_semaphore(%run_scoped3A : memref<!tpu.dma_semaphore, #tpu.memory_space<semaphore_mem>>)
      %dma_wait3A = arith.constant 0 : i32
      %dma_wait3A_47 = tpu.memref_slice %arg3[%arg0, %mul3A_42, %dma_wait3A] : memref<2x10240x16xf32, #tpu.memory_space<hbm>> -> memref<1x640x16xf32, #tpu.memory_space<hbm>>
      %dma_wait3A_48 = tpu.memref_squeeze %dma_wait3A_47 : memref<1x640x16xf32, #tpu.memory_space<hbm>> -> memref<640x16xf32, #tpu.memory_space<hbm>>
      %dma_wait3A_49 = arith.constant 0 : i32
      %dma_wait3A_50 = tpu.memref_slice %arg4[%mul3A_40, %dma_wait3A_49] : memref<10240x16xf32, #tpu.memory_space<vmem_shared>> -> memref<640x16xf32, #tpu.memory_space<vmem_shared>>
      tpu.wait_dma2 semaphore(%run_scoped3A : memref<!tpu.dma_semaphore, #tpu.memory_space<semaphore_mem>>) src(%dma_wait3A_50 : memref<640x16xf32, #tpu.memory_space<vmem_shared>>) dst(%dma_wait3A_48 : memref<640x16xf32, #tpu.memory_space<hbm>>)
      tpu.yield
    }) : () -> ()
    return
  }
}

#map = affine_map<(d0, d1) -> (0, 0, 0)>
#map1 = affine_map<(d0, d1) -> (0, 0)>
module attributes {stable_mosaic.version = 14 : i64} {
  func.func @final_kernel(%arg0: i32, %arg1: i32, %arg2: memref<2x10240x16xf32, #tpu.memory_space<hbm>>, %arg3: memref<2x10240x16xf32, #tpu.memory_space<hbm>>, %arg4: memref<10000x16xf32, #tpu.memory_space<hbm>>, %arg5: memref<8x16xf32, #tpu.memory_space<hbm>>, %arg6: memref<10240x16xf32, #tpu.memory_space<hbm>>, %arg7: memref<320x16xf32, #tpu.memory_space<vmem>>, %arg8: memref<320x16xf32, #tpu.memory_space<vmem>>, %arg9: memref<320x16xf32, #tpu.memory_space<vmem>>, %arg10: memref<320x16xf32, #tpu.memory_space<vmem>>, %arg11: memref<320x16xf32, #tpu.memory_space<vmem>>, %arg12: memref<320x16xf32, #tpu.memory_space<vmem>>, %arg13: memref<8x16xf32, #tpu.memory_space<vmem>>) attributes {dimension_semantics = [#tpu.dimension_semantics<core_parallel>, #tpu.dimension_semantics<subcore_parallel>], iteration_bounds = array<i64: 2, 16>, scalar_prefetch = 0 : i64, scratch_operands = 7 : i64, tpu.core_type = #tpu.core_type<sc_vector_subcore>, window_params = [{transform_indices = #map}, {transform_indices = #map}, {transform_indices = #map1}, {transform_indices = #map1}, {transform_indices = #map1}]} {
    %mul3A = arith.constant 2 : i32
    %mul3A_0 = arith.muli %arg1, %mul3A : i32
    %add3A = arith.addi %mul3A_0, %arg0 : i32
    %mul3A_1 = arith.constant 320 : i32
    %mul3A_2 = arith.muli %add3A, %mul3A_1 : i32
    %run_scoped3A = arith.constant 0 : i32
    "tpu.region"() ({
      %run_scoped3A_15 = tpu.sem_alloc : memref<!tpu.dma_semaphore, #tpu.memory_space<semaphore_mem>>
      %dma_start3A = arith.constant 0 : i32
      %dma_start3A_16 = arith.constant 0 : i32
      %dma_start3A_17 = tpu.memref_slice %arg2[%run_scoped3A, %dma_start3A, %dma_start3A_16] : memref<2x10240x16xf32, #tpu.memory_space<hbm>> -> memref<1x10240x16xf32, #tpu.memory_space<hbm>>
      %dma_start3A_18 = tpu.memref_squeeze %dma_start3A_17 : memref<1x10240x16xf32, #tpu.memory_space<hbm>> -> memref<10240x16xf32, #tpu.memory_space<hbm>>
      %dma_start3A_19 = arith.constant 0 : i32
      %dma_start3A_20 = tpu.memref_slice %dma_start3A_18[%mul3A_2, %dma_start3A_19] : memref<10240x16xf32, #tpu.memory_space<hbm>> -> memref<320x16xf32, #tpu.memory_space<hbm>>
      %dma_start3A_21 = arith.constant 0 : i32
      %dma_start3A_22 = arith.constant 0 : i32
      %dma_start3A_23 = tpu.memref_slice %arg2[%run_scoped3A, %dma_start3A_21, %dma_start3A_22] : memref<2x10240x16xf32, #tpu.memory_space<hbm>> -> memref<1x10240x16xf32, #tpu.memory_space<hbm>>
      %dma_start3A_24 = tpu.memref_squeeze %dma_start3A_23 : memref<1x10240x16xf32, #tpu.memory_space<hbm>> -> memref<10240x16xf32, #tpu.memory_space<hbm>>
      %dma_start3A_25 = arith.constant 0 : i32
      %dma_start3A_26 = tpu.memref_slice %dma_start3A_24[%mul3A_2, %dma_start3A_25] : memref<10240x16xf32, #tpu.memory_space<hbm>> -> memref<320x16xf32, #tpu.memory_space<hbm>>
      tpu.enqueue_dma source(%dma_start3A_26 : memref<320x16xf32, #tpu.memory_space<hbm>>) target(%arg7 : memref<320x16xf32, #tpu.memory_space<vmem>>) target_semaphore(%run_scoped3A_15 : memref<!tpu.dma_semaphore, #tpu.memory_space<semaphore_mem>>)
      %dma_wait3A = arith.constant 0 : i32
      %dma_wait3A_27 = arith.constant 0 : i32
      %dma_wait3A_28 = tpu.memref_slice %arg2[%run_scoped3A, %dma_wait3A, %dma_wait3A_27] : memref<2x10240x16xf32, #tpu.memory_space<hbm>> -> memref<1x10240x16xf32, #tpu.memory_space<hbm>>
      %dma_wait3A_29 = tpu.memref_squeeze %dma_wait3A_28 : memref<1x10240x16xf32, #tpu.memory_space<hbm>> -> memref<10240x16xf32, #tpu.memory_space<hbm>>
      %dma_wait3A_30 = arith.constant 0 : i32
      %dma_wait3A_31 = tpu.memref_slice %dma_wait3A_29[%mul3A_2, %dma_wait3A_30] : memref<10240x16xf32, #tpu.memory_space<hbm>> -> memref<320x16xf32, #tpu.memory_space<hbm>>
      %dma_wait3A_32 = arith.constant 0 : i32
      %dma_wait3A_33 = arith.constant 0 : i32
      %dma_wait3A_34 = tpu.memref_slice %arg2[%run_scoped3A, %dma_wait3A_32, %dma_wait3A_33] : memref<2x10240x16xf32, #tpu.memory_space<hbm>> -> memref<1x10240x16xf32, #tpu.memory_space<hbm>>
      %dma_wait3A_35 = tpu.memref_squeeze %dma_wait3A_34 : memref<1x10240x16xf32, #tpu.memory_space<hbm>> -> memref<10240x16xf32, #tpu.memory_space<hbm>>
      %dma_wait3A_36 = arith.constant 0 : i32
      %dma_wait3A_37 = tpu.memref_slice %dma_wait3A_35[%mul3A_2, %dma_wait3A_36] : memref<10240x16xf32, #tpu.memory_space<hbm>> -> memref<320x16xf32, #tpu.memory_space<hbm>>
      tpu.wait_dma2 semaphore(%run_scoped3A_15 : memref<!tpu.dma_semaphore, #tpu.memory_space<semaphore_mem>>) src(%dma_wait3A_37 : memref<320x16xf32, #tpu.memory_space<hbm>>) dst(%arg7 : memref<320x16xf32, #tpu.memory_space<vmem>>)
      tpu.yield
    }) : () -> ()
    %run_scoped3A_3 = arith.constant 1 : i32
    "tpu.region"() ({
      %run_scoped3A_15 = tpu.sem_alloc : memref<!tpu.dma_semaphore, #tpu.memory_space<semaphore_mem>>
      %dma_start3A = arith.constant 0 : i32
      %dma_start3A_16 = arith.constant 0 : i32
      %dma_start3A_17 = tpu.memref_slice %arg2[%run_scoped3A_3, %dma_start3A, %dma_start3A_16] : memref<2x10240x16xf32, #tpu.memory_space<hbm>> -> memref<1x10240x16xf32, #tpu.memory_space<hbm>>
      %dma_start3A_18 = tpu.memref_squeeze %dma_start3A_17 : memref<1x10240x16xf32, #tpu.memory_space<hbm>> -> memref<10240x16xf32, #tpu.memory_space<hbm>>
      %dma_start3A_19 = arith.constant 0 : i32
      %dma_start3A_20 = tpu.memref_slice %dma_start3A_18[%mul3A_2, %dma_start3A_19] : memref<10240x16xf32, #tpu.memory_space<hbm>> -> memref<320x16xf32, #tpu.memory_space<hbm>>
      %dma_start3A_21 = arith.constant 0 : i32
      %dma_start3A_22 = arith.constant 0 : i32
      %dma_start3A_23 = tpu.memref_slice %arg2[%run_scoped3A_3, %dma_start3A_21, %dma_start3A_22] : memref<2x10240x16xf32, #tpu.memory_space<hbm>> -> memref<1x10240x16xf32, #tpu.memory_space<hbm>>
      %dma_start3A_24 = tpu.memref_squeeze %dma_start3A_23 : memref<1x10240x16xf32, #tpu.memory_space<hbm>> -> memref<10240x16xf32, #tpu.memory_space<hbm>>
      %dma_start3A_25 = arith.constant 0 : i32
      %dma_start3A_26 = tpu.memref_slice %dma_start3A_24[%mul3A_2, %dma_start3A_25] : memref<10240x16xf32, #tpu.memory_space<hbm>> -> memref<320x16xf32, #tpu.memory_space<hbm>>
      tpu.enqueue_dma source(%dma_start3A_26 : memref<320x16xf32, #tpu.memory_space<hbm>>) target(%arg8 : memref<320x16xf32, #tpu.memory_space<vmem>>) target_semaphore(%run_scoped3A_15 : memref<!tpu.dma_semaphore, #tpu.memory_space<semaphore_mem>>)
      %dma_wait3A = arith.constant 0 : i32
      %dma_wait3A_27 = arith.constant 0 : i32
      %dma_wait3A_28 = tpu.memref_slice %arg2[%run_scoped3A_3, %dma_wait3A, %dma_wait3A_27] : memref<2x10240x16xf32, #tpu.memory_space<hbm>> -> memref<1x10240x16xf32, #tpu.memory_space<hbm>>
      %dma_wait3A_29 = tpu.memref_squeeze %dma_wait3A_28 : memref<1x10240x16xf32, #tpu.memory_space<hbm>> -> memref<10240x16xf32, #tpu.memory_space<hbm>>
      %dma_wait3A_30 = arith.constant 0 : i32
      %dma_wait3A_31 = tpu.memref_slice %dma_wait3A_29[%mul3A_2, %dma_wait3A_30] : memref<10240x16xf32, #tpu.memory_space<hbm>> -> memref<320x16xf32, #tpu.memory_space<hbm>>
      %dma_wait3A_32 = arith.constant 0 : i32
      %dma_wait3A_33 = arith.constant 0 : i32
      %dma_wait3A_34 = tpu.memref_slice %arg2[%run_scoped3A_3, %dma_wait3A_32, %dma_wait3A_33] : memref<2x10240x16xf32, #tpu.memory_space<hbm>> -> memref<1x10240x16xf32, #tpu.memory_space<hbm>>
      %dma_wait3A_35 = tpu.memref_squeeze %dma_wait3A_34 : memref<1x10240x16xf32, #tpu.memory_space<hbm>> -> memref<10240x16xf32, #tpu.memory_space<hbm>>
      %dma_wait3A_36 = arith.constant 0 : i32
      %dma_wait3A_37 = tpu.memref_slice %dma_wait3A_35[%mul3A_2, %dma_wait3A_36] : memref<10240x16xf32, #tpu.memory_space<hbm>> -> memref<320x16xf32, #tpu.memory_space<hbm>>
      tpu.wait_dma2 semaphore(%run_scoped3A_15 : memref<!tpu.dma_semaphore, #tpu.memory_space<semaphore_mem>>) src(%dma_wait3A_37 : memref<320x16xf32, #tpu.memory_space<hbm>>) dst(%arg8 : memref<320x16xf32, #tpu.memory_space<vmem>>)
      tpu.yield
    }) : () -> ()
    %run_scoped3A_4 = arith.constant 0 : i32
    "tpu.region"() ({
      %run_scoped3A_15 = tpu.sem_alloc : memref<!tpu.dma_semaphore, #tpu.memory_space<semaphore_mem>>
      %dma_start3A = arith.constant 0 : i32
      %dma_start3A_16 = arith.constant 0 : i32
      %dma_start3A_17 = tpu.memref_slice %arg3[%run_scoped3A_4, %dma_start3A, %dma_start3A_16] : memref<2x10240x16xf32, #tpu.memory_space<hbm>> -> memref<1x10240x16xf32, #tpu.memory_space<hbm>>
      %dma_start3A_18 = tpu.memref_squeeze %dma_start3A_17 : memref<1x10240x16xf32, #tpu.memory_space<hbm>> -> memref<10240x16xf32, #tpu.memory_space<hbm>>
      %dma_start3A_19 = arith.constant 0 : i32
      %dma_start3A_20 = tpu.memref_slice %dma_start3A_18[%mul3A_2, %dma_start3A_19] : memref<10240x16xf32, #tpu.memory_space<hbm>> -> memref<320x16xf32, #tpu.memory_space<hbm>>
      %dma_start3A_21 = arith.constant 0 : i32
      %dma_start3A_22 = arith.constant 0 : i32
      %dma_start3A_23 = tpu.memref_slice %arg3[%run_scoped3A_4, %dma_start3A_21, %dma_start3A_22] : memref<2x10240x16xf32, #tpu.memory_space<hbm>> -> memref<1x10240x16xf32, #tpu.memory_space<hbm>>
      %dma_start3A_24 = tpu.memref_squeeze %dma_start3A_23 : memref<1x10240x16xf32, #tpu.memory_space<hbm>> -> memref<10240x16xf32, #tpu.memory_space<hbm>>
      %dma_start3A_25 = arith.constant 0 : i32
      %dma_start3A_26 = tpu.memref_slice %dma_start3A_24[%mul3A_2, %dma_start3A_25] : memref<10240x16xf32, #tpu.memory_space<hbm>> -> memref<320x16xf32, #tpu.memory_space<hbm>>
      tpu.enqueue_dma source(%dma_start3A_26 : memref<320x16xf32, #tpu.memory_space<hbm>>) target(%arg9 : memref<320x16xf32, #tpu.memory_space<vmem>>) target_semaphore(%run_scoped3A_15 : memref<!tpu.dma_semaphore, #tpu.memory_space<semaphore_mem>>)
      %dma_wait3A = arith.constant 0 : i32
      %dma_wait3A_27 = arith.constant 0 : i32
      %dma_wait3A_28 = tpu.memref_slice %arg3[%run_scoped3A_4, %dma_wait3A, %dma_wait3A_27] : memref<2x10240x16xf32, #tpu.memory_space<hbm>> -> memref<1x10240x16xf32, #tpu.memory_space<hbm>>
      %dma_wait3A_29 = tpu.memref_squeeze %dma_wait3A_28 : memref<1x10240x16xf32, #tpu.memory_space<hbm>> -> memref<10240x16xf32, #tpu.memory_space<hbm>>
      %dma_wait3A_30 = arith.constant 0 : i32
      %dma_wait3A_31 = tpu.memref_slice %dma_wait3A_29[%mul3A_2, %dma_wait3A_30] : memref<10240x16xf32, #tpu.memory_space<hbm>> -> memref<320x16xf32, #tpu.memory_space<hbm>>
      %dma_wait3A_32 = arith.constant 0 : i32
      %dma_wait3A_33 = arith.constant 0 : i32
      %dma_wait3A_34 = tpu.memref_slice %arg3[%run_scoped3A_4, %dma_wait3A_32, %dma_wait3A_33] : memref<2x10240x16xf32, #tpu.memory_space<hbm>> -> memref<1x10240x16xf32, #tpu.memory_space<hbm>>
      %dma_wait3A_35 = tpu.memref_squeeze %dma_wait3A_34 : memref<1x10240x16xf32, #tpu.memory_space<hbm>> -> memref<10240x16xf32, #tpu.memory_space<hbm>>
      %dma_wait3A_36 = arith.constant 0 : i32
      %dma_wait3A_37 = tpu.memref_slice %dma_wait3A_35[%mul3A_2, %dma_wait3A_36] : memref<10240x16xf32, #tpu.memory_space<hbm>> -> memref<320x16xf32, #tpu.memory_space<hbm>>
      tpu.wait_dma2 semaphore(%run_scoped3A_15 : memref<!tpu.dma_semaphore, #tpu.memory_space<semaphore_mem>>) src(%dma_wait3A_37 : memref<320x16xf32, #tpu.memory_space<hbm>>) dst(%arg9 : memref<320x16xf32, #tpu.memory_space<vmem>>)
      tpu.yield
    }) : () -> ()
    %run_scoped3A_5 = arith.constant 1 : i32
    "tpu.region"() ({
      %run_scoped3A_15 = tpu.sem_alloc : memref<!tpu.dma_semaphore, #tpu.memory_space<semaphore_mem>>
      %dma_start3A = arith.constant 0 : i32
      %dma_start3A_16 = arith.constant 0 : i32
      %dma_start3A_17 = tpu.memref_slice %arg3[%run_scoped3A_5, %dma_start3A, %dma_start3A_16] : memref<2x10240x16xf32, #tpu.memory_space<hbm>> -> memref<1x10240x16xf32, #tpu.memory_space<hbm>>
      %dma_start3A_18 = tpu.memref_squeeze %dma_start3A_17 : memref<1x10240x16xf32, #tpu.memory_space<hbm>> -> memref<10240x16xf32, #tpu.memory_space<hbm>>
      %dma_start3A_19 = arith.constant 0 : i32
      %dma_start3A_20 = tpu.memref_slice %dma_start3A_18[%mul3A_2, %dma_start3A_19] : memref<10240x16xf32, #tpu.memory_space<hbm>> -> memref<320x16xf32, #tpu.memory_space<hbm>>
      %dma_start3A_21 = arith.constant 0 : i32
      %dma_start3A_22 = arith.constant 0 : i32
      %dma_start3A_23 = tpu.memref_slice %arg3[%run_scoped3A_5, %dma_start3A_21, %dma_start3A_22] : memref<2x10240x16xf32, #tpu.memory_space<hbm>> -> memref<1x10240x16xf32, #tpu.memory_space<hbm>>
      %dma_start3A_24 = tpu.memref_squeeze %dma_start3A_23 : memref<1x10240x16xf32, #tpu.memory_space<hbm>> -> memref<10240x16xf32, #tpu.memory_space<hbm>>
      %dma_start3A_25 = arith.constant 0 : i32
      %dma_start3A_26 = tpu.memref_slice %dma_start3A_24[%mul3A_2, %dma_start3A_25] : memref<10240x16xf32, #tpu.memory_space<hbm>> -> memref<320x16xf32, #tpu.memory_space<hbm>>
      tpu.enqueue_dma source(%dma_start3A_26 : memref<320x16xf32, #tpu.memory_space<hbm>>) target(%arg10 : memref<320x16xf32, #tpu.memory_space<vmem>>) target_semaphore(%run_scoped3A_15 : memref<!tpu.dma_semaphore, #tpu.memory_space<semaphore_mem>>)
      %dma_wait3A = arith.constant 0 : i32
      %dma_wait3A_27 = arith.constant 0 : i32
      %dma_wait3A_28 = tpu.memref_slice %arg3[%run_scoped3A_5, %dma_wait3A, %dma_wait3A_27] : memref<2x10240x16xf32, #tpu.memory_space<hbm>> -> memref<1x10240x16xf32, #tpu.memory_space<hbm>>
      %dma_wait3A_29 = tpu.memref_squeeze %dma_wait3A_28 : memref<1x10240x16xf32, #tpu.memory_space<hbm>> -> memref<10240x16xf32, #tpu.memory_space<hbm>>
      %dma_wait3A_30 = arith.constant 0 : i32
      %dma_wait3A_31 = tpu.memref_slice %dma_wait3A_29[%mul3A_2, %dma_wait3A_30] : memref<10240x16xf32, #tpu.memory_space<hbm>> -> memref<320x16xf32, #tpu.memory_space<hbm>>
      %dma_wait3A_32 = arith.constant 0 : i32
      %dma_wait3A_33 = arith.constant 0 : i32
      %dma_wait3A_34 = tpu.memref_slice %arg3[%run_scoped3A_5, %dma_wait3A_32, %dma_wait3A_33] : memref<2x10240x16xf32, #tpu.memory_space<hbm>> -> memref<1x10240x16xf32, #tpu.memory_space<hbm>>
      %dma_wait3A_35 = tpu.memref_squeeze %dma_wait3A_34 : memref<1x10240x16xf32, #tpu.memory_space<hbm>> -> memref<10240x16xf32, #tpu.memory_space<hbm>>
      %dma_wait3A_36 = arith.constant 0 : i32
      %dma_wait3A_37 = tpu.memref_slice %dma_wait3A_35[%mul3A_2, %dma_wait3A_36] : memref<10240x16xf32, #tpu.memory_space<hbm>> -> memref<320x16xf32, #tpu.memory_space<hbm>>
      tpu.wait_dma2 semaphore(%run_scoped3A_15 : memref<!tpu.dma_semaphore, #tpu.memory_space<semaphore_mem>>) src(%dma_wait3A_37 : memref<320x16xf32, #tpu.memory_space<hbm>>) dst(%arg10 : memref<320x16xf32, #tpu.memory_space<vmem>>)
      tpu.yield
    }) : () -> ()
    "tpu.region"() ({
      %run_scoped3A_15 = tpu.sem_alloc : memref<!tpu.dma_semaphore, #tpu.memory_space<semaphore_mem>>
      %dma_start3A = arith.constant 0 : i32
      %dma_start3A_16 = tpu.memref_slice %arg4[%mul3A_2, %dma_start3A] : memref<10000x16xf32, #tpu.memory_space<hbm>> -> memref<320x16xf32, #tpu.memory_space<hbm>>
      %dma_start3A_17 = arith.constant 0 : i32
      %dma_start3A_18 = tpu.memref_slice %arg4[%mul3A_2, %dma_start3A_17] : memref<10000x16xf32, #tpu.memory_space<hbm>> -> memref<320x16xf32, #tpu.memory_space<hbm>>
      tpu.enqueue_dma source(%dma_start3A_18 : memref<320x16xf32, #tpu.memory_space<hbm>>) target(%arg11 : memref<320x16xf32, #tpu.memory_space<vmem>>) target_semaphore(%run_scoped3A_15 : memref<!tpu.dma_semaphore, #tpu.memory_space<semaphore_mem>>)
      %dma_wait3A = arith.constant 0 : i32
      %dma_wait3A_19 = tpu.memref_slice %arg4[%mul3A_2, %dma_wait3A] : memref<10000x16xf32, #tpu.memory_space<hbm>> -> memref<320x16xf32, #tpu.memory_space<hbm>>
      %dma_wait3A_20 = arith.constant 0 : i32
      %dma_wait3A_21 = tpu.memref_slice %arg4[%mul3A_2, %dma_wait3A_20] : memref<10000x16xf32, #tpu.memory_space<hbm>> -> memref<320x16xf32, #tpu.memory_space<hbm>>
      tpu.wait_dma2 semaphore(%run_scoped3A_15 : memref<!tpu.dma_semaphore, #tpu.memory_space<semaphore_mem>>) src(%dma_wait3A_21 : memref<320x16xf32, #tpu.memory_space<hbm>>) dst(%arg11 : memref<320x16xf32, #tpu.memory_space<vmem>>)
      tpu.yield
    }) : () -> ()
    "tpu.region"() ({
      %run_scoped3A_15 = tpu.sem_alloc : memref<!tpu.dma_semaphore, #tpu.memory_space<semaphore_mem>>
      %dma_start3A = arith.constant 0 : i32
      %dma_start3A_16 = arith.constant 0 : i32
      %dma_start3A_17 = tpu.memref_slice %arg5[%dma_start3A, %dma_start3A_16] : memref<8x16xf32, #tpu.memory_space<hbm>> -> memref<8x16xf32, #tpu.memory_space<hbm>>
      %dma_start3A_18 = arith.constant 0 : i32
      %dma_start3A_19 = arith.constant 0 : i32
      %dma_start3A_20 = tpu.memref_slice %arg5[%dma_start3A_18, %dma_start3A_19] : memref<8x16xf32, #tpu.memory_space<hbm>> -> memref<8x16xf32, #tpu.memory_space<hbm>>
      tpu.enqueue_dma source(%dma_start3A_20 : memref<8x16xf32, #tpu.memory_space<hbm>>) target(%arg13 : memref<8x16xf32, #tpu.memory_space<vmem>>) target_semaphore(%run_scoped3A_15 : memref<!tpu.dma_semaphore, #tpu.memory_space<semaphore_mem>>)
      %dma_wait3A = arith.constant 0 : i32
      %dma_wait3A_21 = arith.constant 0 : i32
      %dma_wait3A_22 = tpu.memref_slice %arg5[%dma_wait3A, %dma_wait3A_21] : memref<8x16xf32, #tpu.memory_space<hbm>> -> memref<8x16xf32, #tpu.memory_space<hbm>>
      %dma_wait3A_23 = arith.constant 0 : i32
      %dma_wait3A_24 = arith.constant 0 : i32
      %dma_wait3A_25 = tpu.memref_slice %arg5[%dma_wait3A_23, %dma_wait3A_24] : memref<8x16xf32, #tpu.memory_space<hbm>> -> memref<8x16xf32, #tpu.memory_space<hbm>>
      tpu.wait_dma2 semaphore(%run_scoped3A_15 : memref<!tpu.dma_semaphore, #tpu.memory_space<semaphore_mem>>) src(%dma_wait3A_25 : memref<8x16xf32, #tpu.memory_space<hbm>>) dst(%arg13 : memref<8x16xf32, #tpu.memory_space<vmem>>)
      tpu.yield
    }) : () -> ()
    %get3A = arith.constant 0 : i32
    %get3A_6 = arith.index_cast %get3A : i32 to index
    %get3A_7 = arith.constant 0 : index
    %get3A_8 = tpu.vector_load %arg13[%get3A_6, %get3A_7] {strides = array<i32>} : memref<8x16xf32, #tpu.memory_space<vmem>>, vector<16xf32>,
    %scan3A = arith.constant 0 : i32
    %scan3A_9 = arith.constant 0 : i32
    %scan3A_10 = arith.constant 320 : i32
    %scan3A_11 = arith.addi %scan3A_9, %scan3A_10 : i32
    %scan3A_12 = arith.constant 1 : i32
    %scan3A_13 = scf.for %scan3A_15 = %scan3A_9 to %scan3A_11 step %scan3A_12 iter_args(%scan3A_16 = %scan3A) -> (i32)  : i32 {
      %get3A_17 = arith.index_cast %scan3A_15 : i32 to index
      %get3A_18 = arith.constant 0 : index
      %get3A_19 = tpu.vector_load %arg7[%get3A_17, %get3A_18] {strides = array<i32>} : memref<320x16xf32, #tpu.memory_space<vmem>>, vector<16xf32>,
      %get3A_20 = arith.index_cast %scan3A_15 : i32 to index
      %get3A_21 = arith.constant 0 : index
      %get3A_22 = tpu.vector_load %arg8[%get3A_20, %get3A_21] {strides = array<i32>} : memref<320x16xf32, #tpu.memory_space<vmem>>, vector<16xf32>,
      %add3A_23 = arith.addf %get3A_19, %get3A_22 : vector<16xf32>
      %add3A_24 = arith.constant 1.000000e+00 : f32
      %add3A_25 = vector.broadcast %add3A_24 : f32 to vector<16xf32>
      %add3A_26 = arith.addf %add3A_23, %add3A_25 : vector<16xf32>
      %bitcast3A = vector.bitcast %add3A_26 : vector<16xf32> to vector<16xi32>
      %shift_right_logical3A = arith.constant 1 : i32
      %shift_right_logical3A_27 = vector.broadcast %shift_right_logical3A : i32 to vector<16xi32>
      %shift_right_logical3A_28 = arith.shrui %bitcast3A, %shift_right_logical3A_27 : vector<16xi32>
      %sub3A = arith.constant 1597463007 : i32
      %sub3A_29 = vector.broadcast %sub3A : i32 to vector<16xi32>
      %sub3A_30 = arith.subi %sub3A_29, %shift_right_logical3A_28 : vector<16xi32>
      %bitcast3A_31 = vector.bitcast %sub3A_30 : vector<16xi32> to vector<16xf32>
      %mul3A_32 = arith.constant 5.000000e-01 : f32
      %mul3A_33 = vector.broadcast %mul3A_32 : f32 to vector<16xf32>
      %mul3A_34 = arith.mulf %mul3A_33, %add3A_26 : vector<16xf32>
      %mul3A_35 = arith.mulf %mul3A_34, %bitcast3A_31 : vector<16xf32>
      %mul3A_36 = arith.mulf %mul3A_35, %bitcast3A_31 : vector<16xf32>
      %sub3A_37 = arith.constant 1.500000e+00 : f32
      %sub3A_38 = vector.broadcast %sub3A_37 : f32 to vector<16xf32>
      %sub3A_39 = arith.subf %sub3A_38, %mul3A_36 : vector<16xf32>
      %mul3A_40 = arith.mulf %bitcast3A_31, %sub3A_39 : vector<16xf32>
      %mul3A_41 = arith.constant 5.000000e-01 : f32
      %mul3A_42 = vector.broadcast %mul3A_41 : f32 to vector<16xf32>
      %mul3A_43 = arith.mulf %mul3A_42, %add3A_26 : vector<16xf32>
      %mul3A_44 = arith.mulf %mul3A_43, %mul3A_40 : vector<16xf32>
      %mul3A_45 = arith.mulf %mul3A_44, %mul3A_40 : vector<16xf32>
      %sub3A_46 = arith.constant 1.500000e+00 : f32
      %sub3A_47 = vector.broadcast %sub3A_46 : f32 to vector<16xf32>
      %sub3A_48 = arith.subf %sub3A_47, %mul3A_45 : vector<16xf32>
      %mul3A_49 = arith.mulf %mul3A_40, %sub3A_48 : vector<16xf32>
      %mul3A_50 = arith.constant 5.000000e-01 : f32
      %mul3A_51 = vector.broadcast %mul3A_50 : f32 to vector<16xf32>
      %mul3A_52 = arith.mulf %mul3A_51, %add3A_26 : vector<16xf32>
      %mul3A_53 = arith.mulf %mul3A_52, %mul3A_49 : vector<16xf32>
      %mul3A_54 = arith.mulf %mul3A_53, %mul3A_49 : vector<16xf32>
      %sub3A_55 = arith.constant 1.500000e+00 : f32
      %sub3A_56 = vector.broadcast %sub3A_55 : f32 to vector<16xf32>
      %sub3A_57 = arith.subf %sub3A_56, %mul3A_54 : vector<16xf32>
      %mul3A_58 = arith.mulf %mul3A_49, %sub3A_57 : vector<16xf32>
      %get3A_59 = arith.index_cast %scan3A_15 : i32 to index
      %get3A_60 = arith.constant 0 : index
      %get3A_61 = tpu.vector_load %arg9[%get3A_59, %get3A_60] {strides = array<i32>} : memref<320x16xf32, #tpu.memory_space<vmem>>, vector<16xf32>,
      %get3A_62 = arith.index_cast %scan3A_15 : i32 to index
      %get3A_63 = arith.constant 0 : index
      %get3A_64 = tpu.vector_load %arg10[%get3A_62, %get3A_63] {strides = array<i32>} : memref<320x16xf32, #tpu.memory_space<vmem>>, vector<16xf32>,
      %add3A_65 = arith.addf %get3A_61, %get3A_64 : vector<16xf32>
      %get3A_66 = arith.index_cast %scan3A_15 : i32 to index
      %get3A_67 = arith.constant 0 : index
      %get3A_68 = tpu.vector_load %arg11[%get3A_66, %get3A_67] {strides = array<i32>} : memref<320x16xf32, #tpu.memory_space<vmem>>, vector<16xf32>,
      %add3A_69 = arith.addf %add3A_65, %get3A_68 : vector<16xf32>
      %mul3A_70 = arith.mulf %mul3A_58, %add3A_69 : vector<16xf32>
      %add3A_71 = arith.addf %mul3A_70, %get3A_8 : vector<16xf32>
      %swap3A = arith.index_cast %scan3A_15 : i32 to index
      %swap3A_72 = arith.constant 0 : index
      %swap3A_73 = tpu.vector_load %arg12[%swap3A, %swap3A_72] {strides = array<i32>} : memref<320x16xf32, #tpu.memory_space<vmem>>, vector<16xf32>,
      tpu.vector_store %arg12[%swap3A, %swap3A_72], %add3A_71 {strides = array<i32>} : memref<320x16xf32, #tpu.memory_space<vmem>>, vector<16xf32>,
      %scan3A_74 = arith.constant 0 : i32
      scf.yield %scan3A_74 : i32
    }
    %scan3A_14 = arith.constant 320 : i32
    "tpu.region"() ({
      %run_scoped3A_15 = tpu.sem_alloc : memref<!tpu.dma_semaphore, #tpu.memory_space<semaphore_mem>>
      %dma_start3A = arith.constant 0 : i32
      %dma_start3A_16 = tpu.memref_slice %arg6[%mul3A_2, %dma_start3A] : memref<10240x16xf32, #tpu.memory_space<hbm>> -> memref<320x16xf32, #tpu.memory_space<hbm>>
      %dma_start3A_17 = arith.constant 0 : i32
      %dma_start3A_18 = tpu.memref_slice %arg6[%mul3A_2, %dma_start3A_17] : memref<10240x16xf32, #tpu.memory_space<hbm>> -> memref<320x16xf32, #tpu.memory_space<hbm>>
      tpu.enqueue_dma source(%arg12 : memref<320x16xf32, #tpu.memory_space<vmem>>) target(%dma_start3A_18 : memref<320x16xf32, #tpu.memory_space<hbm>>) target_semaphore(%run_scoped3A_15 : memref<!tpu.dma_semaphore, #tpu.memory_space<semaphore_mem>>)
      %dma_wait3A = arith.constant 0 : i32
      %dma_wait3A_19 = tpu.memref_slice %arg6[%mul3A_2, %dma_wait3A] : memref<10240x16xf32, #tpu.memory_space<hbm>> -> memref<320x16xf32, #tpu.memory_space<hbm>>
      %dma_wait3A_20 = arith.constant 0 : i32
      %dma_wait3A_21 = tpu.memref_slice %arg6[%mul3A_2, %dma_wait3A_20] : memref<10240x16xf32, #tpu.memory_space<hbm>> -> memref<320x16xf32, #tpu.memory_space<hbm>>
      tpu.wait_dma2 semaphore(%run_scoped3A_15 : memref<!tpu.dma_semaphore, #tpu.memory_space<semaphore_mem>>) src(%arg12 : memref<320x16xf32, #tpu.memory_space<vmem>>) dst(%dma_wait3A_21 : memref<320x16xf32, #tpu.memory_space<hbm>>)
      tpu.yield
    }) : () -> ()
    return
  }
}

#map = affine_map<(d0, d1) -> (0, 0)>
#map1 = affine_map<(d0, d1) -> (0, 0, 0)>
module attributes {stable_mosaic.version = 14 : i64} {
  func.func @mp16_kernel(%arg0: i32, %arg1: i32, %arg2: memref<10000x16xf32, #tpu.memory_space<hbm>>, %arg3: memref<1344x128xi32, #tpu.memory_space<hbm>>, %arg4: memref<1344x128xi32, #tpu.memory_space<hbm>>, %arg5: memref<2x10240x16xf32, #tpu.memory_space<hbm>>, %arg6: memref<10240x16xf32, #tpu.memory_space<vmem_shared>>, %arg7: memref<42x128xi32, #tpu.memory_space<vmem>>, %arg8: memref<42x128xi32, #tpu.memory_space<vmem>>, %arg9: memref<128x16xf32, #tpu.memory_space<vmem>>, %arg10: memref<128x16xf32, #tpu.memory_space<vmem>>, %arg11: memref<!tpu.dma_semaphore, #tpu.memory_space<semaphore_mem>>, %arg12: memref<!tpu.dma_semaphore, #tpu.memory_space<semaphore_mem>>) attributes {dimension_semantics = [#tpu.dimension_semantics<core_parallel>, #tpu.dimension_semantics<subcore_parallel>], iteration_bounds = array<i64: 2, 16>, scalar_prefetch = 0 : i64, scratch_operands = 7 : i64, tpu.core_type = #tpu.core_type<sc_vector_subcore>, window_params = [{transform_indices = #map}, {transform_indices = #map}, {transform_indices = #map}, {transform_indices = #map1}]} {
    %mul3A = arith.constant 2 : i32
    %mul3A_0 = arith.muli %arg1, %mul3A : i32
    %add3A = arith.addi %mul3A_0, %arg0 : i32
    %broadcast_in_dim3A = arith.constant 0.000000e+00 : f32
    %broadcast_in_dim3A_1 = vector.broadcast %broadcast_in_dim3A : f32 to vector<16xf32>
    %scan3A = arith.constant 0 : i32
    %scan3A_2 = arith.constant 0 : i32
    %scan3A_3 = arith.constant 128 : i32
    %scan3A_4 = arith.addi %scan3A_2, %scan3A_3 : i32
    %scan3A_5 = arith.constant 1 : i32
    %scan3A_6 = scf.for %scan3A_49 = %scan3A_2 to %scan3A_4 step %scan3A_5 iter_args(%scan3A_50 = %scan3A) -> (i32)  : i32 {
      %swap3A = arith.index_cast %scan3A_49 : i32 to index
      %swap3A_51 = arith.constant 0 : index
      %swap3A_52 = tpu.vector_load %arg9[%swap3A, %swap3A_51] {strides = array<i32>} : memref<128x16xf32, #tpu.memory_space<vmem>>, vector<1x16xf32>,
      %swap3A_53 = vector.shape_cast %swap3A_52 : vector<1x16xf32> to vector<16xf32>
      %swap3A_54 = vector.shape_cast %broadcast_in_dim3A_1 : vector<16xf32> to vector<1x16xf32>
      tpu.vector_store %arg9[%swap3A, %swap3A_51], %swap3A_54 {strides = array<i32>} : memref<128x16xf32, #tpu.memory_space<vmem>>, vector<1x16xf32>,
      %scan3A_55 = arith.constant 0 : i32
      scf.yield %scan3A_55 : i32
    }
    %scan3A_7 = arith.constant 128 : i32
    %mul3A_8 = arith.constant 640 : i32
    %mul3A_9 = arith.muli %arg1, %mul3A_8 : i32
    %add3A_10 = arith.constant 0 : i32
    %add3A_11 = arith.addi %mul3A_9, %add3A_10 : i32
    "tpu.region"() ({
      %run_scoped3A = tpu.sem_alloc : memref<!tpu.dma_semaphore, #tpu.memory_space<semaphore_mem>>
      %dma_start3A_49 = arith.constant 0 : i32
      %dma_start3A_50 = arith.constant 0 : i32
      %dma_start3A_51 = tpu.memref_slice %arg9[%dma_start3A_49, %dma_start3A_50] : memref<128x16xf32, #tpu.memory_space<vmem>> -> memref<128x16xf32, #tpu.memory_space<vmem>>
      %dma_start3A_52 = arith.constant 0 : i32
      %dma_start3A_53 = tpu.memref_slice %arg6[%add3A_11, %dma_start3A_52] : memref<10240x16xf32, #tpu.memory_space<vmem_shared>> -> memref<128x16xf32, #tpu.memory_space<vmem_shared>>
      %dma_start3A_54 = arith.constant 0 : i32
      %dma_start3A_55 = tpu.memref_slice %arg6[%add3A_11, %dma_start3A_54] : memref<10240x16xf32, #tpu.memory_space<vmem_shared>> -> memref<128x16xf32, #tpu.memory_space<vmem_shared>>
      %dma_start3A_56 = arith.constant 0 : i32
      %dma_start3A_57 = arith.constant 0 : i32
      %dma_start3A_58 = tpu.memref_slice %arg9[%dma_start3A_56, %dma_start3A_57] : memref<128x16xf32, #tpu.memory_space<vmem>> -> memref<128x16xf32, #tpu.memory_space<vmem>>
      tpu.enqueue_dma source(%dma_start3A_58 : memref<128x16xf32, #tpu.memory_space<vmem>>) target(%dma_start3A_55 : memref<128x16xf32, #tpu.memory_space<vmem_shared>>) target_semaphore(%run_scoped3A : memref<!tpu.dma_semaphore, #tpu.memory_space<semaphore_mem>>)
      %dma_wait3A = arith.constant 0 : i32
      %dma_wait3A_59 = arith.constant 0 : i32
      %dma_wait3A_60 = tpu.memref_slice %arg9[%dma_wait3A, %dma_wait3A_59] : memref<128x16xf32, #tpu.memory_space<vmem>> -> memref<128x16xf32, #tpu.memory_space<vmem>>
      %dma_wait3A_61 = arith.constant 0 : i32
      %dma_wait3A_62 = tpu.memref_slice %arg6[%add3A_11, %dma_wait3A_61] : memref<10240x16xf32, #tpu.memory_space<vmem_shared>> -> memref<128x16xf32, #tpu.memory_space<vmem_shared>>
      %dma_wait3A_63 = arith.constant 0 : i32
      %dma_wait3A_64 = tpu.memref_slice %arg6[%add3A_11, %dma_wait3A_63] : memref<10240x16xf32, #tpu.memory_space<vmem_shared>> -> memref<128x16xf32, #tpu.memory_space<vmem_shared>>
      %dma_wait3A_65 = arith.constant 0 : i32
      %dma_wait3A_66 = arith.constant 0 : i32
      %dma_wait3A_67 = tpu.memref_slice %arg9[%dma_wait3A_65, %dma_wait3A_66] : memref<128x16xf32, #tpu.memory_space<vmem>> -> memref<128x16xf32, #tpu.memory_space<vmem>>
      tpu.wait_dma2 semaphore(%run_scoped3A : memref<!tpu.dma_semaphore, #tpu.memory_space<semaphore_mem>>) src(%dma_wait3A_67 : memref<128x16xf32, #tpu.memory_space<vmem>>) dst(%dma_wait3A_64 : memref<128x16xf32, #tpu.memory_space<vmem_shared>>)
      tpu.yield
    }) : () -> ()
    %add3A_12 = arith.constant 128 : i32
    %add3A_13 = arith.addi %mul3A_9, %add3A_12 : i32
    "tpu.region"() ({
      %run_scoped3A = tpu.sem_alloc : memref<!tpu.dma_semaphore, #tpu.memory_space<semaphore_mem>>
      %dma_start3A_49 = arith.constant 0 : i32
      %dma_start3A_50 = arith.constant 0 : i32
      %dma_start3A_51 = tpu.memref_slice %arg9[%dma_start3A_49, %dma_start3A_50] : memref<128x16xf32, #tpu.memory_space<vmem>> -> memref<128x16xf32, #tpu.memory_space<vmem>>
      %dma_start3A_52 = arith.constant 0 : i32
      %dma_start3A_53 = tpu.memref_slice %arg6[%add3A_13, %dma_start3A_52] : memref<10240x16xf32, #tpu.memory_space<vmem_shared>> -> memref<128x16xf32, #tpu.memory_space<vmem_shared>>
      %dma_start3A_54 = arith.constant 0 : i32
      %dma_start3A_55 = tpu.memref_slice %arg6[%add3A_13, %dma_start3A_54] : memref<10240x16xf32, #tpu.memory_space<vmem_shared>> -> memref<128x16xf32, #tpu.memory_space<vmem_shared>>
      %dma_start3A_56 = arith.constant 0 : i32
      %dma_start3A_57 = arith.constant 0 : i32
      %dma_start3A_58 = tpu.memref_slice %arg9[%dma_start3A_56, %dma_start3A_57] : memref<128x16xf32, #tpu.memory_space<vmem>> -> memref<128x16xf32, #tpu.memory_space<vmem>>
      tpu.enqueue_dma source(%dma_start3A_58 : memref<128x16xf32, #tpu.memory_space<vmem>>) target(%dma_start3A_55 : memref<128x16xf32, #tpu.memory_space<vmem_shared>>) target_semaphore(%run_scoped3A : memref<!tpu.dma_semaphore, #tpu.memory_space<semaphore_mem>>)
      %dma_wait3A = arith.constant 0 : i32
      %dma_wait3A_59 = arith.constant 0 : i32
      %dma_wait3A_60 = tpu.memref_slice %arg9[%dma_wait3A, %dma_wait3A_59] : memref<128x16xf32, #tpu.memory_space<vmem>> -> memref<128x16xf32, #tpu.memory_space<vmem>>
      %dma_wait3A_61 = arith.constant 0 : i32
      %dma_wait3A_62 = tpu.memref_slice %arg6[%add3A_13, %dma_wait3A_61] : memref<10240x16xf32, #tpu.memory_space<vmem_shared>> -> memref<128x16xf32, #tpu.memory_space<vmem_shared>>
      %dma_wait3A_63 = arith.constant 0 : i32
      %dma_wait3A_64 = tpu.memref_slice %arg6[%add3A_13, %dma_wait3A_63] : memref<10240x16xf32, #tpu.memory_space<vmem_shared>> -> memref<128x16xf32, #tpu.memory_space<vmem_shared>>
      %dma_wait3A_65 = arith.constant 0 : i32
      %dma_wait3A_66 = arith.constant 0 : i32
      %dma_wait3A_67 = tpu.memref_slice %arg9[%dma_wait3A_65, %dma_wait3A_66] : memref<128x16xf32, #tpu.memory_space<vmem>> -> memref<128x16xf32, #tpu.memory_space<vmem>>
      tpu.wait_dma2 semaphore(%run_scoped3A : memref<!tpu.dma_semaphore, #tpu.memory_space<semaphore_mem>>) src(%dma_wait3A_67 : memref<128x16xf32, #tpu.memory_space<vmem>>) dst(%dma_wait3A_64 : memref<128x16xf32, #tpu.memory_space<vmem_shared>>)
      tpu.yield
    }) : () -> ()
    %add3A_14 = arith.constant 256 : i32
    %add3A_15 = arith.addi %mul3A_9, %add3A_14 : i32
    "tpu.region"() ({
      %run_scoped3A = tpu.sem_alloc : memref<!tpu.dma_semaphore, #tpu.memory_space<semaphore_mem>>
      %dma_start3A_49 = arith.constant 0 : i32
      %dma_start3A_50 = arith.constant 0 : i32
      %dma_start3A_51 = tpu.memref_slice %arg9[%dma_start3A_49, %dma_start3A_50] : memref<128x16xf32, #tpu.memory_space<vmem>> -> memref<128x16xf32, #tpu.memory_space<vmem>>
      %dma_start3A_52 = arith.constant 0 : i32
      %dma_start3A_53 = tpu.memref_slice %arg6[%add3A_15, %dma_start3A_52] : memref<10240x16xf32, #tpu.memory_space<vmem_shared>> -> memref<128x16xf32, #tpu.memory_space<vmem_shared>>
      %dma_start3A_54 = arith.constant 0 : i32
      %dma_start3A_55 = tpu.memref_slice %arg6[%add3A_15, %dma_start3A_54] : memref<10240x16xf32, #tpu.memory_space<vmem_shared>> -> memref<128x16xf32, #tpu.memory_space<vmem_shared>>
      %dma_start3A_56 = arith.constant 0 : i32
      %dma_start3A_57 = arith.constant 0 : i32
      %dma_start3A_58 = tpu.memref_slice %arg9[%dma_start3A_56, %dma_start3A_57] : memref<128x16xf32, #tpu.memory_space<vmem>> -> memref<128x16xf32, #tpu.memory_space<vmem>>
      tpu.enqueue_dma source(%dma_start3A_58 : memref<128x16xf32, #tpu.memory_space<vmem>>) target(%dma_start3A_55 : memref<128x16xf32, #tpu.memory_space<vmem_shared>>) target_semaphore(%run_scoped3A : memref<!tpu.dma_semaphore, #tpu.memory_space<semaphore_mem>>)
      %dma_wait3A = arith.constant 0 : i32
      %dma_wait3A_59 = arith.constant 0 : i32
      %dma_wait3A_60 = tpu.memref_slice %arg9[%dma_wait3A, %dma_wait3A_59] : memref<128x16xf32, #tpu.memory_space<vmem>> -> memref<128x16xf32, #tpu.memory_space<vmem>>
      %dma_wait3A_61 = arith.constant 0 : i32
      %dma_wait3A_62 = tpu.memref_slice %arg6[%add3A_15, %dma_wait3A_61] : memref<10240x16xf32, #tpu.memory_space<vmem_shared>> -> memref<128x16xf32, #tpu.memory_space<vmem_shared>>
      %dma_wait3A_63 = arith.constant 0 : i32
      %dma_wait3A_64 = tpu.memref_slice %arg6[%add3A_15, %dma_wait3A_63] : memref<10240x16xf32, #tpu.memory_space<vmem_shared>> -> memref<128x16xf32, #tpu.memory_space<vmem_shared>>
      %dma_wait3A_65 = arith.constant 0 : i32
      %dma_wait3A_66 = arith.constant 0 : i32
      %dma_wait3A_67 = tpu.memref_slice %arg9[%dma_wait3A_65, %dma_wait3A_66] : memref<128x16xf32, #tpu.memory_space<vmem>> -> memref<128x16xf32, #tpu.memory_space<vmem>>
      tpu.wait_dma2 semaphore(%run_scoped3A : memref<!tpu.dma_semaphore, #tpu.memory_space<semaphore_mem>>) src(%dma_wait3A_67 : memref<128x16xf32, #tpu.memory_space<vmem>>) dst(%dma_wait3A_64 : memref<128x16xf32, #tpu.memory_space<vmem_shared>>)
      tpu.yield
    }) : () -> ()
    %add3A_16 = arith.constant 384 : i32
    %add3A_17 = arith.addi %mul3A_9, %add3A_16 : i32
    "tpu.region"() ({
      %run_scoped3A = tpu.sem_alloc : memref<!tpu.dma_semaphore, #tpu.memory_space<semaphore_mem>>
      %dma_start3A_49 = arith.constant 0 : i32
      %dma_start3A_50 = arith.constant 0 : i32
      %dma_start3A_51 = tpu.memref_slice %arg9[%dma_start3A_49, %dma_start3A_50] : memref<128x16xf32, #tpu.memory_space<vmem>> -> memref<128x16xf32, #tpu.memory_space<vmem>>
      %dma_start3A_52 = arith.constant 0 : i32
      %dma_start3A_53 = tpu.memref_slice %arg6[%add3A_17, %dma_start3A_52] : memref<10240x16xf32, #tpu.memory_space<vmem_shared>> -> memref<128x16xf32, #tpu.memory_space<vmem_shared>>
      %dma_start3A_54 = arith.constant 0 : i32
      %dma_start3A_55 = tpu.memref_slice %arg6[%add3A_17, %dma_start3A_54] : memref<10240x16xf32, #tpu.memory_space<vmem_shared>> -> memref<128x16xf32, #tpu.memory_space<vmem_shared>>
      %dma_start3A_56 = arith.constant 0 : i32
      %dma_start3A_57 = arith.constant 0 : i32
      %dma_start3A_58 = tpu.memref_slice %arg9[%dma_start3A_56, %dma_start3A_57] : memref<128x16xf32, #tpu.memory_space<vmem>> -> memref<128x16xf32, #tpu.memory_space<vmem>>
      tpu.enqueue_dma source(%dma_start3A_58 : memref<128x16xf32, #tpu.memory_space<vmem>>) target(%dma_start3A_55 : memref<128x16xf32, #tpu.memory_space<vmem_shared>>) target_semaphore(%run_scoped3A : memref<!tpu.dma_semaphore, #tpu.memory_space<semaphore_mem>>)
      %dma_wait3A = arith.constant 0 : i32
      %dma_wait3A_59 = arith.constant 0 : i32
      %dma_wait3A_60 = tpu.memref_slice %arg9[%dma_wait3A, %dma_wait3A_59] : memref<128x16xf32, #tpu.memory_space<vmem>> -> memref<128x16xf32, #tpu.memory_space<vmem>>
      %dma_wait3A_61 = arith.constant 0 : i32
      %dma_wait3A_62 = tpu.memref_slice %arg6[%add3A_17, %dma_wait3A_61] : memref<10240x16xf32, #tpu.memory_space<vmem_shared>> -> memref<128x16xf32, #tpu.memory_space<vmem_shared>>
      %dma_wait3A_63 = arith.constant 0 : i32
      %dma_wait3A_64 = tpu.memref_slice %arg6[%add3A_17, %dma_wait3A_63] : memref<10240x16xf32, #tpu.memory_space<vmem_shared>> -> memref<128x16xf32, #tpu.memory_space<vmem_shared>>
      %dma_wait3A_65 = arith.constant 0 : i32
      %dma_wait3A_66 = arith.constant 0 : i32
      %dma_wait3A_67 = tpu.memref_slice %arg9[%dma_wait3A_65, %dma_wait3A_66] : memref<128x16xf32, #tpu.memory_space<vmem>> -> memref<128x16xf32, #tpu.memory_space<vmem>>
      tpu.wait_dma2 semaphore(%run_scoped3A : memref<!tpu.dma_semaphore, #tpu.memory_space<semaphore_mem>>) src(%dma_wait3A_67 : memref<128x16xf32, #tpu.memory_space<vmem>>) dst(%dma_wait3A_64 : memref<128x16xf32, #tpu.memory_space<vmem_shared>>)
      tpu.yield
    }) : () -> ()
    %add3A_18 = arith.constant 512 : i32
    %add3A_19 = arith.addi %mul3A_9, %add3A_18 : i32
    "tpu.region"() ({
      %run_scoped3A = tpu.sem_alloc : memref<!tpu.dma_semaphore, #tpu.memory_space<semaphore_mem>>
      %dma_start3A_49 = arith.constant 0 : i32
      %dma_start3A_50 = arith.constant 0 : i32
      %dma_start3A_51 = tpu.memref_slice %arg9[%dma_start3A_49, %dma_start3A_50] : memref<128x16xf32, #tpu.memory_space<vmem>> -> memref<128x16xf32, #tpu.memory_space<vmem>>
      %dma_start3A_52 = arith.constant 0 : i32
      %dma_start3A_53 = tpu.memref_slice %arg6[%add3A_19, %dma_start3A_52] : memref<10240x16xf32, #tpu.memory_space<vmem_shared>> -> memref<128x16xf32, #tpu.memory_space<vmem_shared>>
      %dma_start3A_54 = arith.constant 0 : i32
      %dma_start3A_55 = tpu.memref_slice %arg6[%add3A_19, %dma_start3A_54] : memref<10240x16xf32, #tpu.memory_space<vmem_shared>> -> memref<128x16xf32, #tpu.memory_space<vmem_shared>>
      %dma_start3A_56 = arith.constant 0 : i32
      %dma_start3A_57 = arith.constant 0 : i32
      %dma_start3A_58 = tpu.memref_slice %arg9[%dma_start3A_56, %dma_start3A_57] : memref<128x16xf32, #tpu.memory_space<vmem>> -> memref<128x16xf32, #tpu.memory_space<vmem>>
      tpu.enqueue_dma source(%dma_start3A_58 : memref<128x16xf32, #tpu.memory_space<vmem>>) target(%dma_start3A_55 : memref<128x16xf32, #tpu.memory_space<vmem_shared>>) target_semaphore(%run_scoped3A : memref<!tpu.dma_semaphore, #tpu.memory_space<semaphore_mem>>)
      %dma_wait3A = arith.constant 0 : i32
      %dma_wait3A_59 = arith.constant 0 : i32
      %dma_wait3A_60 = tpu.memref_slice %arg9[%dma_wait3A, %dma_wait3A_59] : memref<128x16xf32, #tpu.memory_space<vmem>> -> memref<128x16xf32, #tpu.memory_space<vmem>>
      %dma_wait3A_61 = arith.constant 0 : i32
      %dma_wait3A_62 = tpu.memref_slice %arg6[%add3A_19, %dma_wait3A_61] : memref<10240x16xf32, #tpu.memory_space<vmem_shared>> -> memref<128x16xf32, #tpu.memory_space<vmem_shared>>
      %dma_wait3A_63 = arith.constant 0 : i32
      %dma_wait3A_64 = tpu.memref_slice %arg6[%add3A_19, %dma_wait3A_63] : memref<10240x16xf32, #tpu.memory_space<vmem_shared>> -> memref<128x16xf32, #tpu.memory_space<vmem_shared>>
      %dma_wait3A_65 = arith.constant 0 : i32
      %dma_wait3A_66 = arith.constant 0 : i32
      %dma_wait3A_67 = tpu.memref_slice %arg9[%dma_wait3A_65, %dma_wait3A_66] : memref<128x16xf32, #tpu.memory_space<vmem>> -> memref<128x16xf32, #tpu.memory_space<vmem>>
      tpu.wait_dma2 semaphore(%run_scoped3A : memref<!tpu.dma_semaphore, #tpu.memory_space<semaphore_mem>>) src(%dma_wait3A_67 : memref<128x16xf32, #tpu.memory_space<vmem>>) dst(%dma_wait3A_64 : memref<128x16xf32, #tpu.memory_space<vmem_shared>>)
      tpu.yield
    }) : () -> ()
    %barrier3A = arith.constant 0 : index
    tpu.barrier barrier_id(%barrier3A)
    %mul3A_20 = arith.constant 42 : i32
    %mul3A_21 = arith.muli %add3A, %mul3A_20 : i32
    "tpu.region"() ({
      %run_scoped3A = tpu.sem_alloc : memref<!tpu.dma_semaphore, #tpu.memory_space<semaphore_mem>>
      %dma_start3A_49 = arith.constant 0 : i32
      %dma_start3A_50 = tpu.memref_slice %arg3[%mul3A_21, %dma_start3A_49] : memref<1344x128xi32, #tpu.memory_space<hbm>> -> memref<42x128xi32, #tpu.memory_space<hbm>>
      %dma_start3A_51 = arith.constant 0 : i32
      %dma_start3A_52 = tpu.memref_slice %arg3[%mul3A_21, %dma_start3A_51] : memref<1344x128xi32, #tpu.memory_space<hbm>> -> memref<42x128xi32, #tpu.memory_space<hbm>>
      tpu.enqueue_dma source(%dma_start3A_52 : memref<42x128xi32, #tpu.memory_space<hbm>>) target(%arg7 : memref<42x128xi32, #tpu.memory_space<vmem>>) target_semaphore(%run_scoped3A : memref<!tpu.dma_semaphore, #tpu.memory_space<semaphore_mem>>)
      %dma_wait3A = arith.constant 0 : i32
      %dma_wait3A_53 = tpu.memref_slice %arg3[%mul3A_21, %dma_wait3A] : memref<1344x128xi32, #tpu.memory_space<hbm>> -> memref<42x128xi32, #tpu.memory_space<hbm>>
      %dma_wait3A_54 = arith.constant 0 : i32
      %dma_wait3A_55 = tpu.memref_slice %arg3[%mul3A_21, %dma_wait3A_54] : memref<1344x128xi32, #tpu.memory_space<hbm>> -> memref<42x128xi32, #tpu.memory_space<hbm>>
      tpu.wait_dma2 semaphore(%run_scoped3A : memref<!tpu.dma_semaphore, #tpu.memory_space<semaphore_mem>>) src(%dma_wait3A_55 : memref<42x128xi32, #tpu.memory_space<hbm>>) dst(%arg7 : memref<42x128xi32, #tpu.memory_space<vmem>>)
      tpu.yield
    }) : () -> ()
    %mul3A_22 = arith.constant 42 : i32
    %mul3A_23 = arith.muli %add3A, %mul3A_22 : i32
    "tpu.region"() ({
      %run_scoped3A = tpu.sem_alloc : memref<!tpu.dma_semaphore, #tpu.memory_space<semaphore_mem>>
      %dma_start3A_49 = arith.constant 0 : i32
      %dma_start3A_50 = tpu.memref_slice %arg4[%mul3A_23, %dma_start3A_49] : memref<1344x128xi32, #tpu.memory_space<hbm>> -> memref<42x128xi32, #tpu.memory_space<hbm>>
      %dma_start3A_51 = arith.constant 0 : i32
      %dma_start3A_52 = tpu.memref_slice %arg4[%mul3A_23, %dma_start3A_51] : memref<1344x128xi32, #tpu.memory_space<hbm>> -> memref<42x128xi32, #tpu.memory_space<hbm>>
      tpu.enqueue_dma source(%dma_start3A_52 : memref<42x128xi32, #tpu.memory_space<hbm>>) target(%arg8 : memref<42x128xi32, #tpu.memory_space<vmem>>) target_semaphore(%run_scoped3A : memref<!tpu.dma_semaphore, #tpu.memory_space<semaphore_mem>>)
      %dma_wait3A = arith.constant 0 : i32
      %dma_wait3A_53 = tpu.memref_slice %arg4[%mul3A_23, %dma_wait3A] : memref<1344x128xi32, #tpu.memory_space<hbm>> -> memref<42x128xi32, #tpu.memory_space<hbm>>
      %dma_wait3A_54 = arith.constant 0 : i32
      %dma_wait3A_55 = tpu.memref_slice %arg4[%mul3A_23, %dma_wait3A_54] : memref<1344x128xi32, #tpu.memory_space<hbm>> -> memref<42x128xi32, #tpu.memory_space<hbm>>
      tpu.wait_dma2 semaphore(%run_scoped3A : memref<!tpu.dma_semaphore, #tpu.memory_space<semaphore_mem>>) src(%dma_wait3A_55 : memref<42x128xi32, #tpu.memory_space<hbm>>) dst(%arg8 : memref<42x128xi32, #tpu.memory_space<vmem>>)
      tpu.yield
    }) : () -> ()
    %dma_start3A = arith.constant 0 : i32
    %dma_start3A_24 = arith.constant 0 : i32
    %dma_start3A_25 = tpu.memref_slice %arg7[%dma_start3A, %dma_start3A_24] : memref<42x128xi32, #tpu.memory_space<vmem>> -> memref<1x128xi32, #tpu.memory_space<vmem>>
    %dma_start3A_26 = tpu.memref_squeeze %dma_start3A_25 : memref<1x128xi32, #tpu.memory_space<vmem>> -> memref<128xi32, #tpu.memory_space<vmem>>
    %dma_start3A_27 = arith.constant 0 : i32
    %dma_start3A_28 = arith.constant 0 : i32
    %dma_start3A_29 = tpu.memref_slice %arg2[%dma_start3A_27, %dma_start3A_28] : memref<10000x16xf32, #tpu.memory_space<hbm>> -> memref<10000x16xf32, #tpu.memory_space<hbm>>
    tpu.enqueue_indirect_dma source(%dma_start3A_29 : memref<10000x16xf32, #tpu.memory_space<hbm>>) target(%arg9 : memref<128x16xf32, #tpu.memory_space<vmem>>) offsets(%dma_start3A_26 : memref<128xi32, #tpu.memory_space<vmem>>) semaphore(%arg11 : memref<!tpu.dma_semaphore, #tpu.memory_space<semaphore_mem>>)
    %dma_start3A_30 = arith.constant 1 : i32
    %dma_start3A_31 = arith.constant 0 : i32
    %dma_start3A_32 = tpu.memref_slice %arg7[%dma_start3A_30, %dma_start3A_31] : memref<42x128xi32, #tpu.memory_space<vmem>> -> memref<1x128xi32, #tpu.memory_space<vmem>>
    %dma_start3A_33 = tpu.memref_squeeze %dma_start3A_32 : memref<1x128xi32, #tpu.memory_space<vmem>> -> memref<128xi32, #tpu.memory_space<vmem>>
    %dma_start3A_34 = arith.constant 0 : i32
    %dma_start3A_35 = arith.constant 0 : i32
    %dma_start3A_36 = tpu.memref_slice %arg2[%dma_start3A_34, %dma_start3A_35] : memref<10000x16xf32, #tpu.memory_space<hbm>> -> memref<10000x16xf32, #tpu.memory_space<hbm>>
    tpu.enqueue_indirect_dma source(%dma_start3A_36 : memref<10000x16xf32, #tpu.memory_space<hbm>>) target(%arg10 : memref<128x16xf32, #tpu.memory_space<vmem>>) offsets(%dma_start3A_33 : memref<128xi32, #tpu.memory_space<vmem>>) semaphore(%arg12 : memref<!tpu.dma_semaphore, #tpu.memory_space<semaphore_mem>>)
    %scan3A_37 = arith.constant 0 : i32
    %scan3A_38 = arith.constant 0 : i32
    %scan3A_39 = arith.constant 21 : i32
    %scan3A_40 = arith.addi %scan3A_38, %scan3A_39 : i32
    %scan3A_41 = arith.constant 1 : i32
    %scan3A_42 = scf.for %scan3A_49 = %scan3A_38 to %scan3A_40 step %scan3A_41 iter_args(%scan3A_50 = %scan3A_37) -> (i32)  : i32 {
      %mul3A_51 = arith.constant 2 : i32
      %mul3A_52 = arith.muli %mul3A_51, %scan3A_49 : i32
      %add3A_53 = arith.constant 0 : i32
      %add3A_54 = arith.addi %mul3A_52, %add3A_53 : i32
      %dma_wait3A = arith.constant 0 : i32
      %dma_wait3A_55 = tpu.memref_slice %arg7[%add3A_54, %dma_wait3A] : memref<42x128xi32, #tpu.memory_space<vmem>> -> memref<1x128xi32, #tpu.memory_space<vmem>>
      %dma_wait3A_56 = tpu.memref_squeeze %dma_wait3A_55 : memref<1x128xi32, #tpu.memory_space<vmem>> -> memref<128xi32, #tpu.memory_space<vmem>>
      %dma_wait3A_57 = arith.constant 0 : i32
      %dma_wait3A_58 = arith.constant 0 : i32
      %dma_wait3A_59 = tpu.memref_slice %arg2[%dma_wait3A_57, %dma_wait3A_58] : memref<10000x16xf32, #tpu.memory_space<hbm>> -> memref<10000x16xf32, #tpu.memory_space<hbm>>
      tpu.wait_indirect_dma semaphore(%arg11 : memref<!tpu.dma_semaphore, #tpu.memory_space<semaphore_mem>>) src(%dma_wait3A_59 : memref<10000x16xf32, #tpu.memory_space<hbm>>) dst(%arg9 : memref<128x16xf32, #tpu.memory_space<vmem>>)
      "tpu.region"() ({
        %run_scoped3A = tpu.sem_alloc : memref<!tpu.dma_semaphore, #tpu.memory_space<semaphore_mem>>
        %dma_start3A_78 = arith.constant 0 : i32
        %dma_start3A_79 = tpu.memref_slice %arg8[%add3A_54, %dma_start3A_78] : memref<42x128xi32, #tpu.memory_space<vmem>> -> memref<1x128xi32, #tpu.memory_space<vmem>>
        %dma_start3A_80 = tpu.memref_squeeze %dma_start3A_79 : memref<1x128xi32, #tpu.memory_space<vmem>> -> memref<128xi32, #tpu.memory_space<vmem>>
        %dma_start3A_81 = arith.constant 0 : i32
        %dma_start3A_82 = arith.constant 0 : i32
        %dma_start3A_83 = tpu.memref_slice %arg6[%dma_start3A_81, %dma_start3A_82] : memref<10240x16xf32, #tpu.memory_space<vmem_shared>> -> memref<10240x16xf32, #tpu.memory_space<vmem_shared>>
        tpu.enqueue_indirect_dma source(%arg9 : memref<128x16xf32, #tpu.memory_space<vmem>>) target(%dma_start3A_83 : memref<10240x16xf32, #tpu.memory_space<vmem_shared>>) offsets(%dma_start3A_80 : memref<128xi32, #tpu.memory_space<vmem>>) semaphore(%run_scoped3A : memref<!tpu.dma_semaphore, #tpu.memory_space<semaphore_mem>>) {add = true}
        %dma_wait3A_84 = arith.constant 0 : i32
        %dma_wait3A_85 = tpu.memref_slice %arg8[%add3A_54, %dma_wait3A_84] : memref<42x128xi32, #tpu.memory_space<vmem>> -> memref<1x128xi32, #tpu.memory_space<vmem>>
        %dma_wait3A_86 = tpu.memref_squeeze %dma_wait3A_85 : memref<1x128xi32, #tpu.memory_space<vmem>> -> memref<128xi32, #tpu.memory_space<vmem>>
        %dma_wait3A_87 = arith.constant 0 : i32
        %dma_wait3A_88 = arith.constant 0 : i32
        %dma_wait3A_89 = tpu.memref_slice %arg6[%dma_wait3A_87, %dma_wait3A_88] : memref<10240x16xf32, #tpu.memory_space<vmem_shared>> -> memref<10240x16xf32, #tpu.memory_space<vmem_shared>>
        tpu.wait_indirect_dma semaphore(%run_scoped3A : memref<!tpu.dma_semaphore, #tpu.memory_space<semaphore_mem>>) src(%arg9 : memref<128x16xf32, #tpu.memory_space<vmem>>) dst(%dma_wait3A_89 : memref<10240x16xf32, #tpu.memory_space<vmem_shared>>)
        tpu.yield
      }) : () -> ()
      %lt3A = arith.constant 20 : i32
      %lt3A_60 = arith.cmpi slt, %scan3A_49, %lt3A : i32
      %convert_element_type3A = arith.extui %lt3A_60 : i1 to i32
      %cond3A = arith.constant 0 : i32
      %cond3A_61 = arith.cmpi ne, %convert_element_type3A, %cond3A : i32
      scf.if %cond3A_61 {
        %add3A_78 = arith.constant 2 : i32
        %add3A_79 = arith.addi %add3A_54, %add3A_78 : i32
        %dma_start3A_80 = arith.constant 0 : i32
        %dma_start3A_81 = tpu.memref_slice %arg7[%add3A_79, %dma_start3A_80] : memref<42x128xi32, #tpu.memory_space<vmem>> -> memref<1x128xi32, #tpu.memory_space<vmem>>
        %dma_start3A_82 = tpu.memref_squeeze %dma_start3A_81 : memref<1x128xi32, #tpu.memory_space<vmem>> -> memref<128xi32, #tpu.memory_space<vmem>>
        %dma_start3A_83 = arith.constant 0 : i32
        %dma_start3A_84 = arith.constant 0 : i32
        %dma_start3A_85 = tpu.memref_slice %arg2[%dma_start3A_83, %dma_start3A_84] : memref<10000x16xf32, #tpu.memory_space<hbm>> -> memref<10000x16xf32, #tpu.memory_space<hbm>>
        tpu.enqueue_indirect_dma source(%dma_start3A_85 : memref<10000x16xf32, #tpu.memory_space<hbm>>) target(%arg9 : memref<128x16xf32, #tpu.memory_space<vmem>>) offsets(%dma_start3A_82 : memref<128xi32, #tpu.memory_space<vmem>>) semaphore(%arg11 : memref<!tpu.dma_semaphore, #tpu.memory_space<semaphore_mem>>)
      } else {
      }
      %mul3A_62 = arith.constant 2 : i32
      %mul3A_63 = arith.muli %mul3A_62, %scan3A_49 : i32
      %add3A_64 = arith.constant 1 : i32
      %add3A_65 = arith.addi %mul3A_63, %add3A_64 : i32
      %dma_wait3A_66 = arith.constant 0 : i32
      %dma_wait3A_67 = tpu.memref_slice %arg7[%add3A_65, %dma_wait3A_66] : memref<42x128xi32, #tpu.memory_space<vmem>> -> memref<1x128xi32, #tpu.memory_space<vmem>>
      %dma_wait3A_68 = tpu.memref_squeeze %dma_wait3A_67 : memref<1x128xi32, #tpu.memory_space<vmem>> -> memref<128xi32, #tpu.memory_space<vmem>>
      %dma_wait3A_69 = arith.constant 0 : i32
      %dma_wait3A_70 = arith.constant 0 : i32
      %dma_wait3A_71 = tpu.memref_slice %arg2[%dma_wait3A_69, %dma_wait3A_70] : memref<10000x16xf32, #tpu.memory_space<hbm>> -> memref<10000x16xf32, #tpu.memory_space<hbm>>
      tpu.wait_indirect_dma semaphore(%arg12 : memref<!tpu.dma_semaphore, #tpu.memory_space<semaphore_mem>>) src(%dma_wait3A_71 : memref<10000x16xf32, #tpu.memory_space<hbm>>) dst(%arg10 : memref<128x16xf32, #tpu.memory_space<vmem>>)
      "tpu.region"() ({
        %run_scoped3A = tpu.sem_alloc : memref<!tpu.dma_semaphore, #tpu.memory_space<semaphore_mem>>
        %dma_start3A_78 = arith.constant 0 : i32
        %dma_start3A_79 = tpu.memref_slice %arg8[%add3A_65, %dma_start3A_78] : memref<42x128xi32, #tpu.memory_space<vmem>> -> memref<1x128xi32, #tpu.memory_space<vmem>>
        %dma_start3A_80 = tpu.memref_squeeze %dma_start3A_79 : memref<1x128xi32, #tpu.memory_space<vmem>> -> memref<128xi32, #tpu.memory_space<vmem>>
        %dma_start3A_81 = arith.constant 0 : i32
        %dma_start3A_82 = arith.constant 0 : i32
        %dma_start3A_83 = tpu.memref_slice %arg6[%dma_start3A_81, %dma_start3A_82] : memref<10240x16xf32, #tpu.memory_space<vmem_shared>> -> memref<10240x16xf32, #tpu.memory_space<vmem_shared>>
        tpu.enqueue_indirect_dma source(%arg10 : memref<128x16xf32, #tpu.memory_space<vmem>>) target(%dma_start3A_83 : memref<10240x16xf32, #tpu.memory_space<vmem_shared>>) offsets(%dma_start3A_80 : memref<128xi32, #tpu.memory_space<vmem>>) semaphore(%run_scoped3A : memref<!tpu.dma_semaphore, #tpu.memory_space<semaphore_mem>>) {add = true}
        %dma_wait3A_84 = arith.constant 0 : i32
        %dma_wait3A_85 = tpu.memref_slice %arg8[%add3A_65, %dma_wait3A_84] : memref<42x128xi32, #tpu.memory_space<vmem>> -> memref<1x128xi32, #tpu.memory_space<vmem>>
        %dma_wait3A_86 = tpu.memref_squeeze %dma_wait3A_85 : memref<1x128xi32, #tpu.memory_space<vmem>> -> memref<128xi32, #tpu.memory_space<vmem>>
        %dma_wait3A_87 = arith.constant 0 : i32
        %dma_wait3A_88 = arith.constant 0 : i32
        %dma_wait3A_89 = tpu.memref_slice %arg6[%dma_wait3A_87, %dma_wait3A_88] : memref<10240x16xf32, #tpu.memory_space<vmem_shared>> -> memref<10240x16xf32, #tpu.memory_space<vmem_shared>>
        tpu.wait_indirect_dma semaphore(%run_scoped3A : memref<!tpu.dma_semaphore, #tpu.memory_space<semaphore_mem>>) src(%arg10 : memref<128x16xf32, #tpu.memory_space<vmem>>) dst(%dma_wait3A_89 : memref<10240x16xf32, #tpu.memory_space<vmem_shared>>)
        tpu.yield
      }) : () -> ()
      %lt3A_72 = arith.constant 20 : i32
      %lt3A_73 = arith.cmpi slt, %scan3A_49, %lt3A_72 : i32
      %convert_element_type3A_74 = arith.extui %lt3A_73 : i1 to i32
      %cond3A_75 = arith.constant 0 : i32
      %cond3A_76 = arith.cmpi ne, %convert_element_type3A_74, %cond3A_75 : i32
      scf.if %cond3A_76 {
        %add3A_78 = arith.constant 2 : i32
        %add3A_79 = arith.addi %add3A_65, %add3A_78 : i32
        %dma_start3A_80 = arith.constant 0 : i32
        %dma_start3A_81 = tpu.memref_slice %arg7[%add3A_79, %dma_start3A_80] : memref<42x128xi32, #tpu.memory_space<vmem>> -> memref<1x128xi32, #tpu.memory_space<vmem>>
        %dma_start3A_82 = tpu.memref_squeeze %dma_start3A_81 : memref<1x128xi32, #tpu.memory_space<vmem>> -> memref<128xi32, #tpu.memory_space<vmem>>
        %dma_start3A_83 = arith.constant 0 : i32
        %dma_start3A_84 = arith.constant 0 : i32
        %dma_start3A_85 = tpu.memref_slice %arg2[%dma_start3A_83, %dma_start3A_84] : memref<10000x16xf32, #tpu.memory_space<hbm>> -> memref<10000x16xf32, #tpu.memory_space<hbm>>
        tpu.enqueue_indirect_dma source(%dma_start3A_85 : memref<10000x16xf32, #tpu.memory_space<hbm>>) target(%arg10 : memref<128x16xf32, #tpu.memory_space<vmem>>) offsets(%dma_start3A_82 : memref<128xi32, #tpu.memory_space<vmem>>) semaphore(%arg12 : memref<!tpu.dma_semaphore, #tpu.memory_space<semaphore_mem>>)
      } else {
      }
      %scan3A_77 = arith.constant 0 : i32
      scf.yield %scan3A_77 : i32
    }
    %scan3A_43 = arith.constant 21 : i32
    %barrier3A_44 = arith.constant 0 : index
    tpu.barrier barrier_id(%barrier3A_44)
    %mul3A_45 = arith.constant 640 : i32
    %mul3A_46 = arith.muli %arg1, %mul3A_45 : i32
    %mul3A_47 = arith.constant 640 : i32
    %mul3A_48 = arith.muli %arg1, %mul3A_47 : i32
    "tpu.region"() ({
      %run_scoped3A = tpu.sem_alloc : memref<!tpu.dma_semaphore, #tpu.memory_space<semaphore_mem>>
      %dma_start3A_49 = arith.constant 0 : i32
      %dma_start3A_50 = tpu.memref_slice %arg5[%arg0, %mul3A_48, %dma_start3A_49] : memref<2x10240x16xf32, #tpu.memory_space<hbm>> -> memref<1x640x16xf32, #tpu.memory_space<hbm>>
      %dma_start3A_51 = tpu.memref_squeeze %dma_start3A_50 : memref<1x640x16xf32, #tpu.memory_space<hbm>> -> memref<640x16xf32, #tpu.memory_space<hbm>>
      %dma_start3A_52 = arith.constant 0 : i32
      %dma_start3A_53 = tpu.memref_slice %arg6[%mul3A_46, %dma_start3A_52] : memref<10240x16xf32, #tpu.memory_space<vmem_shared>> -> memref<640x16xf32, #tpu.memory_space<vmem_shared>>
      tpu.enqueue_dma source(%dma_start3A_53 : memref<640x16xf32, #tpu.memory_space<vmem_shared>>) target(%dma_start3A_51 : memref<640x16xf32, #tpu.memory_space<hbm>>) target_semaphore(%run_scoped3A : memref<!tpu.dma_semaphore, #tpu.memory_space<semaphore_mem>>)
      %dma_wait3A = arith.constant 0 : i32
      %dma_wait3A_54 = tpu.memref_slice %arg5[%arg0, %mul3A_48, %dma_wait3A] : memref<2x10240x16xf32, #tpu.memory_space<hbm>> -> memref<1x640x16xf32, #tpu.memory_space<hbm>>
      %dma_wait3A_55 = tpu.memref_squeeze %dma_wait3A_54 : memref<1x640x16xf32, #tpu.memory_space<hbm>> -> memref<640x16xf32, #tpu.memory_space<hbm>>
      %dma_wait3A_56 = arith.constant 0 : i32
      %dma_wait3A_57 = tpu.memref_slice %arg6[%mul3A_46, %dma_wait3A_56] : memref<10240x16xf32, #tpu.memory_space<vmem_shared>> -> memref<640x16xf32, #tpu.memory_space<vmem_shared>>
      tpu.wait_dma2 semaphore(%run_scoped3A : memref<!tpu.dma_semaphore, #tpu.memory_space<semaphore_mem>>) src(%dma_wait3A_57 : memref<640x16xf32, #tpu.memory_space<vmem_shared>>) dst(%dma_wait3A_55 : memref<640x16xf32, #tpu.memory_space<hbm>>)
      tpu.yield
    }) : () -> ()
    return
  }
}

#map = affine_map<(d0, d1) -> (0, 0, 0)>
#map1 = affine_map<(d0, d1) -> (0, 0)>
module attributes {stable_mosaic.version = 14 : i64} {
  func.func @mp_kernel(%arg0: i32, %arg1: i32, %arg2: memref<2x10240x128xf32, #tpu.memory_space<hbm>>, %arg3: memref<2688x64xi32, #tpu.memory_space<hbm>>, %arg4: memref<2688x64xi32, #tpu.memory_space<hbm>>, %arg5: memref<2x10240x128xf32, #tpu.memory_space<hbm>>, %arg6: memref<10240x128xf32, #tpu.memory_space<vmem_shared>>, %arg7: memref<24x64xi32, #tpu.memory_space<vmem>>, %arg8: memref<24x64xi32, #tpu.memory_space<vmem>>, %arg9: memref<64x128xf32, #tpu.memory_space<vmem>>, %arg10: memref<64x128xf32, #tpu.memory_space<vmem>>, %arg11: memref<64x128xf32, #tpu.memory_space<vmem>>, %arg12: memref<!tpu.dma_semaphore, #tpu.memory_space<semaphore_mem>>, %arg13: memref<!tpu.dma_semaphore, #tpu.memory_space<semaphore_mem>>, %arg14: memref<!tpu.dma_semaphore, #tpu.memory_space<semaphore_mem>>) attributes {dimension_semantics = [#tpu.dimension_semantics<core_parallel>, #tpu.dimension_semantics<subcore_parallel>], iteration_bounds = array<i64: 2, 16>, scalar_prefetch = 0 : i64, scratch_operands = 9 : i64, tpu.core_type = #tpu.core_type<sc_vector_subcore>, window_params = [{transform_indices = #map}, {transform_indices = #map1}, {transform_indices = #map1}, {transform_indices = #map}]} {
    %mul3A = arith.constant 640 : i32
    %mul3A_0 = arith.muli %arg1, %mul3A : i32
    %mul3A_1 = arith.constant 640 : i32
    %mul3A_2 = arith.muli %arg1, %mul3A_1 : i32
    "tpu.region"() ({
      %run_scoped3A = tpu.sem_alloc : memref<!tpu.dma_semaphore, #tpu.memory_space<semaphore_mem>>
      %dma_start3A = arith.constant 0 : i32
      %dma_start3A_14 = tpu.memref_slice %arg6[%mul3A_2, %dma_start3A] : memref<10240x128xf32, #tpu.memory_space<vmem_shared>> -> memref<640x128xf32, #tpu.memory_space<vmem_shared>>
      %dma_start3A_15 = arith.constant 0 : i32
      %dma_start3A_16 = arith.constant 0 : i32
      %dma_start3A_17 = tpu.memref_slice %arg2[%arg0, %dma_start3A_15, %dma_start3A_16] : memref<2x10240x128xf32, #tpu.memory_space<hbm>> -> memref<1x10240x128xf32, #tpu.memory_space<hbm>>
      %dma_start3A_18 = tpu.memref_squeeze %dma_start3A_17 : memref<1x10240x128xf32, #tpu.memory_space<hbm>> -> memref<10240x128xf32, #tpu.memory_space<hbm>>
      %dma_start3A_19 = arith.constant 0 : i32
      %dma_start3A_20 = tpu.memref_slice %dma_start3A_18[%mul3A_0, %dma_start3A_19] : memref<10240x128xf32, #tpu.memory_space<hbm>> -> memref<640x128xf32, #tpu.memory_space<hbm>>
      tpu.enqueue_dma source(%dma_start3A_20 : memref<640x128xf32, #tpu.memory_space<hbm>>) target(%dma_start3A_14 : memref<640x128xf32, #tpu.memory_space<vmem_shared>>) target_semaphore(%run_scoped3A : memref<!tpu.dma_semaphore, #tpu.memory_space<semaphore_mem>>)
      %dma_wait3A = arith.constant 0 : i32
      %dma_wait3A_21 = tpu.memref_slice %arg6[%mul3A_2, %dma_wait3A] : memref<10240x128xf32, #tpu.memory_space<vmem_shared>> -> memref<640x128xf32, #tpu.memory_space<vmem_shared>>
      %dma_wait3A_22 = arith.constant 0 : i32
      %dma_wait3A_23 = arith.constant 0 : i32
      %dma_wait3A_24 = tpu.memref_slice %arg2[%arg0, %dma_wait3A_22, %dma_wait3A_23] : memref<2x10240x128xf32, #tpu.memory_space<hbm>> -> memref<1x10240x128xf32, #tpu.memory_space<hbm>>
      %dma_wait3A_25 = tpu.memref_squeeze %dma_wait3A_24 : memref<1x10240x128xf32, #tpu.memory_space<hbm>> -> memref<10240x128xf32, #tpu.memory_space<hbm>>
      %dma_wait3A_26 = arith.constant 0 : i32
      %dma_wait3A_27 = tpu.memref_slice %dma_wait3A_25[%mul3A_0, %dma_wait3A_26] : memref<10240x128xf32, #tpu.memory_space<hbm>> -> memref<640x128xf32, #tpu.memory_space<hbm>>
      tpu.wait_dma2 semaphore(%run_scoped3A : memref<!tpu.dma_semaphore, #tpu.memory_space<semaphore_mem>>) src(%dma_wait3A_27 : memref<640x128xf32, #tpu.memory_space<hbm>>) dst(%dma_wait3A_21 : memref<640x128xf32, #tpu.memory_space<vmem_shared>>)
      tpu.yield
    }) : () -> ()
    %barrier3A = arith.constant 0 : index
    tpu.barrier barrier_id(%barrier3A)
    %scan3A = arith.constant 0 : i32
    %scan3A_3 = arith.constant 0 : i32
    %scan3A_4 = arith.constant 7 : i32
    %scan3A_5 = arith.addi %scan3A_3, %scan3A_4 : i32
    %scan3A_6 = arith.constant 1 : i32
    %scan3A_7 = scf.for %scan3A_14 = %scan3A_3 to %scan3A_5 step %scan3A_6 iter_args(%scan3A_15 = %scan3A) -> (i32)  : i32 {
      %mul3A_16 = arith.constant 168 : i32
      %mul3A_17 = arith.muli %arg1, %mul3A_16 : i32
      %mul3A_18 = arith.constant 24 : i32
      %mul3A_19 = arith.muli %scan3A_14, %mul3A_18 : i32
      %add3A = arith.addi %mul3A_17, %mul3A_19 : i32
      "tpu.region"() ({
        %run_scoped3A = tpu.sem_alloc : memref<!tpu.dma_semaphore, #tpu.memory_space<semaphore_mem>>
        %dma_start3A_60 = arith.constant 0 : i32
        %dma_start3A_61 = tpu.memref_slice %arg3[%add3A, %dma_start3A_60] : memref<2688x64xi32, #tpu.memory_space<hbm>> -> memref<24x64xi32, #tpu.memory_space<hbm>>
        %dma_start3A_62 = arith.constant 0 : i32
        %dma_start3A_63 = tpu.memref_slice %arg3[%add3A, %dma_start3A_62] : memref<2688x64xi32, #tpu.memory_space<hbm>> -> memref<24x64xi32, #tpu.memory_space<hbm>>
        tpu.enqueue_dma source(%dma_start3A_63 : memref<24x64xi32, #tpu.memory_space<hbm>>) target(%arg7 : memref<24x64xi32, #tpu.memory_space<vmem>>) target_semaphore(%run_scoped3A : memref<!tpu.dma_semaphore, #tpu.memory_space<semaphore_mem>>)
        %dma_wait3A = arith.constant 0 : i32
        %dma_wait3A_64 = tpu.memref_slice %arg3[%add3A, %dma_wait3A] : memref<2688x64xi32, #tpu.memory_space<hbm>> -> memref<24x64xi32, #tpu.memory_space<hbm>>
        %dma_wait3A_65 = arith.constant 0 : i32
        %dma_wait3A_66 = tpu.memref_slice %arg3[%add3A, %dma_wait3A_65] : memref<2688x64xi32, #tpu.memory_space<hbm>> -> memref<24x64xi32, #tpu.memory_space<hbm>>
        tpu.wait_dma2 semaphore(%run_scoped3A : memref<!tpu.dma_semaphore, #tpu.memory_space<semaphore_mem>>) src(%dma_wait3A_66 : memref<24x64xi32, #tpu.memory_space<hbm>>) dst(%arg7 : memref<24x64xi32, #tpu.memory_space<vmem>>)
        tpu.yield
      }) : () -> ()
      "tpu.region"() ({
        %run_scoped3A = tpu.sem_alloc : memref<!tpu.dma_semaphore, #tpu.memory_space<semaphore_mem>>
        %dma_start3A_60 = arith.constant 0 : i32
        %dma_start3A_61 = tpu.memref_slice %arg4[%add3A, %dma_start3A_60] : memref<2688x64xi32, #tpu.memory_space<hbm>> -> memref<24x64xi32, #tpu.memory_space<hbm>>
        %dma_start3A_62 = arith.constant 0 : i32
        %dma_start3A_63 = tpu.memref_slice %arg4[%add3A, %dma_start3A_62] : memref<2688x64xi32, #tpu.memory_space<hbm>> -> memref<24x64xi32, #tpu.memory_space<hbm>>
        tpu.enqueue_dma source(%dma_start3A_63 : memref<24x64xi32, #tpu.memory_space<hbm>>) target(%arg8 : memref<24x64xi32, #tpu.memory_space<vmem>>) target_semaphore(%run_scoped3A : memref<!tpu.dma_semaphore, #tpu.memory_space<semaphore_mem>>)
        %dma_wait3A = arith.constant 0 : i32
        %dma_wait3A_64 = tpu.memref_slice %arg4[%add3A, %dma_wait3A] : memref<2688x64xi32, #tpu.memory_space<hbm>> -> memref<24x64xi32, #tpu.memory_space<hbm>>
        %dma_wait3A_65 = arith.constant 0 : i32
        %dma_wait3A_66 = tpu.memref_slice %arg4[%add3A, %dma_wait3A_65] : memref<2688x64xi32, #tpu.memory_space<hbm>> -> memref<24x64xi32, #tpu.memory_space<hbm>>
        tpu.wait_dma2 semaphore(%run_scoped3A : memref<!tpu.dma_semaphore, #tpu.memory_space<semaphore_mem>>) src(%dma_wait3A_66 : memref<24x64xi32, #tpu.memory_space<hbm>>) dst(%arg8 : memref<24x64xi32, #tpu.memory_space<vmem>>)
        tpu.yield
      }) : () -> ()
      %dma_start3A = arith.constant 0 : i32
      %dma_start3A_20 = arith.constant 0 : i32
      %dma_start3A_21 = tpu.memref_slice %arg7[%dma_start3A, %dma_start3A_20] : memref<24x64xi32, #tpu.memory_space<vmem>> -> memref<1x64xi32, #tpu.memory_space<vmem>>
      %dma_start3A_22 = tpu.memref_squeeze %dma_start3A_21 : memref<1x64xi32, #tpu.memory_space<vmem>> -> memref<64xi32, #tpu.memory_space<vmem>>
      %dma_start3A_23 = arith.constant 0 : i32
      %dma_start3A_24 = arith.constant 0 : i32
      %dma_start3A_25 = tpu.memref_slice %arg2[%arg0, %dma_start3A_23, %dma_start3A_24] : memref<2x10240x128xf32, #tpu.memory_space<hbm>> -> memref<1x10240x128xf32, #tpu.memory_space<hbm>>
      %dma_start3A_26 = tpu.memref_squeeze %dma_start3A_25 : memref<1x10240x128xf32, #tpu.memory_space<hbm>> -> memref<10240x128xf32, #tpu.memory_space<hbm>>
      %dma_start3A_27 = arith.constant 0 : i32
      %dma_start3A_28 = arith.constant 0 : i32
      %dma_start3A_29 = tpu.memref_slice %dma_start3A_26[%dma_start3A_27, %dma_start3A_28] : memref<10240x128xf32, #tpu.memory_space<hbm>> -> memref<10240x128xf32, #tpu.memory_space<hbm>>
      tpu.enqueue_indirect_dma source(%dma_start3A_29 : memref<10240x128xf32, #tpu.memory_space<hbm>>) target(%arg9 : memref<64x128xf32, #tpu.memory_space<vmem>>) offsets(%dma_start3A_22 : memref<64xi32, #tpu.memory_space<vmem>>) semaphore(%arg12 : memref<!tpu.dma_semaphore, #tpu.memory_space<semaphore_mem>>)
      %dma_start3A_30 = arith.constant 1 : i32
      %dma_start3A_31 = arith.constant 0 : i32
      %dma_start3A_32 = tpu.memref_slice %arg7[%dma_start3A_30, %dma_start3A_31] : memref<24x64xi32, #tpu.memory_space<vmem>> -> memref<1x64xi32, #tpu.memory_space<vmem>>
      %dma_start3A_33 = tpu.memref_squeeze %dma_start3A_32 : memref<1x64xi32, #tpu.memory_space<vmem>> -> memref<64xi32, #tpu.memory_space<vmem>>
      %dma_start3A_34 = arith.constant 0 : i32
      %dma_start3A_35 = arith.constant 0 : i32
      %dma_start3A_36 = tpu.memref_slice %arg2[%arg0, %dma_start3A_34, %dma_start3A_35] : memref<2x10240x128xf32, #tpu.memory_space<hbm>> -> memref<1x10240x128xf32, #tpu.memory_space<hbm>>
      %dma_start3A_37 = tpu.memref_squeeze %dma_start3A_36 : memref<1x10240x128xf32, #tpu.memory_space<hbm>> -> memref<10240x128xf32, #tpu.memory_space<hbm>>
      %dma_start3A_38 = arith.constant 0 : i32
      %dma_start3A_39 = arith.constant 0 : i32
      %dma_start3A_40 = tpu.memref_slice %dma_start3A_37[%dma_start3A_38, %dma_start3A_39] : memref<10240x128xf32, #tpu.memory_space<hbm>> -> memref<10240x128xf32, #tpu.memory_space<hbm>>
      tpu.enqueue_indirect_dma source(%dma_start3A_40 : memref<10240x128xf32, #tpu.memory_space<hbm>>) target(%arg10 : memref<64x128xf32, #tpu.memory_space<vmem>>) offsets(%dma_start3A_33 : memref<64xi32, #tpu.memory_space<vmem>>) semaphore(%arg13 : memref<!tpu.dma_semaphore, #tpu.memory_space<semaphore_mem>>)
      %dma_start3A_41 = arith.constant 2 : i32
      %dma_start3A_42 = arith.constant 0 : i32
      %dma_start3A_43 = tpu.memref_slice %arg7[%dma_start3A_41, %dma_start3A_42] : memref<24x64xi32, #tpu.memory_space<vmem>> -> memref<1x64xi32, #tpu.memory_space<vmem>>
      %dma_start3A_44 = tpu.memref_squeeze %dma_start3A_43 : memref<1x64xi32, #tpu.memory_space<vmem>> -> memref<64xi32, #tpu.memory_space<vmem>>
      %dma_start3A_45 = arith.constant 0 : i32
      %dma_start3A_46 = arith.constant 0 : i32
      %dma_start3A_47 = tpu.memref_slice %arg2[%arg0, %dma_start3A_45, %dma_start3A_46] : memref<2x10240x128xf32, #tpu.memory_space<hbm>> -> memref<1x10240x128xf32, #tpu.memory_space<hbm>>
      %dma_start3A_48 = tpu.memref_squeeze %dma_start3A_47 : memref<1x10240x128xf32, #tpu.memory_space<hbm>> -> memref<10240x128xf32, #tpu.memory_space<hbm>>
      %dma_start3A_49 = arith.constant 0 : i32
      %dma_start3A_50 = arith.constant 0 : i32
      %dma_start3A_51 = tpu.memref_slice %dma_start3A_48[%dma_start3A_49, %dma_start3A_50] : memref<10240x128xf32, #tpu.memory_space<hbm>> -> memref<10240x128xf32, #tpu.memory_space<hbm>>
      tpu.enqueue_indirect_dma source(%dma_start3A_51 : memref<10240x128xf32, #tpu.memory_space<hbm>>) target(%arg11 : memref<64x128xf32, #tpu.memory_space<vmem>>) offsets(%dma_start3A_44 : memref<64xi32, #tpu.memory_space<vmem>>) semaphore(%arg14 : memref<!tpu.dma_semaphore, #tpu.memory_space<semaphore_mem>>)
      %scan3A_52 = arith.constant 0 : i32
      %scan3A_53 = arith.constant 0 : i32
      %scan3A_54 = arith.constant 8 : i32
      %scan3A_55 = arith.addi %scan3A_53, %scan3A_54 : i32
      %scan3A_56 = arith.constant 1 : i32
      %scan3A_57 = scf.for %scan3A_60 = %scan3A_53 to %scan3A_55 step %scan3A_56 iter_args(%scan3A_61 = %scan3A_52) -> (i32)  : i32 {
        %mul3A_62 = arith.constant 3 : i32
        %mul3A_63 = arith.muli %mul3A_62, %scan3A_60 : i32
        %add3A_64 = arith.constant 0 : i32
        %add3A_65 = arith.addi %mul3A_63, %add3A_64 : i32
        %dma_wait3A = arith.constant 0 : i32
        %dma_wait3A_66 = tpu.memref_slice %arg7[%add3A_65, %dma_wait3A] : memref<24x64xi32, #tpu.memory_space<vmem>> -> memref<1x64xi32, #tpu.memory_space<vmem>>
        %dma_wait3A_67 = tpu.memref_squeeze %dma_wait3A_66 : memref<1x64xi32, #tpu.memory_space<vmem>> -> memref<64xi32, #tpu.memory_space<vmem>>
        %dma_wait3A_68 = arith.constant 0 : i32
        %dma_wait3A_69 = arith.constant 0 : i32
        %dma_wait3A_70 = tpu.memref_slice %arg2[%arg0, %dma_wait3A_68, %dma_wait3A_69] : memref<2x10240x128xf32, #tpu.memory_space<hbm>> -> memref<1x10240x128xf32, #tpu.memory_space<hbm>>
        %dma_wait3A_71 = tpu.memref_squeeze %dma_wait3A_70 : memref<1x10240x128xf32, #tpu.memory_space<hbm>> -> memref<10240x128xf32, #tpu.memory_space<hbm>>
        %dma_wait3A_72 = arith.constant 0 : i32
        %dma_wait3A_73 = arith.constant 0 : i32
        %dma_wait3A_74 = tpu.memref_slice %dma_wait3A_71[%dma_wait3A_72, %dma_wait3A_73] : memref<10240x128xf32, #tpu.memory_space<hbm>> -> memref<10240x128xf32, #tpu.memory_space<hbm>>
        tpu.wait_indirect_dma semaphore(%arg12 : memref<!tpu.dma_semaphore, #tpu.memory_space<semaphore_mem>>) src(%dma_wait3A_74 : memref<10240x128xf32, #tpu.memory_space<hbm>>) dst(%arg9 : memref<64x128xf32, #tpu.memory_space<vmem>>)
        "tpu.region"() ({
          %run_scoped3A = tpu.sem_alloc : memref<!tpu.dma_semaphore, #tpu.memory_space<semaphore_mem>>
          %dma_start3A_116 = arith.constant 0 : i32
          %dma_start3A_117 = tpu.memref_slice %arg8[%add3A_65, %dma_start3A_116] : memref<24x64xi32, #tpu.memory_space<vmem>> -> memref<1x64xi32, #tpu.memory_space<vmem>>
          %dma_start3A_118 = tpu.memref_squeeze %dma_start3A_117 : memref<1x64xi32, #tpu.memory_space<vmem>> -> memref<64xi32, #tpu.memory_space<vmem>>
          %dma_start3A_119 = arith.constant 0 : i32
          %dma_start3A_120 = arith.constant 0 : i32
          %dma_start3A_121 = tpu.memref_slice %arg6[%dma_start3A_119, %dma_start3A_120] : memref<10240x128xf32, #tpu.memory_space<vmem_shared>> -> memref<10240x128xf32, #tpu.memory_space<vmem_shared>>
          tpu.enqueue_indirect_dma source(%arg9 : memref<64x128xf32, #tpu.memory_space<vmem>>) target(%dma_start3A_121 : memref<10240x128xf32, #tpu.memory_space<vmem_shared>>) offsets(%dma_start3A_118 : memref<64xi32, #tpu.memory_space<vmem>>) semaphore(%run_scoped3A : memref<!tpu.dma_semaphore, #tpu.memory_space<semaphore_mem>>) {add = true}
          %dma_wait3A_122 = arith.constant 0 : i32
          %dma_wait3A_123 = tpu.memref_slice %arg8[%add3A_65, %dma_wait3A_122] : memref<24x64xi32, #tpu.memory_space<vmem>> -> memref<1x64xi32, #tpu.memory_space<vmem>>
          %dma_wait3A_124 = tpu.memref_squeeze %dma_wait3A_123 : memref<1x64xi32, #tpu.memory_space<vmem>> -> memref<64xi32, #tpu.memory_space<vmem>>
          %dma_wait3A_125 = arith.constant 0 : i32
          %dma_wait3A_126 = arith.constant 0 : i32
          %dma_wait3A_127 = tpu.memref_slice %arg6[%dma_wait3A_125, %dma_wait3A_126] : memref<10240x128xf32, #tpu.memory_space<vmem_shared>> -> memref<10240x128xf32, #tpu.memory_space<vmem_shared>>
          tpu.wait_indirect_dma semaphore(%run_scoped3A : memref<!tpu.dma_semaphore, #tpu.memory_space<semaphore_mem>>) src(%arg9 : memref<64x128xf32, #tpu.memory_space<vmem>>) dst(%dma_wait3A_127 : memref<10240x128xf32, #tpu.memory_space<vmem_shared>>)
          tpu.yield
        }) : () -> ()
        %lt3A = arith.constant 7 : i32
        %lt3A_75 = arith.cmpi slt, %scan3A_60, %lt3A : i32
        %convert_element_type3A = arith.extui %lt3A_75 : i1 to i32
        %cond3A = arith.constant 0 : i32
        %cond3A_76 = arith.cmpi ne, %convert_element_type3A, %cond3A : i32
        scf.if %cond3A_76 {
          %add3A_116 = arith.constant 3 : i32
          %add3A_117 = arith.addi %add3A_65, %add3A_116 : i32
          %dma_start3A_118 = arith.constant 0 : i32
          %dma_start3A_119 = tpu.memref_slice %arg7[%add3A_117, %dma_start3A_118] : memref<24x64xi32, #tpu.memory_space<vmem>> -> memref<1x64xi32, #tpu.memory_space<vmem>>
          %dma_start3A_120 = tpu.memref_squeeze %dma_start3A_119 : memref<1x64xi32, #tpu.memory_space<vmem>> -> memref<64xi32, #tpu.memory_space<vmem>>
          %dma_start3A_121 = arith.constant 0 : i32
          %dma_start3A_122 = arith.constant 0 : i32
          %dma_start3A_123 = tpu.memref_slice %arg2[%arg0, %dma_start3A_121, %dma_start3A_122] : memref<2x10240x128xf32, #tpu.memory_space<hbm>> -> memref<1x10240x128xf32, #tpu.memory_space<hbm>>
          %dma_start3A_124 = tpu.memref_squeeze %dma_start3A_123 : memref<1x10240x128xf32, #tpu.memory_space<hbm>> -> memref<10240x128xf32, #tpu.memory_space<hbm>>
          %dma_start3A_125 = arith.constant 0 : i32
          %dma_start3A_126 = arith.constant 0 : i32
          %dma_start3A_127 = tpu.memref_slice %dma_start3A_124[%dma_start3A_125, %dma_start3A_126] : memref<10240x128xf32, #tpu.memory_space<hbm>> -> memref<10240x128xf32, #tpu.memory_space<hbm>>
          tpu.enqueue_indirect_dma source(%dma_start3A_127 : memref<10240x128xf32, #tpu.memory_space<hbm>>) target(%arg9 : memref<64x128xf32, #tpu.memory_space<vmem>>) offsets(%dma_start3A_120 : memref<64xi32, #tpu.memory_space<vmem>>) semaphore(%arg12 : memref<!tpu.dma_semaphore, #tpu.memory_space<semaphore_mem>>)
        } else {
        }
        %mul3A_77 = arith.constant 3 : i32
        %mul3A_78 = arith.muli %mul3A_77, %scan3A_60 : i32
        %add3A_79 = arith.constant 1 : i32
        %add3A_80 = arith.addi %mul3A_78, %add3A_79 : i32
        %dma_wait3A_81 = arith.constant 0 : i32
        %dma_wait3A_82 = tpu.memref_slice %arg7[%add3A_80, %dma_wait3A_81] : memref<24x64xi32, #tpu.memory_space<vmem>> -> memref<1x64xi32, #tpu.memory_space<vmem>>
        %dma_wait3A_83 = tpu.memref_squeeze %dma_wait3A_82 : memref<1x64xi32, #tpu.memory_space<vmem>> -> memref<64xi32, #tpu.memory_space<vmem>>
        %dma_wait3A_84 = arith.constant 0 : i32
        %dma_wait3A_85 = arith.constant 0 : i32
        %dma_wait3A_86 = tpu.memref_slice %arg2[%arg0, %dma_wait3A_84, %dma_wait3A_85] : memref<2x10240x128xf32, #tpu.memory_space<hbm>> -> memref<1x10240x128xf32, #tpu.memory_space<hbm>>
        %dma_wait3A_87 = tpu.memref_squeeze %dma_wait3A_86 : memref<1x10240x128xf32, #tpu.memory_space<hbm>> -> memref<10240x128xf32, #tpu.memory_space<hbm>>
        %dma_wait3A_88 = arith.constant 0 : i32
        %dma_wait3A_89 = arith.constant 0 : i32
        %dma_wait3A_90 = tpu.memref_slice %dma_wait3A_87[%dma_wait3A_88, %dma_wait3A_89] : memref<10240x128xf32, #tpu.memory_space<hbm>> -> memref<10240x128xf32, #tpu.memory_space<hbm>>
        tpu.wait_indirect_dma semaphore(%arg13 : memref<!tpu.dma_semaphore, #tpu.memory_space<semaphore_mem>>) src(%dma_wait3A_90 : memref<10240x128xf32, #tpu.memory_space<hbm>>) dst(%arg10 : memref<64x128xf32, #tpu.memory_space<vmem>>)
        "tpu.region"() ({
          %run_scoped3A = tpu.sem_alloc : memref<!tpu.dma_semaphore, #tpu.memory_space<semaphore_mem>>
          %dma_start3A_116 = arith.constant 0 : i32
          %dma_start3A_117 = tpu.memref_slice %arg8[%add3A_80, %dma_start3A_116] : memref<24x64xi32, #tpu.memory_space<vmem>> -> memref<1x64xi32, #tpu.memory_space<vmem>>
          %dma_start3A_118 = tpu.memref_squeeze %dma_start3A_117 : memref<1x64xi32, #tpu.memory_space<vmem>> -> memref<64xi32, #tpu.memory_space<vmem>>
          %dma_start3A_119 = arith.constant 0 : i32
          %dma_start3A_120 = arith.constant 0 : i32
          %dma_start3A_121 = tpu.memref_slice %arg6[%dma_start3A_119, %dma_start3A_120] : memref<10240x128xf32, #tpu.memory_space<vmem_shared>> -> memref<10240x128xf32, #tpu.memory_space<vmem_shared>>
          tpu.enqueue_indirect_dma source(%arg10 : memref<64x128xf32, #tpu.memory_space<vmem>>) target(%dma_start3A_121 : memref<10240x128xf32, #tpu.memory_space<vmem_shared>>) offsets(%dma_start3A_118 : memref<64xi32, #tpu.memory_space<vmem>>) semaphore(%run_scoped3A : memref<!tpu.dma_semaphore, #tpu.memory_space<semaphore_mem>>) {add = true}
          %dma_wait3A_122 = arith.constant 0 : i32
          %dma_wait3A_123 = tpu.memref_slice %arg8[%add3A_80, %dma_wait3A_122] : memref<24x64xi32, #tpu.memory_space<vmem>> -> memref<1x64xi32, #tpu.memory_space<vmem>>
          %dma_wait3A_124 = tpu.memref_squeeze %dma_wait3A_123 : memref<1x64xi32, #tpu.memory_space<vmem>> -> memref<64xi32, #tpu.memory_space<vmem>>
          %dma_wait3A_125 = arith.constant 0 : i32
          %dma_wait3A_126 = arith.constant 0 : i32
          %dma_wait3A_127 = tpu.memref_slice %arg6[%dma_wait3A_125, %dma_wait3A_126] : memref<10240x128xf32, #tpu.memory_space<vmem_shared>> -> memref<10240x128xf32, #tpu.memory_space<vmem_shared>>
          tpu.wait_indirect_dma semaphore(%run_scoped3A : memref<!tpu.dma_semaphore, #tpu.memory_space<semaphore_mem>>) src(%arg10 : memref<64x128xf32, #tpu.memory_space<vmem>>) dst(%dma_wait3A_127 : memref<10240x128xf32, #tpu.memory_space<vmem_shared>>)
          tpu.yield
        }) : () -> ()
        %lt3A_91 = arith.constant 7 : i32
        %lt3A_92 = arith.cmpi slt, %scan3A_60, %lt3A_91 : i32
        %convert_element_type3A_93 = arith.extui %lt3A_92 : i1 to i32
        %cond3A_94 = arith.constant 0 : i32
        %cond3A_95 = arith.cmpi ne, %convert_element_type3A_93, %cond3A_94 : i32
        scf.if %cond3A_95 {
          %add3A_116 = arith.constant 3 : i32
          %add3A_117 = arith.addi %add3A_80, %add3A_116 : i32
          %dma_start3A_118 = arith.constant 0 : i32
          %dma_start3A_119 = tpu.memref_slice %arg7[%add3A_117, %dma_start3A_118] : memref<24x64xi32, #tpu.memory_space<vmem>> -> memref<1x64xi32, #tpu.memory_space<vmem>>
          %dma_start3A_120 = tpu.memref_squeeze %dma_start3A_119 : memref<1x64xi32, #tpu.memory_space<vmem>> -> memref<64xi32, #tpu.memory_space<vmem>>
          %dma_start3A_121 = arith.constant 0 : i32
          %dma_start3A_122 = arith.constant 0 : i32
          %dma_start3A_123 = tpu.memref_slice %arg2[%arg0, %dma_start3A_121, %dma_start3A_122] : memref<2x10240x128xf32, #tpu.memory_space<hbm>> -> memref<1x10240x128xf32, #tpu.memory_space<hbm>>
          %dma_start3A_124 = tpu.memref_squeeze %dma_start3A_123 : memref<1x10240x128xf32, #tpu.memory_space<hbm>> -> memref<10240x128xf32, #tpu.memory_space<hbm>>
          %dma_start3A_125 = arith.constant 0 : i32
          %dma_start3A_126 = arith.constant 0 : i32
          %dma_start3A_127 = tpu.memref_slice %dma_start3A_124[%dma_start3A_125, %dma_start3A_126] : memref<10240x128xf32, #tpu.memory_space<hbm>> -> memref<10240x128xf32, #tpu.memory_space<hbm>>
          tpu.enqueue_indirect_dma source(%dma_start3A_127 : memref<10240x128xf32, #tpu.memory_space<hbm>>) target(%arg10 : memref<64x128xf32, #tpu.memory_space<vmem>>) offsets(%dma_start3A_120 : memref<64xi32, #tpu.memory_space<vmem>>) semaphore(%arg13 : memref<!tpu.dma_semaphore, #tpu.memory_space<semaphore_mem>>)
        } else {
        }
        %mul3A_96 = arith.constant 3 : i32
        %mul3A_97 = arith.muli %mul3A_96, %scan3A_60 : i32
        %add3A_98 = arith.constant 2 : i32
        %add3A_99 = arith.addi %mul3A_97, %add3A_98 : i32
        %dma_wait3A_100 = arith.constant 0 : i32
        %dma_wait3A_101 = tpu.memref_slice %arg7[%add3A_99, %dma_wait3A_100] : memref<24x64xi32, #tpu.memory_space<vmem>> -> memref<1x64xi32, #tpu.memory_space<vmem>>
        %dma_wait3A_102 = tpu.memref_squeeze %dma_wait3A_101 : memref<1x64xi32, #tpu.memory_space<vmem>> -> memref<64xi32, #tpu.memory_space<vmem>>
        %dma_wait3A_103 = arith.constant 0 : i32
        %dma_wait3A_104 = arith.constant 0 : i32
        %dma_wait3A_105 = tpu.memref_slice %arg2[%arg0, %dma_wait3A_103, %dma_wait3A_104] : memref<2x10240x128xf32, #tpu.memory_space<hbm>> -> memref<1x10240x128xf32, #tpu.memory_space<hbm>>
        %dma_wait3A_106 = tpu.memref_squeeze %dma_wait3A_105 : memref<1x10240x128xf32, #tpu.memory_space<hbm>> -> memref<10240x128xf32, #tpu.memory_space<hbm>>
        %dma_wait3A_107 = arith.constant 0 : i32
        %dma_wait3A_108 = arith.constant 0 : i32
        %dma_wait3A_109 = tpu.memref_slice %dma_wait3A_106[%dma_wait3A_107, %dma_wait3A_108] : memref<10240x128xf32, #tpu.memory_space<hbm>> -> memref<10240x128xf32, #tpu.memory_space<hbm>>
        tpu.wait_indirect_dma semaphore(%arg14 : memref<!tpu.dma_semaphore, #tpu.memory_space<semaphore_mem>>) src(%dma_wait3A_109 : memref<10240x128xf32, #tpu.memory_space<hbm>>) dst(%arg11 : memref<64x128xf32, #tpu.memory_space<vmem>>)
        "tpu.region"() ({
          %run_scoped3A = tpu.sem_alloc : memref<!tpu.dma_semaphore, #tpu.memory_space<semaphore_mem>>
          %dma_start3A_116 = arith.constant 0 : i32
          %dma_start3A_117 = tpu.memref_slice %arg8[%add3A_99, %dma_start3A_116] : memref<24x64xi32, #tpu.memory_space<vmem>> -> memref<1x64xi32, #tpu.memory_space<vmem>>
          %dma_start3A_118 = tpu.memref_squeeze %dma_start3A_117 : memref<1x64xi32, #tpu.memory_space<vmem>> -> memref<64xi32, #tpu.memory_space<vmem>>
          %dma_start3A_119 = arith.constant 0 : i32
          %dma_start3A_120 = arith.constant 0 : i32
          %dma_start3A_121 = tpu.memref_slice %arg6[%dma_start3A_119, %dma_start3A_120] : memref<10240x128xf32, #tpu.memory_space<vmem_shared>> -> memref<10240x128xf32, #tpu.memory_space<vmem_shared>>
          tpu.enqueue_indirect_dma source(%arg11 : memref<64x128xf32, #tpu.memory_space<vmem>>) target(%dma_start3A_121 : memref<10240x128xf32, #tpu.memory_space<vmem_shared>>) offsets(%dma_start3A_118 : memref<64xi32, #tpu.memory_space<vmem>>) semaphore(%run_scoped3A : memref<!tpu.dma_semaphore, #tpu.memory_space<semaphore_mem>>) {add = true}
          %dma_wait3A_122 = arith.constant 0 : i32
          %dma_wait3A_123 = tpu.memref_slice %arg8[%add3A_99, %dma_wait3A_122] : memref<24x64xi32, #tpu.memory_space<vmem>> -> memref<1x64xi32, #tpu.memory_space<vmem>>
          %dma_wait3A_124 = tpu.memref_squeeze %dma_wait3A_123 : memref<1x64xi32, #tpu.memory_space<vmem>> -> memref<64xi32, #tpu.memory_space<vmem>>
          %dma_wait3A_125 = arith.constant 0 : i32
          %dma_wait3A_126 = arith.constant 0 : i32
          %dma_wait3A_127 = tpu.memref_slice %arg6[%dma_wait3A_125, %dma_wait3A_126] : memref<10240x128xf32, #tpu.memory_space<vmem_shared>> -> memref<10240x128xf32, #tpu.memory_space<vmem_shared>>
          tpu.wait_indirect_dma semaphore(%run_scoped3A : memref<!tpu.dma_semaphore, #tpu.memory_space<semaphore_mem>>) src(%arg11 : memref<64x128xf32, #tpu.memory_space<vmem>>) dst(%dma_wait3A_127 : memref<10240x128xf32, #tpu.memory_space<vmem_shared>>)
          tpu.yield
        }) : () -> ()
        %lt3A_110 = arith.constant 7 : i32
        %lt3A_111 = arith.cmpi slt, %scan3A_60, %lt3A_110 : i32
        %convert_element_type3A_112 = arith.extui %lt3A_111 : i1 to i32
        %cond3A_113 = arith.constant 0 : i32
        %cond3A_114 = arith.cmpi ne, %convert_element_type3A_112, %cond3A_113 : i32
        scf.if %cond3A_114 {
          %add3A_116 = arith.constant 3 : i32
          %add3A_117 = arith.addi %add3A_99, %add3A_116 : i32
          %dma_start3A_118 = arith.constant 0 : i32
          %dma_start3A_119 = tpu.memref_slice %arg7[%add3A_117, %dma_start3A_118] : memref<24x64xi32, #tpu.memory_space<vmem>> -> memref<1x64xi32, #tpu.memory_space<vmem>>
          %dma_start3A_120 = tpu.memref_squeeze %dma_start3A_119 : memref<1x64xi32, #tpu.memory_space<vmem>> -> memref<64xi32, #tpu.memory_space<vmem>>
          %dma_start3A_121 = arith.constant 0 : i32
          %dma_start3A_122 = arith.constant 0 : i32
          %dma_start3A_123 = tpu.memref_slice %arg2[%arg0, %dma_start3A_121, %dma_start3A_122] : memref<2x10240x128xf32, #tpu.memory_space<hbm>> -> memref<1x10240x128xf32, #tpu.memory_space<hbm>>
          %dma_start3A_124 = tpu.memref_squeeze %dma_start3A_123 : memref<1x10240x128xf32, #tpu.memory_space<hbm>> -> memref<10240x128xf32, #tpu.memory_space<hbm>>
          %dma_start3A_125 = arith.constant 0 : i32
          %dma_start3A_126 = arith.constant 0 : i32
          %dma_start3A_127 = tpu.memref_slice %dma_start3A_124[%dma_start3A_125, %dma_start3A_126] : memref<10240x128xf32, #tpu.memory_space<hbm>> -> memref<10240x128xf32, #tpu.memory_space<hbm>>
          tpu.enqueue_indirect_dma source(%dma_start3A_127 : memref<10240x128xf32, #tpu.memory_space<hbm>>) target(%arg11 : memref<64x128xf32, #tpu.memory_space<vmem>>) offsets(%dma_start3A_120 : memref<64xi32, #tpu.memory_space<vmem>>) semaphore(%arg14 : memref<!tpu.dma_semaphore, #tpu.memory_space<semaphore_mem>>)
        } else {
        }
        %scan3A_115 = arith.constant 0 : i32
        scf.yield %scan3A_115 : i32
      }
      %scan3A_58 = arith.constant 8 : i32
      %scan3A_59 = arith.constant 0 : i32
      scf.yield %scan3A_59 : i32
    }
    %scan3A_8 = arith.constant 7 : i32
    %barrier3A_9 = arith.constant 0 : index
    tpu.barrier barrier_id(%barrier3A_9)
    %mul3A_10 = arith.constant 640 : i32
    %mul3A_11 = arith.muli %arg1, %mul3A_10 : i32
    %mul3A_12 = arith.constant 640 : i32
    %mul3A_13 = arith.muli %arg1, %mul3A_12 : i32
    "tpu.region"() ({
      %run_scoped3A = tpu.sem_alloc : memref<!tpu.dma_semaphore, #tpu.memory_space<semaphore_mem>>
      %dma_start3A = arith.constant 0 : i32
      %dma_start3A_14 = tpu.memref_slice %arg5[%arg0, %mul3A_13, %dma_start3A] : memref<2x10240x128xf32, #tpu.memory_space<hbm>> -> memref<1x640x128xf32, #tpu.memory_space<hbm>>
      %dma_start3A_15 = tpu.memref_squeeze %dma_start3A_14 : memref<1x640x128xf32, #tpu.memory_space<hbm>> -> memref<640x128xf32, #tpu.memory_space<hbm>>
      %dma_start3A_16 = arith.constant 0 : i32
      %dma_start3A_17 = tpu.memref_slice %arg6[%mul3A_11, %dma_start3A_16] : memref<10240x128xf32, #tpu.memory_space<vmem_shared>> -> memref<640x128xf32, #tpu.memory_space<vmem_shared>>
      tpu.enqueue_dma source(%dma_start3A_17 : memref<640x128xf32, #tpu.memory_space<vmem_shared>>) target(%dma_start3A_15 : memref<640x128xf32, #tpu.memory_space<hbm>>) target_semaphore(%run_scoped3A : memref<!tpu.dma_semaphore, #tpu.memory_space<semaphore_mem>>)
      %dma_wait3A = arith.constant 0 : i32
      %dma_wait3A_18 = tpu.memref_slice %arg5[%arg0, %mul3A_13, %dma_wait3A] : memref<2x10240x128xf32, #tpu.memory_space<hbm>> -> memref<1x640x128xf32, #tpu.memory_space<hbm>>
      %dma_wait3A_19 = tpu.memref_squeeze %dma_wait3A_18 : memref<1x640x128xf32, #tpu.memory_space<hbm>> -> memref<640x128xf32, #tpu.memory_space<hbm>>
      %dma_wait3A_20 = arith.constant 0 : i32
      %dma_wait3A_21 = tpu.memref_slice %arg6[%mul3A_11, %dma_wait3A_20] : memref<10240x128xf32, #tpu.memory_space<vmem_shared>> -> memref<640x128xf32, #tpu.memory_space<vmem_shared>>
      tpu.wait_dma2 semaphore(%run_scoped3A : memref<!tpu.dma_semaphore, #tpu.memory_space<semaphore_mem>>) src(%dma_wait3A_21 : memref<640x128xf32, #tpu.memory_space<vmem_shared>>) dst(%dma_wait3A_19 : memref<640x128xf32, #tpu.memory_space<hbm>>)
      tpu.yield
    }) : () -> ()
    return
  }
}

module attributes {stable_mosaic.version = 14 : i64} {
  func.func @_lin1_body(%arg0: i32, %arg1: memref<1024x256xf32, #tpu.memory_space<vmem>>, %arg2: memref<256x256xf32, #tpu.memory_space<vmem>>, %arg3: memref<1x1024x16xf32, #tpu.memory_space<vmem>>, %arg4: memref<1x1024x16xf32, #tpu.memory_space<vmem>>, %arg5: memref<2x1024x128xf32, #tpu.memory_space<vmem>>, %arg6: memref<1024x8xf32, #tpu.memory_space<vmem>>) attributes {dimension_semantics = [#tpu.dimension_semantics<arbitrary>], iteration_bounds = array<i64: 10>, scalar_prefetch = 0 : i64, scratch_operands = 0 : i64, tpu.core_type = #tpu.core_type<tc>, window_params = [{transform_indices = @transform_0, window_bounds = array<i64: 1024, 256>}, {pipeline_mode = #tpu.pipeline_mode<synchronous>, transform_indices = @transform_1, window_bounds = array<i64: 256, 256>}, {transform_indices = @transform_2, window_bounds = array<i64: 1, 1024, 16>}, {transform_indices = @transform_3, window_bounds = array<i64: 1, 1024, 16>}, {transform_indices = @transform_4, window_bounds = array<i64: 2, 1024, 128>}, {transform_indices = @transform_5, window_bounds = array<i64: 1024, 8>}]} {
    %get3A = arith.constant 0 : index
    %get3A_0 = arith.constant 0 : index
    %get3A_1 = arith.constant 0 : index
    %get3A_2 = vector.load %arg3[%get3A, %get3A_0, %get3A_1] : memref<1x1024x16xf32, #tpu.memory_space<vmem>>, vector<1x1024x16xf32>
    %get3A_3 = vector.shape_cast %get3A_2 : vector<1x1024x16xf32> to vector<1024x16xf32>
    %slice3A = vector.extract_strided_slice %get3A_3 {offsets = [0, 0], sizes = [1024, 1], strides = [1, 1]} : vector<1024x16xf32> to vector<1024x1xf32>
    %get3A_4 = arith.constant 0 : index
    %get3A_5 = arith.constant 0 : index
    %get3A_6 = arith.constant 0 : index
    %get3A_7 = vector.load %arg4[%get3A_4, %get3A_5, %get3A_6] : memref<1x1024x16xf32, #tpu.memory_space<vmem>>, vector<1x1024x16xf32>
    %get3A_8 = vector.shape_cast %get3A_7 : vector<1x1024x16xf32> to vector<1024x16xf32>
    %slice3A_9 = vector.extract_strided_slice %get3A_8 {offsets = [0, 0], sizes = [1024, 1], strides = [1, 1]} : vector<1024x16xf32> to vector<1024x1xf32>
    %add3A = arith.addf %slice3A, %slice3A_9 : vector<1024x1xf32>
    %add3A_10 = arith.constant 1.000000e+00 : f32
    %add3A_11 = vector.broadcast %add3A_10 : f32 to vector<1024x1xf32>
    %add3A_12 = arith.addf %add3A, %add3A_11 : vector<1024x1xf32>
    %rsqrt3A = math.rsqrt %add3A_12 : vector<1024x1xf32>
    %get3A_13 = arith.constant 0 : index
    %get3A_14 = arith.constant 0 : index
    %get3A_15 = vector.load %arg1[%get3A_13, %get3A_14] : memref<1024x256xf32, #tpu.memory_space<vmem>>, vector<1024x256xf32>
    %get3A_16 = arith.constant 0 : index
    %get3A_17 = arith.constant 0 : index
    %get3A_18 = vector.load %arg2[%get3A_16, %get3A_17] : memref<256x256xf32, #tpu.memory_space<vmem>>, vector<256x256xf32>
    %dot_general3A = arith.constant dense<0.000000e+00> : vector<1024x256xf32>
    %dot_general3A_19 = tpu.matmul %get3A_15, %get3A_18, %dot_general3A {dimension_numbers = #tpu.dot_dimension_numbers<[1], [0], [0], [1], [0, 0, 1, 1], [], []>, transpose_lhs_hint = false} : vector<1024x256xf32>, vector<256x256xf32>, vector<1024x256xf32> -> vector<1024x256xf32>
    %mul3A = vector.broadcast %rsqrt3A : vector<1024x1xf32> to vector<1024x256xf32>
    %mul3A_20 = arith.mulf %dot_general3A_19, %mul3A : vector<1024x256xf32>
    %slice3A_21 = vector.extract_strided_slice %mul3A_20 {offsets = [0, 0], sizes = [1024, 128], strides = [1, 1]} : vector<1024x256xf32> to vector<1024x128xf32>
    %swap3A = arith.constant 0 : index
    %swap3A_22 = arith.constant 0 : index
    %swap3A_23 = arith.constant 0 : index
    %swap3A_24 = vector.load %arg5[%swap3A, %swap3A_22, %swap3A_23] : memref<2x1024x128xf32, #tpu.memory_space<vmem>>, vector<1x1024x128xf32>
    %swap3A_25 = vector.shape_cast %swap3A_24 : vector<1x1024x128xf32> to vector<1024x128xf32>
    %swap3A_26 = vector.shape_cast %slice3A_21 : vector<1024x128xf32> to vector<1x1024x128xf32>
    tpu.vector_store %arg5[%swap3A, %swap3A_22, %swap3A_23], %swap3A_26 {strides = array<i32>} : memref<2x1024x128xf32, #tpu.memory_space<vmem>>, vector<1x1024x128xf32>,
    %slice3A_27 = vector.extract_strided_slice %mul3A_20 {offsets = [0, 128], sizes = [1024, 128], strides = [1, 1]} : vector<1024x256xf32> to vector<1024x128xf32>
    %swap3A_28 = arith.constant 1 : index
    %swap3A_29 = arith.constant 0 : index
    %swap3A_30 = arith.constant 0 : index
    %swap3A_31 = vector.load %arg5[%swap3A_28, %swap3A_29, %swap3A_30] : memref<2x1024x128xf32, #tpu.memory_space<vmem>>, vector<1x1024x128xf32>
    %swap3A_32 = vector.shape_cast %swap3A_31 : vector<1x1024x128xf32> to vector<1024x128xf32>
    %swap3A_33 = vector.shape_cast %slice3A_27 : vector<1024x128xf32> to vector<1x1024x128xf32>
    tpu.vector_store %arg5[%swap3A_28, %swap3A_29, %swap3A_30], %swap3A_33 {strides = array<i32>} : memref<2x1024x128xf32, #tpu.memory_space<vmem>>, vector<1x1024x128xf32>,
    %broadcast_in_dim3A = vector.shape_cast %rsqrt3A : vector<1024x1xf32> to vector<1024x1xf32>
    %broadcast_in_dim3A_34 = vector.broadcast %broadcast_in_dim3A : vector<1024x1xf32> to vector<1024x8xf32>
    %swap3A_35 = arith.constant 0 : index
    %swap3A_36 = arith.constant 0 : index
    %swap3A_37 = vector.load %arg6[%swap3A_35, %swap3A_36] : memref<1024x8xf32, #tpu.memory_space<vmem>>, vector<1024x8xf32>
    tpu.vector_store %arg6[%swap3A_35, %swap3A_36], %broadcast_in_dim3A_34 {strides = array<i32>} : memref<1024x8xf32, #tpu.memory_space<vmem>>, vector<1024x8xf32>,
    return
  }
  func.func @transform_0(%arg0: i32) -> (i32, i32) {
    %c0_i32 = arith.constant 0 : i32
    %c0_i32_0 = arith.constant 0 : i32
    return %arg0, %c0_i32 : i32, i32
  }
  func.func @transform_1(%arg0: i32) -> (i32, i32) {
    %c0_i32 = arith.constant 0 : i32
    %c0_i32_0 = arith.constant 0 : i32
    %c0_i32_1 = arith.constant 0 : i32
    return %c0_i32, %c0_i32_0 : i32, i32
  }
  func.func @transform_2(%arg0: i32) -> (i32, i32, i32) {
    %c0_i32 = arith.constant 0 : i32
    %c0_i32_0 = arith.constant 0 : i32
    %c0_i32_1 = arith.constant 0 : i32
    return %c0_i32, %arg0, %c0_i32_0 : i32, i32, i32
  }
  func.func @transform_3(%arg0: i32) -> (i32, i32, i32) {
    %c1_i32 = arith.constant 1 : i32
    %c0_i32 = arith.constant 0 : i32
    %c0_i32_0 = arith.constant 0 : i32
    return %c1_i32, %arg0, %c0_i32 : i32, i32, i32
  }
  func.func @transform_4(%arg0: i32) -> (i32, i32, i32) {
    %c0_i32 = arith.constant 0 : i32
    %c0_i32_0 = arith.constant 0 : i32
    %c0_i32_1 = arith.constant 0 : i32
    return %c0_i32, %arg0, %c0_i32_0 : i32, i32, i32
  }
  func.func @transform_5(%arg0: i32) -> (i32, i32) {
    %c0_i32 = arith.constant 0 : i32
    %c0_i32_0 = arith.constant 0 : i32
    return %arg0, %c0_i32 : i32, i32
  }
}

module attributes {stable_mosaic.version = 14 : i64} {
  func.func @_lin2_body(%arg0: i32, %arg1: memref<1x1000x128xf32, #tpu.memory_space<vmem>>, %arg2: memref<1x1000x128xf32, #tpu.memory_space<vmem>>, %arg3: memref<1000x8xf32, #tpu.memory_space<vmem>>, %arg4: memref<1x256xf32, #tpu.memory_space<vmem>>, %arg5: memref<256x8xf32, #tpu.memory_space<vmem>>, %arg6: memref<1000x16xf32, #tpu.memory_space<vmem>>) attributes {dimension_semantics = [#tpu.dimension_semantics<arbitrary>], iteration_bounds = array<i64: 10>, scalar_prefetch = 0 : i64, scratch_operands = 0 : i64, tpu.core_type = #tpu.core_type<tc>, window_params = [{transform_indices = @transform_0, window_bounds = array<i64: 1, 1000, 128>}, {transform_indices = @transform_1, window_bounds = array<i64: 1, 1000, 128>}, {transform_indices = @transform_2, window_bounds = array<i64: 1000, 8>}, {pipeline_mode = #tpu.pipeline_mode<synchronous>, transform_indices = @transform_3, window_bounds = array<i64: 1, 256>}, {pipeline_mode = #tpu.pipeline_mode<synchronous>, transform_indices = @transform_4, window_bounds = array<i64: 256, 8>}, {transform_indices = @transform_5, window_bounds = array<i64: 1000, 16>}]} {
    %get3A = arith.constant 0 : index
    %get3A_0 = arith.constant 0 : index
    %get3A_1 = vector.load %arg3[%get3A, %get3A_0] : memref<1000x8xf32, #tpu.memory_space<vmem>>, vector<1000x1xf32>
    %get3A_2 = arith.constant 0 : index
    %get3A_3 = arith.constant 0 : index
    %get3A_4 = arith.constant 0 : index
    %get3A_5 = vector.load %arg1[%get3A_2, %get3A_3, %get3A_4] : memref<1x1000x128xf32, #tpu.memory_space<vmem>>, vector<1x1000x128xf32>
    %get3A_6 = vector.shape_cast %get3A_5 : vector<1x1000x128xf32> to vector<1000x128xf32>
    %get3A_7 = arith.constant 0 : index
    %get3A_8 = arith.constant 0 : index
    %get3A_9 = arith.constant 0 : index
    %get3A_10 = vector.load %arg2[%get3A_7, %get3A_8, %get3A_9] : memref<1x1000x128xf32, #tpu.memory_space<vmem>>, vector<1x1000x128xf32>
    %get3A_11 = vector.shape_cast %get3A_10 : vector<1x1000x128xf32> to vector<1000x128xf32>
    %concatenate3A = tpu.concatenate %get3A_6, %get3A_11 in 1 : vector<1000x128xf32>, vector<1000x128xf32> -> vector<1000x256xf32>
    %mul3A = vector.broadcast %get3A_1 : vector<1000x1xf32> to vector<1000x256xf32>
    %mul3A_12 = arith.mulf %concatenate3A, %mul3A : vector<1000x256xf32>
    %get3A_13 = arith.constant 0 : index
    %get3A_14 = arith.constant 0 : index
    %get3A_15 = vector.load %arg4[%get3A_13, %get3A_14] : memref<1x256xf32, #tpu.memory_space<vmem>>, vector<1x256xf32>
    %add3A = vector.broadcast %get3A_15 : vector<1x256xf32> to vector<1000x256xf32>
    %add3A_16 = arith.addf %mul3A_12, %add3A : vector<1000x256xf32>
    %max3A = arith.constant 0.000000e+00 : f32
    %max3A_17 = vector.broadcast %max3A : f32 to vector<1000x256xf32>
    %max3A_18 = arith.maximumf %add3A_16, %max3A_17 : vector<1000x256xf32>
    %get3A_19 = arith.constant 0 : index
    %get3A_20 = arith.constant 0 : index
    %get3A_21 = vector.load %arg5[%get3A_19, %get3A_20] : memref<256x8xf32, #tpu.memory_space<vmem>>, vector<256x8xf32>
    %dot_general3A = arith.constant dense<0.000000e+00> : vector<1000x8xf32>
    %dot_general3A_22 = tpu.matmul %max3A_18, %get3A_21, %dot_general3A {dimension_numbers = #tpu.dot_dimension_numbers<[1], [0], [0], [1], [0, 0, 1, 1], [], []>, transpose_lhs_hint = false} : vector<1000x256xf32>, vector<256x8xf32>, vector<1000x8xf32> -> vector<1000x8xf32>
    %mul3A_23 = vector.broadcast %get3A_1 : vector<1000x1xf32> to vector<1000x8xf32>
    %mul3A_24 = arith.mulf %dot_general3A_22, %mul3A_23 : vector<1000x8xf32>
    %broadcast_in_dim3A = arith.constant 0.000000e+00 : f32
    %broadcast_in_dim3A_25 = vector.broadcast %broadcast_in_dim3A : f32 to vector<1000x8xf32>
    %concatenate3A_26 = tpu.concatenate %mul3A_24, %broadcast_in_dim3A_25 in 1 : vector<1000x8xf32>, vector<1000x8xf32> -> vector<1000x16xf32>
    %swap3A = arith.constant 0 : index
    %swap3A_27 = arith.constant 0 : index
    %swap3A_28 = vector.load %arg6[%swap3A, %swap3A_27] : memref<1000x16xf32, #tpu.memory_space<vmem>>, vector<1000x16xf32>
    tpu.vector_store %arg6[%swap3A, %swap3A_27], %concatenate3A_26 {strides = array<i32>} : memref<1000x16xf32, #tpu.memory_space<vmem>>, vector<1000x16xf32>,
    return
  }
  func.func @transform_0(%arg0: i32) -> (i32, i32, i32) {
    %c0_i32 = arith.constant 0 : i32
    %c0_i32_0 = arith.constant 0 : i32
    %c0_i32_1 = arith.constant 0 : i32
    return %c0_i32, %arg0, %c0_i32_0 : i32, i32, i32
  }
  func.func @transform_1(%arg0: i32) -> (i32, i32, i32) {
    %c1_i32 = arith.constant 1 : i32
    %c0_i32 = arith.constant 0 : i32
    %c0_i32_0 = arith.constant 0 : i32
    return %c1_i32, %arg0, %c0_i32 : i32, i32, i32
  }
  func.func @transform_2(%arg0: i32) -> (i32, i32) {
    %c0_i32 = arith.constant 0 : i32
    %c0_i32_0 = arith.constant 0 : i32
    return %arg0, %c0_i32 : i32, i32
  }
  func.func @transform_3(%arg0: i32) -> (i32, i32) {
    %c0_i32 = arith.constant 0 : i32
    %c0_i32_0 = arith.constant 0 : i32
    %c0_i32_1 = arith.constant 0 : i32
    return %c0_i32, %c0_i32_0 : i32, i32
  }
  func.func @transform_4(%arg0: i32) -> (i32, i32) {
    %c0_i32 = arith.constant 0 : i32
    %c0_i32_0 = arith.constant 0 : i32
    %c0_i32_1 = arith.constant 0 : i32
    return %c0_i32, %c0_i32_0 : i32, i32
  }
  func.func @transform_5(%arg0: i32) -> (i32, i32) {
    %c0_i32 = arith.constant 0 : i32
    %c0_i32_0 = arith.constant 0 : i32
    return %arg0, %c0_i32 : i32, i32
  }
}

</mosaic_0001>

<sc_bundles>
// kernel: kernel.11.cloned.1.call-start
scs
__scs_entry_jumppad:
0x0: {  	(pc) =	sbr.rel $0x88, $3  }
0x1: {  	(tag) =	ssettag $0x0;
	lr =	simm.s32 $0x1  }
0x2: {  	[smem:$0x3F9B] =	sst lr;
	_ =	strace $0xD0000000  }
0x3: {  	_ = 	snop  }
0x4: {  	_ = 	snop  }
0x5: {  	_ = 	snop  }
0x6: {  	_ = 	snop  }
0x7: {  	_ = 	snop  }
__scs_overlays_trampoline_lowered:
0x8: {  	[smem:$0x3FAA] =	sst s0  }
0x9: {  	[smem:$0x3FAB] =	sst s1  }
0xa: {  	[smem:$0x3FAC] =	sst s2  }
0xb: {  	[smem:$0x3FAD] =	sst s3  }
0xc: {  	[smem:$0x3FAE] =	sst s4  }
0xd: {  	[smem:$0x3FAF] =	sst s5  }
0xe: {  	[smem:$0x3FB0] =	sst s6  }
0xf: {  	[smem:$0x3FB1] =	sst s7  }
0x10: {  	[smem:$0x3FB2] =	sst s8  }
0x11: {  	[smem:$0x3FB3] =	sst s9;
	s0 =	simm.s32 @!p0 $0x0  }
0x12: {  	s1 =	sld [smem:$0x3F99];
	s0 =	simm.s32 @p0 $0x1  }
0x13: {  	[smem:$0x3FB4] =	sst s0;
	s0 =	simm.s32 @!p1 $0x0  }
0x14: {  	s2 =	sld [smem:$0x3F98];
	s0 =	simm.s32 @p1 $0x1  }
0x15: {  	[smem:$0x3FB5] =	sst s0;
	s0 =	simm.s32 @!p2 $0x0  }
0x16: {  	s3 =	sld [smem:$0x3FDB];
	s0 =	simm.s32 @p2 $0x1  }
0x17: {  	s4 =	simm.s32 $0x1BF5;
	[smem:$0x3FB7] =	sst s0  }
0x18: {  	s0 =	sld [smem:$0x3F9A];
	_ =	swait.ge [sflag:s4], $0x0  }
0x19: {  	s7 =	sld [smem:$0x3F9B]  }
0x1a: {  	s8 =	sadd.s32 $0xFFFFE003, lr  }
0x1b: {  	s9 =	sadd.s32 $0xFFFFFEF7, lr;
	s5 =	simm.s32 $0xFFFFFFFF;
	p2 =	slt.u32 s8, $0xFFFFF086  }
0x1c: {  	p1 =	slt.u32 s9, $0xF7A;
	s5 =	simm.s32 @!p2 $0x0  }
0x1d: {  	s5 =	simm.s32 @p1 $0x1;
	p0 =	seq.s32 s7, s2  }
0x1e: {  	s7 =	smul.u32 @!p0 $0xF7A, s2;
	p2 =	seq.s32 @!p0 s5, $0x0  }
0x1f: {  	s9 =	smul.u32 $0xF7A, s1;
	s8 =	simm.s32 @!p0 $0x1BF5;
	p2 =	por !p2, p0  }
0x20: {  	[sflag:s8] =	ssyncset.s32 @!p0 $0xFFFFF086;
	s6 =	sadd.s32 @!p0 s3, s7;
	s7 =	simm.s32 @!p0 $0x108  }
0x21: {  	s3 =	sadd.s32 s3, s9;
	s6 =	sadd.s32 @!p0 $0x88, s6;
	s7 =	simm.s32 @p2 $0x1082  }
0x22: {  	[simem:s7], [sflag:s8] =	dma.local @!p0 [hbm:s6], $0xF7A  }
0x23: {  	s9 =	sor.u32 $0xD0000000, s2;
	s6 =	simm.s32 $0x108;
	_ =	swait.ge @!p0 [sflag:s8], $0x0  }
0x24: {  	s3 =	sadd.s32 $0x88, s3;
	s6 =	simm.s32 @!p1 $0x1082;
	[sflag:s4] =	ssyncset.s32 $0xFFFFF086  }
0x25: {  	[simem:s6], [sflag:s4] =	dma.local [hbm:s3], $0xF7A  }
0x26: {  	[smem:$0x3F9B] =	sst s1;
	(tag) =	ssettag s2;
	_ =	strace s9  }
0x27: {  	s1 =	sld [smem:$0x3FAB]  }
0x28: {  	s2 =	sld [smem:$0x3FAC]  }
0x29: {  	s4 =	sld [smem:$0x3FAE]  }
0x2a: {  	p0 =	seq.s32 s5, $0x0;
	s5 =	sld [smem:$0x3FAF]  }
0x2b: {  	s6 =	sld [smem:$0x3FB0]  }
0x2c: {  	s7 =	sld [smem:$0x3FB1]  }
0x2d: {  	s3 =	simm.s32 $0x108;
	s8 =	sld [smem:$0x3FB2]  }
0x2e: {  	s3 =	simm.s32 @!p0 $0x1082;
	s9 =	sld [smem:$0x3FB3]  }
0x2f: {  	lr =	sadd.s32 s0, s3;
	s0 =	sld [smem:$0x3FAA]  }
0x30: {  	s3 =	sld [smem:$0x3FAD]  }
0x31: {  	[smem:$0x3FB6] =	sst s10  }
0x32: {  	s10 =	sld [smem:$0x3FB4];
	_ =	sdelay $0x3  }
0x33: {  	p0 =	seq.s32 s10, $0x1;
	s10 =	sld [smem:$0x3FB6];
	_ =	sdelay $0x3  }
0x34: {  	[smem:$0x3FB6] =	sst s10  }
0x35: {  	s10 =	sld [smem:$0x3FB5];
	_ =	sdelay $0x3  }
0x36: {  	p1 =	seq.s32 s10, $0x1;
	s10 =	sld [smem:$0x3FB6];
	_ =	sdelay $0x3  }
0x37: {  	[smem:$0x3FB6] =	sst s10  }
0x38: {  	s10 =	sld [smem:$0x3FB7]  }
0x39: {  	_ = 	snop;
	(pc) =	sbr.ind lr, $3  }
0x3a: {  	_ = 	snop  }
0x3b: {  	_ = 	snop  }
0x3c: {  	p2 =	seq.s32 s10, $0x1;
	s10 =	sld [smem:$0x3FB6]  }
0x3d: {  	_ =	shalt  }
0x3e: {  	_ =	shalt  }
0x3f: {  	_ =	shalt  }
0x40: {  	_ =	shalt  }
0x41: {  	_ =	shalt  }
0x42: {  	_ =	shalt  }
0x43: {  	_ =	shalt  }
0x44: {  	_ =	shalt  }
0x45: {  	_ =	shalt  }
0x46: {  	_ =	shalt  }
0x47: {  	_ =	shalt  }
0x48: {  	_ =	shalt  }
0x49: {  	_ =	shalt  }
0x4a: {  	_ =	shalt  }
0x4b: {  	_ =	shalt  }
0x4c: {  	_ =	shalt  }
0x4d: {  	_ =	shalt  }
0x4e: {  	_ =	shalt  }
0x4f: {  	_ =	shalt  }
0x50: {  	_ =	shalt  }
0x51: {  	_ =	shalt  }
0x52: {  	_ =	shalt  }
0x53: {  	_ =	shalt  }
0x54: {  	_ =	shalt  }
0x55: {  	_ =	shalt  }
0x56: {  	_ =	shalt  }
0x57: {  	_ =	shalt  }
0x58: {  	_ =	shalt  }
0x59: {  	_ =	shalt  }
0x5a: {  	_ =	shalt  }
0x5b: {  	_ =	shalt  }
0x5c: {  	_ =	shalt  }
0x5d: {  	_ =	shalt  }
0x5e: {  	_ =	shalt  }
0x5f: {  	_ =	shalt  }
0x60: {  	_ =	shalt  }
0x61: {  	_ =	shalt  }
0x62: {  	_ =	shalt  }
0x63: {  	_ =	shalt  }
0x64: {  	_ =	shalt  }
0x65: {  	_ =	shalt  }
0x66: {  	_ =	shalt  }
0x67: {  	_ =	shalt  }
0x68: {  	_ =	shalt  }
0x69: {  	_ =	shalt  }
0x6a: {  	_ =	shalt  }
0x6b: {  	_ =	shalt  }
0x6c: {  	_ =	shalt  }
0x6d: {  	_ =	shalt  }
0x6e: {  	_ =	shalt  }
0x6f: {  	_ =	shalt  }
0x70: {  	_ =	shalt  }
0x71: {  	_ =	shalt  }
0x72: {  	_ =	shalt  }
0x73: {  	_ =	shalt  }
0x74: {  	_ =	shalt  }
0x75: {  	_ =	shalt  }
0x76: {  	_ =	shalt  }
0x77: {  	_ =	shalt  }
0x78: {  	_ =	shalt  }
0x79: {  	_ =	shalt  }
0x7a: {  	_ =	shalt  }
0x7b: {  	_ =	shalt  }
0x7c: {  	_ =	shalt  }
0x7d: {  	_ =	shalt  }
0x7e: {  	_ =	shalt  }
0x7f: {  	_ =	shalt  }
0x80: {  	_ =	shalt  }
0x81: {  	_ =	shalt  }
0x82: {  	_ =	shalt  }
0x83: {  	_ =	shalt  }
0x84: {  	_ =	shalt  }
0x85: {  	_ =	shalt  }
0x86: {  	_ =	shalt  }
0x87: {  	_ =	shalt  }
.Lfunc_end0:
.L_simem_size_0:
called_computation.1_lowered:
.L_overlay_start_0:
0x88: {  	s2 =	sld [smem:$0x3FD9]  }
0x89: {  	s3 =	sld [smem:$0x3FFE];
	_ =	sdelay $0x1  }
0x8a: {  	s1 =	srdreg.scid  }
0x8b: {  	s0 =	sand.u32 $0x1, s1  }
0x8c: {  	s16 =	sshll.u32 s0, $0xA;
	s2 =	sadd.s32 s3, s2  }
0x8d: {  	s2 =	sadd.s32 s2, s16  }
0x8e: {  	[smem:$0x3FC2] =	sst s2  }
0x8f: {  	_ = 	snop  }
0x90: {  	(tm) =	ssettm $0x1  }
0x91: {  	s17 =	sld [smem:$0x3FFB];
	_ =	sdelay $0x3  }
0x92: {  	_ =	strace s17  }
0x93: {  	s2 =	sld [smem:$0x3FFC];
	_ =	sdelay $0x3  }
0x94: {  	_ =	strace s2  }
0x95: {  	s2 =	sld [smem:$0x3FFD];
	_ =	sdelay $0x3  }
0x96: {  	_ =	strace s2  }
0x97: {  	_ =	strace $0x8FFFFFFF  }
0x98: {  	s18 =	sld [smem:$0x3FDB];
	_ =	sdelay $0x1  }
0x99: {  	s19 =	simm.s32 $_scs_section_size  }
0x9a: {  	s4 =	simm.s32 $_size__tile_overlayer_lowered;
	s5 =	simm.s32 $_tile_overlayer_lowered  }
0x9b: {  	s22 =	simm.s32 $0x1BFF;
	s21 =	sshll.u32 s5, $0x1;
	s2 =	sadd.s32 s19, s18  }
0x9c: {  	s6 =	simm.s32 $0x0;
	s20 =	sshll.u32 s4, $0x1;
	s4 =	sadd.s32 s21, s2  }
0x9d: {  	[timem:s6], [sflag:s22] =	dma.local [hbm:s4], s20  }
0x9e: {  	_ =	swait.ge [sflag:s22], s20  }
0x9f: {  	s3 =	ssub.s32 $0x0, s20;
	[sflag:s22] =	ssyncset.done $0x0  }
0xa0: {  	[sflag:s22] =	ssyncadd.s32 s3;
	_ =	sdelay $0x1  }
0xa1: {  	s23 =	simm.s32 $0x1B8B  }
0xa2: {  	_ =	swait.ge [sflag:s23], $0x1  }
0xa3: {  	[sflag:s23] =	ssyncset.done $0x0  }
0xa4: {  	s25 =	simm.s32 $0x1B8E;
	s24 =	sld [smem:$0x3FFE];
	[sflag:s23] =	ssyncadd.s32 $0xFFFFFFFF  }
0xa5: {  	s26 =	simm.s32 $execute0_lowered;
	[smem:$0x3FD2] =	sst s25  }
0xa6: {  	s4 =	sshll.u32 s26, $0x1;
	_ =	strace $0x80000049;
	[dreg:$0x1] =	wrdreg $0xFFFFFFFF  }
0xa7: {  	s28 =	simm.s32 $_size_execute0_lowered;
	s2 =	sadd.s32 s2, s4;
	[dreg:$0x0] =	wrdreg $0x0  }
0xa8: {  	s4 =	sshll.u32 s28, $0x1;
	[dreg:$0x2] =	wrdreg s2  }
0xa9: {  	[dreg:$0x3] =	wrdreg s4  }
0xaa: {  	[dreg:$0x4] =	wrdreg $0xC0  }
0xab: {  	_ =	task [dreg:s6], $0x5FFFF  }
0xac: {  	[dreg:$0x1] =	wrdreg $0xFFFFFFFF  }
0xad: {  	[dreg:$0x0] =	wrdreg $0x60  }
0xae: {  	[dreg:$0x2] =	wrdreg s24  }
0xaf: {  	[dreg:$0x3] =	wrdreg $0x0  }
0xb0: {  	[dreg:$0x4] =	wrdreg $0x9  }
0xb1: {  	_ =	task.clear_ibuf [dreg:s6], $0x5FFFF;
	_ =	strace $0x90000049  }
0xb2: {  	s29 =	simm.s32 $0x9;
	_ =	strace $0x8000004B  }
0xb3: {  	_ =	swait.ge [sflag:s29], $0x1  }
0xb4: {  	[sflag:s29] =	ssyncadd.s32 $0xFFFFFFFF  }
0xb5: {  	_ =	strace $0x9000004B  }
0xb6: {  	_ =	sfence  }
0xb7: {  	s30 =	sld [smem:$0x0];
	_ =	sdelay $0x2  }
0xb8: {  	s31 =	sshll.u32 s1, $0xD;
	s1 =	sshrl.u32 s1, $0x2  }
0xb9: {  	s3 =	sand.u32 $0x4000, s31;
	s1 =	sadd.s32 s1, s30  }
0xba: {  	s0 =	sor.u32 s3, s0;
	s1 =	sshll.u32 s1, $0x11  }
0xbb: {  	s0 =	sor.u32 s1, s0  }
0xbc: {  	s0 =	sadd.s32 $0x8F2B, s0  }
0xbd: {  	[sflag:s0] =	ssyncadd.remote.s32 $0x1  }
0xbe: {  	_ =	sfence.sel $0xFFFF  }
0xbf: {  	[dreg:$0x0] =	wrdreg $0xFFFFFFFF;
	(pc) =	sbr.abs _section_cstart, $3  }
0xc0: {  	[dreg:$0x1] =	wrdreg $0xFFFFFFFF  }
0xc1: {  	_ =	task.clear_ibuf [dreg:s6], $0x2FFFF;
	_ =	strace $0x9FFFFFFF  }
0xc2: {  	(tm) =	ssettm $0x7FFFFFFF  }
0xc3: {  	_ =	shalt  }
tec
execute0_lowered:
.L_overlay_start_1:
0x0: {  	(tag) =	ssettag $0x1  }
0x1: {  	s0 =	rddreg [dreg:$0x0]  }
0x2: {  	s2 =	rddreg [dreg:$0x1];
	s3 =	simm.s32 $0x0  }
0x3: {  	s8 =	simm.s32 $0x14080;
	[smem:$0x7FF] =	sst s3  }
0x4: {  	s10 =	simm.s32 $0x14100;
	_ =	strace $0x8000004A;
	[dreg:$0x5] =	wrdreg s8  }
0x5: {  	s11 =	simm.s32 $0x14180;
	[dreg:$0x6] =	wrdreg s10  }
0x6: {  	s12 =	simm.s32 $0x14C80;
	[dreg:$0x7] =	wrdreg s11  }
0x7: {  	s13 =	simm.s32 $0x14200;
	[dreg:$0x8] =	wrdreg s12  }
0x8: {  	s14 =	simm.s32 $0x14D00;
	[dreg:$0x9] =	wrdreg s13  }
0x9: {  	s15 =	simm.s32 $0x14280;
	[dreg:$0xa] =	wrdreg s14  }
0xa: {  	s16 =	simm.s32 $0x14D80;
	[dreg:$0xb] =	wrdreg s15  }
0xb: {  	s17 =	simm.s32 $0x14300;
	[dreg:$0xc] =	wrdreg s16  }
0xc: {  	s18 =	simm.s32 $0x14E00;
	[dreg:$0xd] =	wrdreg s17  }
0xd: {  	s19 =	simm.s32 $0x14380;
	[dreg:$0xe] =	wrdreg s18  }
0xe: {  	s21 =	simm.s32 $0x14E80;
	[dreg:$0xf] =	wrdreg s19  }
0xf: {  	s22 =	simm.s32 $0x14400;
	[dreg:$0x10] =	wrdreg s21  }
0x10: {  	s9 =	stileid.u32;
	s23 =	simm.s32 $0x14F00;
	[dreg:$0x11] =	wrdreg s22  }
0x11: {  	s7 =	srdreg.scid;
	s25 =	simm.s32 $0x14480;
	[dreg:$0x12] =	wrdreg s23  }
0x12: {  	s26 =	simm.s32 $0x14F80;
	s28 =	simm.s32 $0x15580;
	[dreg:$0x13] =	wrdreg s25  }
0x13: {  	s29 =	simm.s32 $0x14B00;
	[dreg:$0x14] =	wrdreg s26;
	s10 =	simm.s32 $0x15000  }
0x14: {  	s30 =	simm.s32 $0x15600;
	s11 =	simm.s32 $0x14580;
	[dreg:$0x16] =	wrdreg s10  }
0x15: {  	s31 =	simm.s32 $0x14B80;
	s13 =	simm.s32 $0x15080;
	[dreg:$0x17] =	wrdreg s11  }
0x16: {  	s1 =	smul.u32 $0xA80, s9;
	s14 =	simm.s32 $0x14600;
	[dreg:$0x18] =	wrdreg s13  }
0x17: {  	s8 =	smul.u32 $0x50000, s9;
	s15 =	simm.s32 $0x15100;
	[dreg:$0x19] =	wrdreg s14  }
0x18: {  	s12 =	sshll.u32 s9, $0x6;
	s17 =	simm.s32 $0x14680;
	[dreg:$0x1a] =	wrdreg s15  }
0x19: {  	s18 =	simm.s32 $0x15180;
	s19 =	simm.s32 $0x14700;
	[dreg:$0x1b] =	wrdreg s17  }
0x1a: {  	s21 =	simm.s32 $0x14780;
	s22 =	simm.s32 $0x15280;
	[dreg:$0x1c] =	wrdreg s18  }
0x1b: {  	s23 =	simm.s32 $0x14800;
	s25 =	simm.s32 $0x14880;
	[dreg:$0x1d] =	wrdreg s19  }
0x1c: {  	s26 =	simm.s32 $0x15380;
	s1 =	sadd.s32 s1, s0;
	[dreg:$0x1f] =	wrdreg s21  }
0x1d: {  	s10 =	simm.s32 $0x4;
	s11 =	simm.s32 $0x14000;
	[smem:$0x7F7] =	sst s22  }
0x1e: {  	s13 =	simm.s32 $0x40;
	s14 =	simm.s32 $0x15800;
	[smem:$0x7F8] =	sst s23  }
0x1f: {  	s15 =	simm.s32 $0x17800;
	s17 =	simm.s32 $0x1;
	[smem:$0x7FA] =	sst s25  }
0x20: {  	s18 =	simm.s32 $0x2;
	s19 =	simm.s32 $0x3;
	[smem:$0x7FB] =	sst s26  }
0x21: {  	s21 =	simm.s32 $0x15400;
	s22 =	simm.s32 $0x14980;
	s23 =	simm.s32 $0x15480  }
0x22: {  	s25 =	simm.s32 $0x15500;
	s26 =	simm.s32 $0x14A80;
	s4 =	sadd.s32 $0x21600, s1  }
0x23: {  	s1 =	sadd.s32 $0x16E00, s1;
	s24 =	sshrl.u32 s8, $0x2;
	[dreg:$0x3] =	wrdreg s4  }
0x24: {  	[dreg:$0x4] =	wrdreg s1;
	s4 =	sand.u32 $0x1, s7;
	s7 =	smul.u32 $0x14000, s9  }
0x25: {  	s8 =	sadd.s32 s24, s2;
	s24 =	simm.s32 $0x15300;
	s5 =	smul.u32 $0x140000, s4  }
0x26: {  	s1 =	simm.s32 $0x15680;
	s9 =	simm.s32 $0x0;
	s4 =	ssub.s32 $0x2, s4  }
0x27: {  	s8 =	sshrl.u32 s8, $0x3;
	s6 =	sshrl.u32 s5, $0x3;
	s5 =	sadd.s32 s7, s5  }
0x28: {  	[smem:$0x7F9] =	sst s24;
	s20 =	sshrl.u32 s4, $0x1;
	s5 =	sshrl.u32 s5, $0x3  }
0x29: {  	[smem:$0x7FD] =	sst s8;
	s6 =	sadd.s32 s6, s0;
	s0 =	sadd.s32 s5, s0  }
0x2a: {  	s5 =	ssub.s32 s4, s20;
	s4 =	sadd.s32 $0x7BE00, s6;
	s6 =	simm.s32 $0x14500  }
0x2b: {  	s7 =	sshrl.u32 s7, $0x3;
	s20 =	simm.s32 $0x15200;
	[dreg:$0x15] =	wrdreg s6  }
0x2c: {  	s24 =	simm.s32 $0x14A00;
	s6 =	sadd.s32 s7, s4;
	[dreg:$0x1e] =	wrdreg s20  }
0x2d: {  	s7 =	sor.u32 $0x1C04, s12;
	s0 =	sadd.s32 $0x2BE00, s0;
	[smem:$0x7F4] =	sst s6  }
0x2e: {  	s16 =	smax.u32 s5, $0x1;
	s12 =	simm.s32 $0x14C00;
	[smem:$0x7F5] =	sst s0  }
0x2f: {  	s20 =	simm.s32 $0x14900;
	s5 =	simm.s32 $0x15780;
	[smem:$0x7F6] =	sst s16  }
0x30: {  	s16 =	simm.s32 $0x19800;
	s0 =	simm.s32 $0x15700;
	[smem:$0x7FC] =	sst s7  }
.LBB2_1:
0x31: {  	s6 =	sld [smem:$0x7F4];
	_ =	sdelay $0x1  }
0x32: {  	[smem:$0x7F3] =	sst s9  }
0x33: {  	[spmem:s8], [sflag:s7] =	dma.local [hbm:s6], $0x2800  }
0x34: {  	_ =	swait.ge [sflag:s10], $0x2800  }
0x35: {  	[sflag:s10] =	ssyncset.done $0x0  }
0x36: {  	[sflag:s10] =	ssyncadd.s32 $0xFFFFD800  }
0x37: {  	[bflag:$0x0] =	sbarrier.arrive $0xFFFF  }
0x38: {  	s9 =	rddreg [dreg:$0x3]  }
0x39: {  	s6 =	sadd.s32 $0x0, s9  }
0x3a: {  	[tilespmem:s11], [sflag:$0x4] =	stream.linear.gather [hbm4b:s6+s3], $0xC00, $0x38;
	[tilespmem:$0x1B800] =	vst v63  }
0x3b: {  	_ =	swait.ge [sflag:s10], $0xC00  }
0x3c: {  	s7 =	rddreg [dreg:$0x4];
	[sflag:s10] =	ssyncset.done $0x0  }
0x3d: {  	[sflag:s10] =	ssyncadd.s32 $0xFFFFF400;
	s6 =	sadd.s32 $0x0, s7  }
0x3e: {  	[tilespmem:s12], [sflag:$0x4] =	stream.linear.gather [hbm4b:s6+s3], $0xC00, $0x38;
	[tilespmem:$0x1B800] =	vst v63  }
0x3f: {  	_ =	swait.ge [sflag:s10], $0xC00  }
0x40: {  	[sflag:s10] =	ssyncset.done $0x0  }
0x41: {  	[sflag:s10] =	ssyncadd.s32 $0xFFFFF400  }
0x42: {  	[tilespmem:s14], [sflag:$0x1] =	stream.indirect.gather [hbm4b:s4+s13], $0x80, s11, s13, $0xb8;
	[tilespmem:$0x1B800] =	vst v63  }
0x43: {  	s8 =	rddreg [dreg:$0x5]  }
0x44: {  	[tilespmem:s15], [sflag:$0x2] =	stream.indirect.gather [hbm4b:s4+s13], $0x80, s8, s13, $0xb8;
	[tilespmem:$0x1B800] =	vst v63  }
0x45: {  	s9 =	rddreg [dreg:$0x6]  }
0x46: {  	[tilespmem:s16], [sflag:$0x3] =	stream.indirect.gather [hbm4b:s4+s13], $0x80, s9, s13, $0xb8;
	[tilespmem:$0x1B800] =	vst v63  }
0x47: {  	_ =	swait.ge [sflag:s17], $0x2000  }
0x48: {  	[sflag:s17] =	ssyncset.done $0x0  }
0x49: {  	[sflag:s17] =	ssyncadd.s32 $0xFFFFE000  }
0x4a: {  	[spmem:s2] =	stream.indirect.scatter.add.f32 [tilespmem:s14], [sflag:$0x4], $0x80, s12, s13, $0xb8;
	[tilespmem:$0x1B800] =	vst v63  }
0x4b: {  	_ =	swait.ge [sflag:s10], $0x2000  }
0x4c: {  	[sflag:s10] =	ssyncset.done $0x0  }
0x4d: {  	s7 =	rddreg [dreg:$0x7];
	[sflag:s10] =	ssyncadd.s32 $0xFFFFE000  }
0x4e: {  	[tilespmem:s14], [sflag:$0x1] =	stream.indirect.gather [hbm4b:s4+s13], $0x80, s7, s13, $0xb8;
	[tilespmem:$0x1B800] =	vst v63  }
0x4f: {  	_ =	swait.ge [sflag:s18], $0x2000  }
0x50: {  	[sflag:s18] =	ssyncset.done $0x0  }
0x51: {  	s8 =	rddreg [dreg:$0x8];
	[sflag:s18] =	ssyncadd.s32 $0xFFFFE000  }
0x52: {  	[spmem:s2] =	stream.indirect.scatter.add.f32 [tilespmem:s15], [sflag:$0x4], $0x80, s8, s13, $0xb8;
	[tilespmem:$0x1B800] =	vst v63  }
0x53: {  	_ =	swait.ge [sflag:s10], $0x2000  }
0x54: {  	[sflag:s10] =	ssyncset.done $0x0  }
0x55: {  	s9 =	rddreg [dreg:$0x9];
	[sflag:s10] =	ssyncadd.s32 $0xFFFFE000  }
0x56: {  	[tilespmem:s15], [sflag:$0x2] =	stream.indirect.gather [hbm4b:s4+s13], $0x80, s9, s13, $0xb8;
	[tilespmem:$0x1B800] =	vst v63  }
0x57: {  	_ =	swait.ge [sflag:s19], $0x2000  }
0x58: {  	[sflag:s19] =	ssyncset.done $0x0  }
0x59: {  	s7 =	rddreg [dreg:$0xa];
	[sflag:s19] =	ssyncadd.s32 $0xFFFFE000  }
0x5a: {  	[spmem:s2] =	stream.indirect.scatter.add.f32 [tilespmem:s16], [sflag:$0x4], $0x80, s7, s13, $0xb8;
	[tilespmem:$0x1B800] =	vst v63  }
0x5b: {  	_ =	swait.ge [sflag:s10], $0x2000  }
0x5c: {  	[sflag:s10] =	ssyncset.done $0x0  }
0x5d: {  	s8 =	rddreg [dreg:$0xb];
	[sflag:s10] =	ssyncadd.s32 $0xFFFFE000  }
0x5e: {  	[tilespmem:s16], [sflag:$0x3] =	stream.indirect.gather [hbm4b:s4+s13], $0x80, s8, s13, $0xb8;
	[tilespmem:$0x1B800] =	vst v63  }
0x5f: {  	_ =	swait.ge [sflag:s17], $0x2000  }
0x60: {  	[sflag:s17] =	ssyncset.done $0x0  }
0x61: {  	s9 =	rddreg [dreg:$0xc];
	[sflag:s17] =	ssyncadd.s32 $0xFFFFE000  }
0x62: {  	[spmem:s2] =	stream.indirect.scatter.add.f32 [tilespmem:s14], [sflag:$0x4], $0x80, s9, s13, $0xb8;
	[tilespmem:$0x1B800] =	vst v63  }
0x63: {  	_ =	swait.ge [sflag:s10], $0x2000  }
0x64: {  	[sflag:s10] =	ssyncset.done $0x0  }
0x65: {  	s7 =	rddreg [dreg:$0xd];
	[sflag:s10] =	ssyncadd.s32 $0xFFFFE000  }
0x66: {  	[tilespmem:s14], [sflag:$0x1] =	stream.indirect.gather [hbm4b:s4+s13], $0x80, s7, s13, $0xb8;
	[tilespmem:$0x1B800] =	vst v63  }
0x67: {  	_ =	swait.ge [sflag:s18], $0x2000  }
0x68: {  	[sflag:s18] =	ssyncset.done $0x0  }
0x69: {  	s8 =	rddreg [dreg:$0xe];
	[sflag:s18] =	ssyncadd.s32 $0xFFFFE000  }
0x6a: {  	[spmem:s2] =	stream.indirect.scatter.add.f32 [tilespmem:s15], [sflag:$0x4], $0x80, s8, s13, $0xb8;
	[tilespmem:$0x1B800] =	vst v63  }
0x6b: {  	_ =	swait.ge [sflag:s10], $0x2000  }
0x6c: {  	[sflag:s10] =	ssyncset.done $0x0  }
0x6d: {  	s9 =	rddreg [dreg:$0xf];
	[sflag:s10] =	ssyncadd.s32 $0xFFFFE000  }
0x6e: {  	[tilespmem:s15], [sflag:$0x2] =	stream.indirect.gather [hbm4b:s4+s13], $0x80, s9, s13, $0xb8;
	[tilespmem:$0x1B800] =	vst v63  }
0x6f: {  	_ =	swait.ge [sflag:s19], $0x2000  }
0x70: {  	[sflag:s19] =	ssyncset.done $0x0  }
0x71: {  	s7 =	rddreg [dreg:$0x10];
	[sflag:s19] =	ssyncadd.s32 $0xFFFFE000  }
0x72: {  	[spmem:s2] =	stream.indirect.scatter.add.f32 [tilespmem:s16], [sflag:$0x4], $0x80, s7, s13, $0xb8;
	[tilespmem:$0x1B800] =	vst v63  }
0x73: {  	_ =	swait.ge [sflag:s10], $0x2000  }
0x74: {  	[sflag:s10] =	ssyncset.done $0x0  }
0x75: {  	s8 =	rddreg [dreg:$0x11];
	[sflag:s10] =	ssyncadd.s32 $0xFFFFE000  }
0x76: {  	[tilespmem:s16], [sflag:$0x3] =	stream.indirect.gather [hbm4b:s4+s13], $0x80, s8, s13, $0xb8;
	[tilespmem:$0x1B800] =	vst v63  }
0x77: {  	_ =	swait.ge [sflag:s17], $0x2000  }
0x78: {  	[sflag:s17] =	ssyncset.done $0x0  }
0x79: {  	s9 =	rddreg [dreg:$0x12];
	[sflag:s17] =	ssyncadd.s32 $0xFFFFE000  }
0x7a: {  	[spmem:s2] =	stream.indirect.scatter.add.f32 [tilespmem:s14], [sflag:$0x4], $0x80, s9, s13, $0xb8;
	[tilespmem:$0x1B800] =	vst v63  }
0x7b: {  	_ =	swait.ge [sflag:s10], $0x2000  }
0x7c: {  	[sflag:s10] =	ssyncset.done $0x0  }
0x7d: {  	s7 =	rddreg [dreg:$0x13];
	[sflag:s10] =	ssyncadd.s32 $0xFFFFE000  }
0x7e: {  	[tilespmem:s14], [sflag:$0x1] =	stream.indirect.gather [hbm4b:s4+s13], $0x80, s7, s13, $0xb8;
	[tilespmem:$0x1B800] =	vst v63  }
0x7f: {  	_ =	swait.ge [sflag:s18], $0x2000  }
0x80: {  	[sflag:s18] =	ssyncset.done $0x0  }
0x81: {  	s8 =	rddreg [dreg:$0x14];
	[sflag:s18] =	ssyncadd.s32 $0xFFFFE000  }
0x82: {  	[spmem:s2] =	stream.indirect.scatter.add.f32 [tilespmem:s15], [sflag:$0x4], $0x80, s8, s13, $0xb8;
	[tilespmem:$0x1B800] =	vst v63  }
0x83: {  	_ =	swait.ge [sflag:s10], $0x2000  }
0x84: {  	[sflag:s10] =	ssyncset.done $0x0  }
0x85: {  	s9 =	rddreg [dreg:$0x15];
	[sflag:s10] =	ssyncadd.s32 $0xFFFFE000  }
0x86: {  	[tilespmem:s15], [sflag:$0x2] =	stream.indirect.gather [hbm4b:s4+s13], $0x80, s9, s13, $0xb8;
	[tilespmem:$0x1B800] =	vst v63  }
0x87: {  	_ =	swait.ge [sflag:s19], $0x2000  }
0x88: {  	[sflag:s19] =	ssyncset.done $0x0  }
0x89: {  	s7 =	rddreg [dreg:$0x16];
	[sflag:s19] =	ssyncadd.s32 $0xFFFFE000  }
0x8a: {  	[spmem:s2] =	stream.indirect.scatter.add.f32 [tilespmem:s16], [sflag:$0x4], $0x80, s7, s13, $0xb8;
	[tilespmem:$0x1B800] =	vst v63  }
0x8b: {  	_ =	swait.ge [sflag:s10], $0x2000  }
0x8c: {  	[sflag:s10] =	ssyncset.done $0x0  }
0x8d: {  	s8 =	rddreg [dreg:$0x17];
	[sflag:s10] =	ssyncadd.s32 $0xFFFFE000  }
0x8e: {  	[tilespmem:s16], [sflag:$0x3] =	stream.indirect.gather [hbm4b:s4+s13], $0x80, s8, s13, $0xb8;
	[tilespmem:$0x1B800] =	vst v63  }
0x8f: {  	_ =	swait.ge [sflag:s17], $0x2000  }
0x90: {  	[sflag:s17] =	ssyncset.done $0x0  }
0x91: {  	s9 =	rddreg [dreg:$0x18];
	[sflag:s17] =	ssyncadd.s32 $0xFFFFE000  }
0x92: {  	[spmem:s2] =	stream.indirect.scatter.add.f32 [tilespmem:s14], [sflag:$0x4], $0x80, s9, s13, $0xb8;
	[tilespmem:$0x1B800] =	vst v63  }
0x93: {  	_ =	swait.ge [sflag:s10], $0x2000  }
0x94: {  	[sflag:s10] =	ssyncset.done $0x0  }
0x95: {  	s7 =	rddreg [dreg:$0x19];
	[sflag:s10] =	ssyncadd.s32 $0xFFFFE000  }
0x96: {  	[tilespmem:s14], [sflag:$0x1] =	stream.indirect.gather [hbm4b:s4+s13], $0x80, s7, s13, $0xb8;
	[tilespmem:$0x1B800] =	vst v63  }
0x97: {  	_ =	swait.ge [sflag:s18], $0x2000  }
0x98: {  	[sflag:s18] =	ssyncset.done $0x0  }
0x99: {  	s8 =	rddreg [dreg:$0x1a];
	[sflag:s18] =	ssyncadd.s32 $0xFFFFE000  }
0x9a: {  	[spmem:s2] =	stream.indirect.scatter.add.f32 [tilespmem:s15], [sflag:$0x4], $0x80, s8, s13, $0xb8;
	[tilespmem:$0x1B800] =	vst v63  }
0x9b: {  	_ =	swait.ge [sflag:s10], $0x2000  }
0x9c: {  	[sflag:s10] =	ssyncset.done $0x0  }
0x9d: {  	s9 =	rddreg [dreg:$0x1b];
	[sflag:s10] =	ssyncadd.s32 $0xFFFFE000  }
0x9e: {  	[tilespmem:s15], [sflag:$0x2] =	stream.indirect.gather [hbm4b:s4+s13], $0x80, s9, s13, $0xb8;
	[tilespmem:$0x1B800] =	vst v63  }
0x9f: {  	_ =	swait.ge [sflag:s19], $0x2000  }
0xa0: {  	[sflag:s19] =	ssyncset.done $0x0  }
0xa1: {  	s7 =	rddreg [dreg:$0x1c];
	[sflag:s19] =	ssyncadd.s32 $0xFFFFE000  }
0xa2: {  	[spmem:s2] =	stream.indirect.scatter.add.f32 [tilespmem:s16], [sflag:$0x4], $0x80, s7, s13, $0xb8;
	[tilespmem:$0x1B800] =	vst v63  }
0xa3: {  	_ =	swait.ge [sflag:s10], $0x2000  }
0xa4: {  	[sflag:s10] =	ssyncset.done $0x0  }
0xa5: {  	s8 =	rddreg [dreg:$0x1d];
	[sflag:s10] =	ssyncadd.s32 $0xFFFFE000  }
0xa6: {  	[tilespmem:s16], [sflag:$0x3] =	stream.indirect.gather [hbm4b:s4+s13], $0x80, s8, s13, $0xb8;
	[tilespmem:$0x1B800] =	vst v63  }
0xa7: {  	_ =	swait.ge [sflag:s17], $0x2000  }
0xa8: {  	[sflag:s17] =	ssyncset.done $0x0  }
0xa9: {  	s9 =	rddreg [dreg:$0x1e];
	[sflag:s17] =	ssyncadd.s32 $0xFFFFE000  }
0xaa: {  	[spmem:s2] =	stream.indirect.scatter.add.f32 [tilespmem:s14], [sflag:$0x4], $0x80, s9, s13, $0xb8;
	[tilespmem:$0x1B800] =	vst v63  }
0xab: {  	_ =	swait.ge [sflag:s10], $0x2000  }
0xac: {  	[sflag:s10] =	ssyncset.done $0x0  }
0xad: {  	s7 =	rddreg [dreg:$0x1f];
	[sflag:s10] =	ssyncadd.s32 $0xFFFFE000  }
0xae: {  	[tilespmem:s14], [sflag:$0x1] =	stream.indirect.gather [hbm4b:s4+s13], $0x80, s7, s13, $0xb8;
	[tilespmem:$0x1B800] =	vst v63  }
0xaf: {  	_ =	swait.ge [sflag:s18], $0x2000  }
0xb0: {  	s8 =	sld [smem:$0x7F7]  }
0xb1: {  	[sflag:s18] =	ssyncset.done $0x0  }
0xb2: {  	[sflag:s18] =	ssyncadd.s32 $0xFFFFE000  }
0xb3: {  	[spmem:s2] =	stream.indirect.scatter.add.f32 [tilespmem:s15], [sflag:$0x4], $0x80, s8, s13, $0xb8;
	[tilespmem:$0x1B800] =	vst v63  }
0xb4: {  	_ =	swait.ge [sflag:s10], $0x2000  }
0xb5: {  	s9 =	sld [smem:$0x7F8]  }
0xb6: {  	[sflag:s10] =	ssyncset.done $0x0  }
0xb7: {  	[sflag:s10] =	ssyncadd.s32 $0xFFFFE000  }
0xb8: {  	[tilespmem:s15], [sflag:$0x2] =	stream.indirect.gather [hbm4b:s4+s13], $0x80, s9, s13, $0xb8;
	[tilespmem:$0x1B800] =	vst v63  }
0xb9: {  	_ =	swait.ge [sflag:s19], $0x2000  }
0xba: {  	s7 =	sld [smem:$0x7F9]  }
0xbb: {  	[sflag:s19] =	ssyncset.done $0x0  }
0xbc: {  	[sflag:s19] =	ssyncadd.s32 $0xFFFFE000  }
0xbd: {  	[spmem:s2] =	stream.indirect.scatter.add.f32 [tilespmem:s16], [sflag:$0x4], $0x80, s7, s13, $0xb8;
	[tilespmem:$0x1B800] =	vst v63  }
0xbe: {  	_ =	swait.ge [sflag:s10], $0x2000  }
0xbf: {  	s8 =	sld [smem:$0x7FA]  }
0xc0: {  	[sflag:s10] =	ssyncset.done $0x0  }
0xc1: {  	[sflag:s10] =	ssyncadd.s32 $0xFFFFE000  }
0xc2: {  	[tilespmem:s16], [sflag:$0x3] =	stream.indirect.gather [hbm4b:s4+s13], $0x80, s8, s13, $0xb8;
	[tilespmem:$0x1B800] =	vst v63  }
0xc3: {  	_ =	swait.ge [sflag:s17], $0x2000  }
0xc4: {  	s9 =	sld [smem:$0x7FB]  }
0xc5: {  	[sflag:s17] =	ssyncset.done $0x0  }
0xc6: {  	[sflag:s17] =	ssyncadd.s32 $0xFFFFE000  }
0xc7: {  	[spmem:s2] =	stream.indirect.scatter.add.f32 [tilespmem:s14], [sflag:$0x4], $0x80, s9, s13, $0xb8;
	[tilespmem:$0x1B800] =	vst v63  }
0xc8: {  	_ =	swait.ge [sflag:s10], $0x2000  }
0xc9: {  	[sflag:s10] =	ssyncset.done $0x0  }
0xca: {  	[sflag:s10] =	ssyncadd.s32 $0xFFFFE000  }
0xcb: {  	[tilespmem:s14], [sflag:$0x1] =	stream.indirect.gather [hbm4b:s4+s13], $0x80, s20, s13, $0xb8;
	[tilespmem:$0x1B800] =	vst v63  }
0xcc: {  	_ =	swait.ge [sflag:s18], $0x2000  }
0xcd: {  	[sflag:s18] =	ssyncset.done $0x0  }
0xce: {  	[sflag:s18] =	ssyncadd.s32 $0xFFFFE000  }
0xcf: {  	[spmem:s2] =	stream.indirect.scatter.add.f32 [tilespmem:s15], [sflag:$0x4], $0x80, s21, s13, $0xb8;
	[tilespmem:$0x1B800] =	vst v63  }
0xd0: {  	_ =	swait.ge [sflag:s10], $0x2000  }
0xd1: {  	[sflag:s10] =	ssyncset.done $0x0  }
0xd2: {  	[sflag:s10] =	ssyncadd.s32 $0xFFFFE000  }
0xd3: {  	[tilespmem:s15], [sflag:$0x2] =	stream.indirect.gather [hbm4b:s4+s13], $0x80, s22, s13, $0xb8;
	[tilespmem:$0x1B800] =	vst v63  }
0xd4: {  	_ =	swait.ge [sflag:s19], $0x2000  }
0xd5: {  	[sflag:s19] =	ssyncset.done $0x0  }
0xd6: {  	[sflag:s19] =	ssyncadd.s32 $0xFFFFE000  }
0xd7: {  	[spmem:s2] =	stream.indirect.scatter.add.f32 [tilespmem:s16], [sflag:$0x4], $0x80, s23, s13, $0xb8;
	[tilespmem:$0x1B800] =	vst v63  }
0xd8: {  	_ =	swait.ge [sflag:s10], $0x2000  }
0xd9: {  	[sflag:s10] =	ssyncset.done $0x0  }
0xda: {  	[sflag:s10] =	ssyncadd.s32 $0xFFFFE000  }
0xdb: {  	[tilespmem:s16], [sflag:$0x3] =	stream.indirect.gather [hbm4b:s4+s13], $0x80, s24, s13, $0xb8;
	[tilespmem:$0x1B800] =	vst v63  }
0xdc: {  	_ =	swait.ge [sflag:s17], $0x2000  }
0xdd: {  	[sflag:s17] =	ssyncset.done $0x0  }
0xde: {  	[sflag:s17] =	ssyncadd.s32 $0xFFFFE000  }
0xdf: {  	[spmem:s2] =	stream.indirect.scatter.add.f32 [tilespmem:s14], [sflag:$0x4], $0x80, s25, s13, $0xb8;
	[tilespmem:$0x1B800] =	vst v63  }
0xe0: {  	_ =	swait.ge [sflag:s10], $0x2000  }
0xe1: {  	[sflag:s10] =	ssyncset.done $0x0  }
0xe2: {  	[sflag:s10] =	ssyncadd.s32 $0xFFFFE000  }
0xe3: {  	[tilespmem:s14], [sflag:$0x1] =	stream.indirect.gather [hbm4b:s4+s13], $0x80, s26, s13, $0xb8;
	[tilespmem:$0x1B800] =	vst v63  }
0xe4: {  	_ =	swait.ge [sflag:s18], $0x2000  }
0xe5: {  	[sflag:s18] =	ssyncset.done $0x0  }
0xe6: {  	[sflag:s18] =	ssyncadd.s32 $0xFFFFE000  }
0xe7: {  	[spmem:s2] =	stream.indirect.scatter.add.f32 [tilespmem:s15], [sflag:$0x4], $0x80, s28, s13, $0xb8;
	[tilespmem:$0x1B800] =	vst v63  }
0xe8: {  	_ =	swait.ge [sflag:s10], $0x2000  }
0xe9: {  	[sflag:s10] =	ssyncset.done $0x0  }
0xea: {  	[sflag:s10] =	ssyncadd.s32 $0xFFFFE000  }
0xeb: {  	[tilespmem:s15], [sflag:$0x2] =	stream.indirect.gather [hbm4b:s4+s13], $0x80, s29, s13, $0xb8;
	[tilespmem:$0x1B800] =	vst v63  }
0xec: {  	_ =	swait.ge [sflag:s19], $0x2000  }
0xed: {  	[sflag:s19] =	ssyncset.done $0x0  }
0xee: {  	[sflag:s19] =	ssyncadd.s32 $0xFFFFE000  }
0xef: {  	[spmem:s2] =	stream.indirect.scatter.add.f32 [tilespmem:s16], [sflag:$0x4], $0x80, s30, s13, $0xb8;
	[tilespmem:$0x1B800] =	vst v63  }
0xf0: {  	_ =	swait.ge [sflag:s10], $0x2000  }
0xf1: {  	[sflag:s10] =	ssyncset.done $0x0  }
0xf2: {  	[sflag:s10] =	ssyncadd.s32 $0xFFFFE000  }
0xf3: {  	[tilespmem:s16], [sflag:$0x3] =	stream.indirect.gather [hbm4b:s4+s13], $0x80, s31, s13, $0xb8;
	[tilespmem:$0x1B800] =	vst v63  }
0xf4: {  	_ =	swait.ge [sflag:s17], $0x2000  }
0xf5: {  	[sflag:s17] =	ssyncset.done $0x0  }
0xf6: {  	[sflag:s17] =	ssyncadd.s32 $0xFFFFE000  }
0xf7: {  	[spmem:s2] =	stream.indirect.scatter.add.f32 [tilespmem:s14], [sflag:$0x4], $0x80, s1, s13, $0xb8;
	[tilespmem:$0x1B800] =	vst v63  }
0xf8: {  	_ =	swait.ge [sflag:s10], $0x2000  }
0xf9: {  	[sflag:s10] =	ssyncset.done $0x0  }
0xfa: {  	[sflag:s10] =	ssyncadd.s32 $0xFFFFE000  }
0xfb: {  	_ =	swait.ge [sflag:s18], $0x2000  }
0xfc: {  	[sflag:s18] =	ssyncset.done $0x0  }
0xfd: {  	[sflag:s18] =	ssyncadd.s32 $0xFFFFE000  }
0xfe: {  	[spmem:s2] =	stream.indirect.scatter.add.f32 [tilespmem:s15], [sflag:$0x4], $0x80, s0, s13, $0xb8;
	[tilespmem:$0x1B800] =	vst v63  }
0xff: {  	_ =	swait.ge [sflag:s10], $0x2000  }
0x100: {  	[sflag:s10] =	ssyncset.done $0x0  }
0x101: {  	[sflag:s10] =	ssyncadd.s32 $0xFFFFE000  }
0x102: {  	_ =	swait.ge [sflag:s19], $0x2000  }
0x103: {  	[sflag:s19] =	ssyncset.done $0x0  }
0x104: {  	[sflag:s19] =	ssyncadd.s32 $0xFFFFE000  }
0x105: {  	[spmem:s2] =	stream.indirect.scatter.add.f32 [tilespmem:s16], [sflag:$0x4], $0x80, s5, s13, $0xb8;
	[tilespmem:$0x1B800] =	vst v63  }
0x106: {  	s6 =	simm.s32 $0x300;
	_ =	swait.ge [sflag:s10], $0x2000  }
0x107: {  	s8 =	simm.s32 $0x180;
	s9 =	rddreg [dreg:$0x3];
	[sflag:s10] =	ssyncset.done $0x0  }
.LBB2_2:
0x108: {  	[sflag:s10] =	ssyncadd.s32 $0xFFFFE000;
	s9 =	sadd.s32 s8, s9  }
0x109: {  	[tilespmem:s11], [sflag:$0x4] =	stream.linear.gather [hbm4b:s9+s3], $0xC00, $0x38;
	[tilespmem:$0x1B800] =	vst v63  }
0x10a: {  	_ =	swait.ge [sflag:s10], $0xC00  }
0x10b: {  	s9 =	rddreg [dreg:$0x4];
	[sflag:s10] =	ssyncset.done $0x0  }
0x10c: {  	[sflag:s10] =	ssyncadd.s32 $0xFFFFF400;
	s9 =	sadd.s32 s8, s9  }
0x10d: {  	[tilespmem:s12], [sflag:$0x4] =	stream.linear.gather [hbm4b:s9+s3], $0xC00, $0x38;
	[tilespmem:$0x1B800] =	vst v63  }
0x10e: {  	_ =	swait.ge [sflag:s10], $0xC00  }
0x10f: {  	[sflag:s10] =	ssyncset.done $0x0  }
0x110: {  	s7 =	smov.u32 s6;
	[sflag:s10] =	ssyncadd.s32 $0xFFFFF400  }
0x111: {  	[tilespmem:s14], [sflag:$0x1] =	stream.indirect.gather [hbm4b:s4+s13], $0x80, s11, s13, $0xb8;
	[tilespmem:$0x1B800] =	vst v63  }
0x112: {  	s8 =	smov.u32 s7;
	s7 =	rddreg [dreg:$0x5]  }
0x113: {  	[tilespmem:s15], [sflag:$0x2] =	stream.indirect.gather [hbm4b:s4+s13], $0x80, s7, s13, $0xb8;
	[tilespmem:$0x1B800] =	vst v63  }
0x114: {  	s9 =	rddreg [dreg:$0x6]  }
0x115: {  	[tilespmem:s16], [sflag:$0x3] =	stream.indirect.gather [hbm4b:s4+s13], $0x80, s9, s13, $0xb8;
	[tilespmem:$0x1B800] =	vst v63  }
0x116: {  	_ =	swait.ge [sflag:s17], $0x2000  }
0x117: {  	[sflag:s17] =	ssyncset.done $0x0  }
0x118: {  	[sflag:s17] =	ssyncadd.s32 $0xFFFFE000  }
0x119: {  	[spmem:s2] =	stream.indirect.scatter.add.f32 [tilespmem:s14], [sflag:$0x4], $0x80, s12, s13, $0xb8;
	[tilespmem:$0x1B800] =	vst v63  }
0x11a: {  	_ =	swait.ge [sflag:s10], $0x2000  }
0x11b: {  	[sflag:s10] =	ssyncset.done $0x0  }
0x11c: {  	s9 =	rddreg [dreg:$0x7];
	[sflag:s10] =	ssyncadd.s32 $0xFFFFE000  }
0x11d: {  	[tilespmem:s14], [sflag:$0x1] =	stream.indirect.gather [hbm4b:s4+s13], $0x80, s9, s13, $0xb8;
	[tilespmem:$0x1B800] =	vst v63  }
0x11e: {  	_ =	swait.ge [sflag:s18], $0x2000  }
0x11f: {  	[sflag:s18] =	ssyncset.done $0x0  }
0x120: {  	s9 =	rddreg [dreg:$0x8];
	[sflag:s18] =	ssyncadd.s32 $0xFFFFE000  }
0x121: {  	[spmem:s2] =	stream.indirect.scatter.add.f32 [tilespmem:s15], [sflag:$0x4], $0x80, s9, s13, $0xb8;
	[tilespmem:$0x1B800] =	vst v63  }
0x122: {  	_ =	swait.ge [sflag:s10], $0x2000  }
0x123: {  	[sflag:s10] =	ssyncset.done $0x0  }
0x124: {  	s9 =	rddreg [dreg:$0x9];
	[sflag:s10] =	ssyncadd.s32 $0xFFFFE000  }
0x125: {  	[tilespmem:s15], [sflag:$0x2] =	stream.indirect.gather [hbm4b:s4+s13], $0x80, s9, s13, $0xb8;
	[tilespmem:$0x1B800] =	vst v63  }
0x126: {  	_ =	swait.ge [sflag:s19], $0x2000  }
0x127: {  	[sflag:s19] =	ssyncset.done $0x0  }
0x128: {  	s9 =	rddreg [dreg:$0xa];
	[sflag:s19] =	ssyncadd.s32 $0xFFFFE000  }
0x129: {  	[spmem:s2] =	stream.indirect.scatter.add.f32 [tilespmem:s16], [sflag:$0x4], $0x80, s9, s13, $0xb8;
	[tilespmem:$0x1B800] =	vst v63  }
0x12a: {  	_ =	swait.ge [sflag:s10], $0x2000  }
0x12b: {  	[sflag:s10] =	ssyncset.done $0x0  }
0x12c: {  	s9 =	rddreg [dreg:$0xb];
	[sflag:s10] =	ssyncadd.s32 $0xFFFFE000  }
0x12d: {  	[tilespmem:s16], [sflag:$0x3] =	stream.indirect.gather [hbm4b:s4+s13], $0x80, s9, s13, $0xb8;
	[tilespmem:$0x1B800] =	vst v63  }
0x12e: {  	_ =	swait.ge [sflag:s17], $0x2000  }
0x12f: {  	[sflag:s17] =	ssyncset.done $0x0  }
0x130: {  	s9 =	rddreg [dreg:$0xc];
	[sflag:s17] =	ssyncadd.s32 $0xFFFFE000  }
0x131: {  	[spmem:s2] =	stream.indirect.scatter.add.f32 [tilespmem:s14], [sflag:$0x4], $0x80, s9, s13, $0xb8;
	[tilespmem:$0x1B800] =	vst v63  }
0x132: {  	_ =	swait.ge [sflag:s10], $0x2000  }
0x133: {  	[sflag:s10] =	ssyncset.done $0x0  }
0x134: {  	s9 =	rddreg [dreg:$0xd];
	[sflag:s10] =	ssyncadd.s32 $0xFFFFE000  }
0x135: {  	[tilespmem:s14], [sflag:$0x1] =	stream.indirect.gather [hbm4b:s4+s13], $0x80, s9, s13, $0xb8;
	[tilespmem:$0x1B800] =	vst v63  }
0x136: {  	_ =	swait.ge [sflag:s18], $0x2000  }
0x137: {  	[sflag:s18] =	ssyncset.done $0x0  }
0x138: {  	s9 =	rddreg [dreg:$0xe];
	[sflag:s18] =	ssyncadd.s32 $0xFFFFE000  }
0x139: {  	[spmem:s2] =	stream.indirect.scatter.add.f32 [tilespmem:s15], [sflag:$0x4], $0x80, s9, s13, $0xb8;
	[tilespmem:$0x1B800] =	vst v63  }
0x13a: {  	_ =	swait.ge [sflag:s10], $0x2000  }
0x13b: {  	[sflag:s10] =	ssyncset.done $0x0  }
0x13c: {  	s9 =	rddreg [dreg:$0xf];
	[sflag:s10] =	ssyncadd.s32 $0xFFFFE000  }
0x13d: {  	[tilespmem:s15], [sflag:$0x2] =	stream.indirect.gather [hbm4b:s4+s13], $0x80, s9, s13, $0xb8;
	[tilespmem:$0x1B800] =	vst v63  }
0x13e: {  	_ =	swait.ge [sflag:s19], $0x2000  }
0x13f: {  	[sflag:s19] =	ssyncset.done $0x0  }
0x140: {  	s9 =	rddreg [dreg:$0x10];
	[sflag:s19] =	ssyncadd.s32 $0xFFFFE000  }
0x141: {  	[spmem:s2] =	stream.indirect.scatter.add.f32 [tilespmem:s16], [sflag:$0x4], $0x80, s9, s13, $0xb8;
	[tilespmem:$0x1B800] =	vst v63  }
0x142: {  	_ =	swait.ge [sflag:s10], $0x2000  }
0x143: {  	[sflag:s10] =	ssyncset.done $0x0  }
0x144: {  	s9 =	rddreg [dreg:$0x11];
	[sflag:s10] =	ssyncadd.s32 $0xFFFFE000  }
0x145: {  	[tilespmem:s16], [sflag:$0x3] =	stream.indirect.gather [hbm4b:s4+s13], $0x80, s9, s13, $0xb8;
	[tilespmem:$0x1B800] =	vst v63  }
0x146: {  	_ =	swait.ge [sflag:s17], $0x2000  }
0x147: {  	[sflag:s17] =	ssyncset.done $0x0  }
0x148: {  	s9 =	rddreg [dreg:$0x12];
	[sflag:s17] =	ssyncadd.s32 $0xFFFFE000  }
0x149: {  	[spmem:s2] =	stream.indirect.scatter.add.f32 [tilespmem:s14], [sflag:$0x4], $0x80, s9, s13, $0xb8;
	[tilespmem:$0x1B800] =	vst v63  }
0x14a: {  	_ =	swait.ge [sflag:s10], $0x2000  }
0x14b: {  	[sflag:s10] =	ssyncset.done $0x0  }
0x14c: {  	s9 =	rddreg [dreg:$0x13];
	[sflag:s10] =	ssyncadd.s32 $0xFFFFE000  }
0x14d: {  	[tilespmem:s14], [sflag:$0x1] =	stream.indirect.gather [hbm4b:s4+s13], $0x80, s9, s13, $0xb8;
	[tilespmem:$0x1B800] =	vst v63  }
0x14e: {  	_ =	swait.ge [sflag:s18], $0x2000  }
0x14f: {  	[sflag:s18] =	ssyncset.done $0x0  }
0x150: {  	s9 =	rddreg [dreg:$0x14];
	[sflag:s18] =	ssyncadd.s32 $0xFFFFE000  }
0x151: {  	[spmem:s2] =	stream.indirect.scatter.add.f32 [tilespmem:s15], [sflag:$0x4], $0x80, s9, s13, $0xb8;
	[tilespmem:$0x1B800] =	vst v63  }
0x152: {  	_ =	swait.ge [sflag:s10], $0x2000  }
0x153: {  	[sflag:s10] =	ssyncset.done $0x0  }
0x154: {  	s9 =	rddreg [dreg:$0x15];
	[sflag:s10] =	ssyncadd.s32 $0xFFFFE000  }
0x155: {  	[tilespmem:s15], [sflag:$0x2] =	stream.indirect.gather [hbm4b:s4+s13], $0x80, s9, s13, $0xb8;
	[tilespmem:$0x1B800] =	vst v63  }
0x156: {  	_ =	swait.ge [sflag:s19], $0x2000  }
0x157: {  	[sflag:s19] =	ssyncset.done $0x0  }
0x158: {  	s9 =	rddreg [dreg:$0x16];
	[sflag:s19] =	ssyncadd.s32 $0xFFFFE000  }
0x159: {  	[spmem:s2] =	stream.indirect.scatter.add.f32 [tilespmem:s16], [sflag:$0x4], $0x80, s9, s13, $0xb8;
	[tilespmem:$0x1B800] =	vst v63  }
0x15a: {  	_ =	swait.ge [sflag:s10], $0x2000  }
0x15b: {  	[sflag:s10] =	ssyncset.done $0x0  }
0x15c: {  	s9 =	rddreg [dreg:$0x17];
	[sflag:s10] =	ssyncadd.s32 $0xFFFFE000  }
0x15d: {  	[tilespmem:s16], [sflag:$0x3] =	stream.indirect.gather [hbm4b:s4+s13], $0x80, s9, s13, $0xb8;
	[tilespmem:$0x1B800] =	vst v63  }
0x15e: {  	_ =	swait.ge [sflag:s17], $0x2000  }
0x15f: {  	[sflag:s17] =	ssyncset.done $0x0  }
0x160: {  	s9 =	rddreg [dreg:$0x18];
	[sflag:s17] =	ssyncadd.s32 $0xFFFFE000  }
0x161: {  	[spmem:s2] =	stream.indirect.scatter.add.f32 [tilespmem:s14], [sflag:$0x4], $0x80, s9, s13, $0xb8;
	[tilespmem:$0x1B800] =	vst v63  }
0x162: {  	_ =	swait.ge [sflag:s10], $0x2000  }
0x163: {  	[sflag:s10] =	ssyncset.done $0x0  }
0x164: {  	s9 =	rddreg [dreg:$0x19];
	[sflag:s10] =	ssyncadd.s32 $0xFFFFE000  }
0x165: {  	[tilespmem:s14], [sflag:$0x1] =	stream.indirect.gather [hbm4b:s4+s13], $0x80, s9, s13, $0xb8;
	[tilespmem:$0x1B800] =	vst v63  }
0x166: {  	_ =	swait.ge [sflag:s18], $0x2000  }
0x167: {  	[sflag:s18] =	ssyncset.done $0x0  }
0x168: {  	s9 =	rddreg [dreg:$0x1a];
	[sflag:s18] =	ssyncadd.s32 $0xFFFFE000  }
0x169: {  	[spmem:s2] =	stream.indirect.scatter.add.f32 [tilespmem:s15], [sflag:$0x4], $0x80, s9, s13, $0xb8;
	[tilespmem:$0x1B800] =	vst v63  }
0x16a: {  	_ =	swait.ge [sflag:s10], $0x2000  }
0x16b: {  	[sflag:s10] =	ssyncset.done $0x0  }
0x16c: {  	s9 =	rddreg [dreg:$0x1b];
	[sflag:s10] =	ssyncadd.s32 $0xFFFFE000  }
0x16d: {  	[tilespmem:s15], [sflag:$0x2] =	stream.indirect.gather [hbm4b:s4+s13], $0x80, s9, s13, $0xb8;
	[tilespmem:$0x1B800] =	vst v63  }
0x16e: {  	_ =	swait.ge [sflag:s19], $0x2000  }
0x16f: {  	[sflag:s19] =	ssyncset.done $0x0  }
0x170: {  	s9 =	rddreg [dreg:$0x1c];
	[sflag:s19] =	ssyncadd.s32 $0xFFFFE000  }
0x171: {  	[spmem:s2] =	stream.indirect.scatter.add.f32 [tilespmem:s16], [sflag:$0x4], $0x80, s9, s13, $0xb8;
	[tilespmem:$0x1B800] =	vst v63  }
0x172: {  	_ =	swait.ge [sflag:s10], $0x2000  }
0x173: {  	[sflag:s10] =	ssyncset.done $0x0  }
0x174: {  	s9 =	rddreg [dreg:$0x1d];
	[sflag:s10] =	ssyncadd.s32 $0xFFFFE000  }
0x175: {  	[tilespmem:s16], [sflag:$0x3] =	stream.indirect.gather [hbm4b:s4+s13], $0x80, s9, s13, $0xb8;
	[tilespmem:$0x1B800] =	vst v63  }
0x176: {  	_ =	swait.ge [sflag:s17], $0x2000  }
0x177: {  	[sflag:s17] =	ssyncset.done $0x0  }
0x178: {  	s9 =	rddreg [dreg:$0x1e];
	[sflag:s17] =	ssyncadd.s32 $0xFFFFE000  }
0x179: {  	[spmem:s2] =	stream.indirect.scatter.add.f32 [tilespmem:s14], [sflag:$0x4], $0x80, s9, s13, $0xb8;
	[tilespmem:$0x1B800] =	vst v63  }
0x17a: {  	_ =	swait.ge [sflag:s10], $0x2000  }
0x17b: {  	[sflag:s10] =	ssyncset.done $0x0  }
0x17c: {  	s9 =	rddreg [dreg:$0x1f];
	[sflag:s10] =	ssyncadd.s32 $0xFFFFE000  }
0x17d: {  	[tilespmem:s14], [sflag:$0x1] =	stream.indirect.gather [hbm4b:s4+s13], $0x80, s9, s13, $0xb8;
	[tilespmem:$0x1B800] =	vst v63  }
0x17e: {  	_ =	swait.ge [sflag:s18], $0x2000  }
0x17f: {  	s9 =	sld [smem:$0x7F7]  }
0x180: {  	[sflag:s18] =	ssyncset.done $0x0  }
0x181: {  	[sflag:s18] =	ssyncadd.s32 $0xFFFFE000  }
0x182: {  	[spmem:s2] =	stream.indirect.scatter.add.f32 [tilespmem:s15], [sflag:$0x4], $0x80, s9, s13, $0xb8;
	[tilespmem:$0x1B800] =	vst v63  }
0x183: {  	_ =	swait.ge [sflag:s10], $0x2000  }
0x184: {  	s9 =	sld [smem:$0x7F8]  }
0x185: {  	[sflag:s10] =	ssyncset.done $0x0  }
0x186: {  	[sflag:s10] =	ssyncadd.s32 $0xFFFFE000  }
0x187: {  	[tilespmem:s15], [sflag:$0x2] =	stream.indirect.gather [hbm4b:s4+s13], $0x80, s9, s13, $0xb8;
	[tilespmem:$0x1B800] =	vst v63  }
0x188: {  	_ =	swait.ge [sflag:s19], $0x2000  }
0x189: {  	s9 =	sld [smem:$0x7F9]  }
0x18a: {  	[sflag:s19] =	ssyncset.done $0x0  }
0x18b: {  	[sflag:s19] =	ssyncadd.s32 $0xFFFFE000  }
0x18c: {  	[spmem:s2] =	stream.indirect.scatter.add.f32 [tilespmem:s16], [sflag:$0x4], $0x80, s9, s13, $0xb8;
	[tilespmem:$0x1B800] =	vst v63  }
0x18d: {  	_ =	swait.ge [sflag:s10], $0x2000  }
0x18e: {  	s9 =	sld [smem:$0x7FA]  }
0x18f: {  	[sflag:s10] =	ssyncset.done $0x0  }
0x190: {  	[sflag:s10] =	ssyncadd.s32 $0xFFFFE000  }
0x191: {  	[tilespmem:s16], [sflag:$0x3] =	stream.indirect.gather [hbm4b:s4+s13], $0x80, s9, s13, $0xb8;
	[tilespmem:$0x1B800] =	vst v63  }
0x192: {  	_ =	swait.ge [sflag:s17], $0x2000  }
0x193: {  	s9 =	sld [smem:$0x7FB]  }
0x194: {  	[sflag:s17] =	ssyncset.done $0x0  }
0x195: {  	[sflag:s17] =	ssyncadd.s32 $0xFFFFE000  }
0x196: {  	[spmem:s2] =	stream.indirect.scatter.add.f32 [tilespmem:s14], [sflag:$0x4], $0x80, s9, s13, $0xb8;
	[tilespmem:$0x1B800] =	vst v63  }
0x197: {  	_ =	swait.ge [sflag:s10], $0x2000  }
0x198: {  	[sflag:s10] =	ssyncset.done $0x0  }
0x199: {  	[sflag:s10] =	ssyncadd.s32 $0xFFFFE000  }
0x19a: {  	[tilespmem:s14], [sflag:$0x1] =	stream.indirect.gather [hbm4b:s4+s13], $0x80, s20, s13, $0xb8;
	[tilespmem:$0x1B800] =	vst v63  }
0x19b: {  	_ =	swait.ge [sflag:s18], $0x2000  }
0x19c: {  	[sflag:s18] =	ssyncset.done $0x0  }
0x19d: {  	[sflag:s18] =	ssyncadd.s32 $0xFFFFE000  }
0x19e: {  	[spmem:s2] =	stream.indirect.scatter.add.f32 [tilespmem:s15], [sflag:$0x4], $0x80, s21, s13, $0xb8;
	[tilespmem:$0x1B800] =	vst v63  }
0x19f: {  	_ =	swait.ge [sflag:s10], $0x2000  }
0x1a0: {  	[sflag:s10] =	ssyncset.done $0x0  }
0x1a1: {  	[sflag:s10] =	ssyncadd.s32 $0xFFFFE000  }
0x1a2: {  	[tilespmem:s15], [sflag:$0x2] =	stream.indirect.gather [hbm4b:s4+s13], $0x80, s22, s13, $0xb8;
	[tilespmem:$0x1B800] =	vst v63  }
0x1a3: {  	_ =	swait.ge [sflag:s19], $0x2000  }
0x1a4: {  	[sflag:s19] =	ssyncset.done $0x0  }
0x1a5: {  	[sflag:s19] =	ssyncadd.s32 $0xFFFFE000  }
0x1a6: {  	[spmem:s2] =	stream.indirect.scatter.add.f32 [tilespmem:s16], [sflag:$0x4], $0x80, s23, s13, $0xb8;
	[tilespmem:$0x1B800] =	vst v63  }
0x1a7: {  	_ =	swait.ge [sflag:s10], $0x2000  }
0x1a8: {  	[sflag:s10] =	ssyncset.done $0x0  }
0x1a9: {  	[sflag:s10] =	ssyncadd.s32 $0xFFFFE000  }
0x1aa: {  	[tilespmem:s16], [sflag:$0x3] =	stream.indirect.gather [hbm4b:s4+s13], $0x80, s24, s13, $0xb8;
	[tilespmem:$0x1B800] =	vst v63  }
0x1ab: {  	_ =	swait.ge [sflag:s17], $0x2000  }
0x1ac: {  	[sflag:s17] =	ssyncset.done $0x0  }
0x1ad: {  	[sflag:s17] =	ssyncadd.s32 $0xFFFFE000  }
0x1ae: {  	[spmem:s2] =	stream.indirect.scatter.add.f32 [tilespmem:s14], [sflag:$0x4], $0x80, s25, s13, $0xb8;
	[tilespmem:$0x1B800] =	vst v63  }
0x1af: {  	_ =	swait.ge [sflag:s10], $0x2000  }
0x1b0: {  	[sflag:s10] =	ssyncset.done $0x0  }
0x1b1: {  	[sflag:s10] =	ssyncadd.s32 $0xFFFFE000  }
0x1b2: {  	[tilespmem:s14], [sflag:$0x1] =	stream.indirect.gather [hbm4b:s4+s13], $0x80, s26, s13, $0xb8;
	[tilespmem:$0x1B800] =	vst v63  }
0x1b3: {  	_ =	swait.ge [sflag:s18], $0x2000  }
0x1b4: {  	[sflag:s18] =	ssyncset.done $0x0  }
0x1b5: {  	[sflag:s18] =	ssyncadd.s32 $0xFFFFE000  }
0x1b6: {  	[spmem:s2] =	stream.indirect.scatter.add.f32 [tilespmem:s15], [sflag:$0x4], $0x80, s28, s13, $0xb8;
	[tilespmem:$0x1B800] =	vst v63  }
0x1b7: {  	_ =	swait.ge [sflag:s10], $0x2000  }
0x1b8: {  	[sflag:s10] =	ssyncset.done $0x0  }
0x1b9: {  	[sflag:s10] =	ssyncadd.s32 $0xFFFFE000  }
0x1ba: {  	[tilespmem:s15], [sflag:$0x2] =	stream.indirect.gather [hbm4b:s4+s13], $0x80, s29, s13, $0xb8;
	[tilespmem:$0x1B800] =	vst v63  }
0x1bb: {  	_ =	swait.ge [sflag:s19], $0x2000  }
0x1bc: {  	[sflag:s19] =	ssyncset.done $0x0  }
0x1bd: {  	[sflag:s19] =	ssyncadd.s32 $0xFFFFE000  }
0x1be: {  	[spmem:s2] =	stream.indirect.scatter.add.f32 [tilespmem:s16], [sflag:$0x4], $0x80, s30, s13, $0xb8;
	[tilespmem:$0x1B800] =	vst v63  }
0x1bf: {  	_ =	swait.ge [sflag:s10], $0x2000  }
0x1c0: {  	[sflag:s10] =	ssyncset.done $0x0  }
0x1c1: {  	[sflag:s10] =	ssyncadd.s32 $0xFFFFE000  }
0x1c2: {  	[tilespmem:s16], [sflag:$0x3] =	stream.indirect.gather [hbm4b:s4+s13], $0x80, s31, s13, $0xb8;
	[tilespmem:$0x1B800] =	vst v63  }
0x1c3: {  	_ =	swait.ge [sflag:s17], $0x2000  }
0x1c4: {  	[sflag:s17] =	ssyncset.done $0x0  }
0x1c5: {  	[sflag:s17] =	ssyncadd.s32 $0xFFFFE000  }
0x1c6: {  	[spmem:s2] =	stream.indirect.scatter.add.f32 [tilespmem:s14], [sflag:$0x4], $0x80, s1, s13, $0xb8;
	[tilespmem:$0x1B800] =	vst v63  }
0x1c7: {  	_ =	swait.ge [sflag:s10], $0x2000  }
0x1c8: {  	[sflag:s10] =	ssyncset.done $0x0  }
0x1c9: {  	[sflag:s10] =	ssyncadd.s32 $0xFFFFE000  }
0x1ca: {  	_ =	swait.ge [sflag:s18], $0x2000  }
0x1cb: {  	[sflag:s18] =	ssyncset.done $0x0  }
0x1cc: {  	[sflag:s18] =	ssyncadd.s32 $0xFFFFE000  }
0x1cd: {  	[spmem:s2] =	stream.indirect.scatter.add.f32 [tilespmem:s15], [sflag:$0x4], $0x80, s0, s13, $0xb8;
	[tilespmem:$0x1B800] =	vst v63  }
0x1ce: {  	_ =	swait.ge [sflag:s10], $0x2000  }
0x1cf: {  	[sflag:s10] =	ssyncset.done $0x0  }
0x1d0: {  	[sflag:s10] =	ssyncadd.s32 $0xFFFFE000  }
0x1d1: {  	p0 =	sne.s32 s6, $0x900;
	_ =	swait.ge [sflag:s19], $0x2000  }
.Ltmp0:
0x1d2: {  	[sflag:s19] =	ssyncset.done $0x0;
	(pc) =	sbr.rel @p0 .LBB2_2-.Ltmp0, $4  }
0x1d3: {  	[sflag:s19] =	ssyncadd.s32 $0xFFFFE000  }
0x1d4: {  	[spmem:s2] =	stream.indirect.scatter.add.f32 [tilespmem:s16], [sflag:$0x4], $0x80, s5, s13, $0xb8;
	[tilespmem:$0x1B800] =	vst v63  }
0x1d5: {  	_ =	swait.ge [sflag:s10], $0x2000  }
0x1d6: {  	s6 =	sadd.s32 $0x180, s6;
	s9 =	rddreg [dreg:$0x3];
	[sflag:s10] =	ssyncset.done $0x0  }
0x1d7: {  	[sflag:s10] =	ssyncadd.s32 $0xFFFFE000;
	s6 =	sadd.s32 s8, s9  }
0x1d8: {  	[tilespmem:s11], [sflag:$0x4] =	stream.linear.gather [hbm4b:s6+s3], $0xC00, $0x38;
	[tilespmem:$0x1B800] =	vst v63  }
0x1d9: {  	_ =	swait.ge [sflag:s10], $0xC00  }
0x1da: {  	s7 =	rddreg [dreg:$0x4];
	[sflag:s10] =	ssyncset.done $0x0  }
0x1db: {  	[sflag:s10] =	ssyncadd.s32 $0xFFFFF400;
	s6 =	sadd.s32 s8, s7  }
0x1dc: {  	[tilespmem:s12], [sflag:$0x4] =	stream.linear.gather [hbm4b:s6+s3], $0xC00, $0x38;
	[tilespmem:$0x1B800] =	vst v63  }
0x1dd: {  	_ =	swait.ge [sflag:s10], $0xC00  }
0x1de: {  	[sflag:s10] =	ssyncset.done $0x0  }
0x1df: {  	[sflag:s10] =	ssyncadd.s32 $0xFFFFF400  }
0x1e0: {  	[tilespmem:s14], [sflag:$0x1] =	stream.indirect.gather [hbm4b:s4+s13], $0x80, s11, s13, $0xb8;
	[tilespmem:$0x1B800] =	vst v63  }
0x1e1: {  	s8 =	rddreg [dreg:$0x5]  }
0x1e2: {  	[tilespmem:s15], [sflag:$0x2] =	stream.indirect.gather [hbm4b:s4+s13], $0x80, s8, s13, $0xb8;
	[tilespmem:$0x1B800] =	vst v63  }
0x1e3: {  	s7 =	rddreg [dreg:$0x6]  }
0x1e4: {  	[tilespmem:s16], [sflag:$0x3] =	stream.indirect.gather [hbm4b:s4+s13], $0x80, s7, s13, $0xb8;
	[tilespmem:$0x1B800] =	vst v63  }
0x1e5: {  	_ =	swait.ge [sflag:s17], $0x2000  }
0x1e6: {  	[sflag:s17] =	ssyncset.done $0x0  }
0x1e7: {  	[sflag:s17] =	ssyncadd.s32 $0xFFFFE000  }
0x1e8: {  	[spmem:s2] =	stream.indirect.scatter.add.f32 [tilespmem:s14], [sflag:$0x4], $0x80, s12, s13, $0xb8;
	[tilespmem:$0x1B800] =	vst v63  }
0x1e9: {  	_ =	swait.ge [sflag:s10], $0x2000  }
0x1ea: {  	[sflag:s10] =	ssyncset.done $0x0  }
0x1eb: {  	s9 =	rddreg [dreg:$0x7];
	[sflag:s10] =	ssyncadd.s32 $0xFFFFE000  }
0x1ec: {  	[tilespmem:s14], [sflag:$0x1] =	stream.indirect.gather [hbm4b:s4+s13], $0x80, s9, s13, $0xb8;
	[tilespmem:$0x1B800] =	vst v63  }
0x1ed: {  	_ =	swait.ge [sflag:s18], $0x2000  }
0x1ee: {  	[sflag:s18] =	ssyncset.done $0x0  }
0x1ef: {  	s7 =	rddreg [dreg:$0x8];
	[sflag:s18] =	ssyncadd.s32 $0xFFFFE000  }
0x1f0: {  	[spmem:s2] =	stream.indirect.scatter.add.f32 [tilespmem:s15], [sflag:$0x4], $0x80, s7, s13, $0xb8;
	[tilespmem:$0x1B800] =	vst v63  }
0x1f1: {  	_ =	swait.ge [sflag:s10], $0x2000  }
0x1f2: {  	[sflag:s10] =	ssyncset.done $0x0  }
0x1f3: {  	s8 =	rddreg [dreg:$0x9];
	[sflag:s10] =	ssyncadd.s32 $0xFFFFE000  }
0x1f4: {  	[tilespmem:s15], [sflag:$0x2] =	stream.indirect.gather [hbm4b:s4+s13], $0x80, s8, s13, $0xb8;
	[tilespmem:$0x1B800] =	vst v63  }
0x1f5: {  	_ =	swait.ge [sflag:s19], $0x2000  }
0x1f6: {  	[sflag:s19] =	ssyncset.done $0x0  }
0x1f7: {  	s9 =	rddreg [dreg:$0xa];
	[sflag:s19] =	ssyncadd.s32 $0xFFFFE000  }
0x1f8: {  	[spmem:s2] =	stream.indirect.scatter.add.f32 [tilespmem:s16], [sflag:$0x4], $0x80, s9, s13, $0xb8;
	[tilespmem:$0x1B800] =	vst v63  }
0x1f9: {  	_ =	swait.ge [sflag:s10], $0x2000  }
0x1fa: {  	[sflag:s10] =	ssyncset.done $0x0  }
0x1fb: {  	s7 =	rddreg [dreg:$0xb];
	[sflag:s10] =	ssyncadd.s32 $0xFFFFE000  }
0x1fc: {  	[tilespmem:s16], [sflag:$0x3] =	stream.indirect.gather [hbm4b:s4+s13], $0x80, s7, s13, $0xb8;
	[tilespmem:$0x1B800] =	vst v63  }
0x1fd: {  	_ =	swait.ge [sflag:s17], $0x2000  }
0x1fe: {  	[sflag:s17] =	ssyncset.done $0x0  }
0x1ff: {  	s8 =	rddreg [dreg:$0xc];
	[sflag:s17] =	ssyncadd.s32 $0xFFFFE000  }
0x200: {  	[spmem:s2] =	stream.indirect.scatter.add.f32 [tilespmem:s14], [sflag:$0x4], $0x80, s8, s13, $0xb8;
	[tilespmem:$0x1B800] =	vst v63  }
0x201: {  	_ =	swait.ge [sflag:s10], $0x2000  }
0x202: {  	[sflag:s10] =	ssyncset.done $0x0  }
0x203: {  	s9 =	rddreg [dreg:$0xd];
	[sflag:s10] =	ssyncadd.s32 $0xFFFFE000  }
0x204: {  	[tilespmem:s14], [sflag:$0x1] =	stream.indirect.gather [hbm4b:s4+s13], $0x80, s9, s13, $0xb8;
	[tilespmem:$0x1B800] =	vst v63  }
0x205: {  	_ =	swait.ge [sflag:s18], $0x2000  }
0x206: {  	[sflag:s18] =	ssyncset.done $0x0  }
0x207: {  	s7 =	rddreg [dreg:$0xe];
	[sflag:s18] =	ssyncadd.s32 $0xFFFFE000  }
0x208: {  	[spmem:s2] =	stream.indirect.scatter.add.f32 [tilespmem:s15], [sflag:$0x4], $0x80, s7, s13, $0xb8;
	[tilespmem:$0x1B800] =	vst v63  }
0x209: {  	_ =	swait.ge [sflag:s10], $0x2000  }
0x20a: {  	[sflag:s10] =	ssyncset.done $0x0  }
0x20b: {  	s8 =	rddreg [dreg:$0xf];
	[sflag:s10] =	ssyncadd.s32 $0xFFFFE000  }
0x20c: {  	[tilespmem:s15], [sflag:$0x2] =	stream.indirect.gather [hbm4b:s4+s13], $0x80, s8, s13, $0xb8;
	[tilespmem:$0x1B800] =	vst v63  }
0x20d: {  	_ =	swait.ge [sflag:s19], $0x2000  }
0x20e: {  	[sflag:s19] =	ssyncset.done $0x0  }
0x20f: {  	s9 =	rddreg [dreg:$0x10];
	[sflag:s19] =	ssyncadd.s32 $0xFFFFE000  }
0x210: {  	[spmem:s2] =	stream.indirect.scatter.add.f32 [tilespmem:s16], [sflag:$0x4], $0x80, s9, s13, $0xb8;
	[tilespmem:$0x1B800] =	vst v63  }
0x211: {  	_ =	swait.ge [sflag:s10], $0x2000  }
0x212: {  	[sflag:s10] =	ssyncset.done $0x0  }
0x213: {  	s7 =	rddreg [dreg:$0x11];
	[sflag:s10] =	ssyncadd.s32 $0xFFFFE000  }
0x214: {  	[tilespmem:s16], [sflag:$0x3] =	stream.indirect.gather [hbm4b:s4+s13], $0x80, s7, s13, $0xb8;
	[tilespmem:$0x1B800] =	vst v63  }
0x215: {  	_ =	swait.ge [sflag:s17], $0x2000  }
0x216: {  	[sflag:s17] =	ssyncset.done $0x0  }
0x217: {  	s8 =	rddreg [dreg:$0x12];
	[sflag:s17] =	ssyncadd.s32 $0xFFFFE000  }
0x218: {  	[spmem:s2] =	stream.indirect.scatter.add.f32 [tilespmem:s14], [sflag:$0x4], $0x80, s8, s13, $0xb8;
	[tilespmem:$0x1B800] =	vst v63  }
0x219: {  	_ =	swait.ge [sflag:s10], $0x2000  }
0x21a: {  	[sflag:s10] =	ssyncset.done $0x0  }
0x21b: {  	s9 =	rddreg [dreg:$0x13];
	[sflag:s10] =	ssyncadd.s32 $0xFFFFE000  }
0x21c: {  	[tilespmem:s14], [sflag:$0x1] =	stream.indirect.gather [hbm4b:s4+s13], $0x80, s9, s13, $0xb8;
	[tilespmem:$0x1B800] =	vst v63  }
0x21d: {  	_ =	swait.ge [sflag:s18], $0x2000  }
0x21e: {  	[sflag:s18] =	ssyncset.done $0x0  }
0x21f: {  	s7 =	rddreg [dreg:$0x14];
	[sflag:s18] =	ssyncadd.s32 $0xFFFFE000  }
0x220: {  	[spmem:s2] =	stream.indirect.scatter.add.f32 [tilespmem:s15], [sflag:$0x4], $0x80, s7, s13, $0xb8;
	[tilespmem:$0x1B800] =	vst v63  }
0x221: {  	_ =	swait.ge [sflag:s10], $0x2000  }
0x222: {  	[sflag:s10] =	ssyncset.done $0x0  }
0x223: {  	s8 =	rddreg [dreg:$0x15];
	[sflag:s10] =	ssyncadd.s32 $0xFFFFE000  }
0x224: {  	[tilespmem:s15], [sflag:$0x2] =	stream.indirect.gather [hbm4b:s4+s13], $0x80, s8, s13, $0xb8;
	[tilespmem:$0x1B800] =	vst v63  }
0x225: {  	_ =	swait.ge [sflag:s19], $0x2000  }
0x226: {  	[sflag:s19] =	ssyncset.done $0x0  }
0x227: {  	s9 =	rddreg [dreg:$0x16];
	[sflag:s19] =	ssyncadd.s32 $0xFFFFE000  }
0x228: {  	[spmem:s2] =	stream.indirect.scatter.add.f32 [tilespmem:s16], [sflag:$0x4], $0x80, s9, s13, $0xb8;
	[tilespmem:$0x1B800] =	vst v63  }
0x229: {  	_ =	swait.ge [sflag:s10], $0x2000  }
0x22a: {  	[sflag:s10] =	ssyncset.done $0x0  }
0x22b: {  	s7 =	rddreg [dreg:$0x17];
	[sflag:s10] =	ssyncadd.s32 $0xFFFFE000  }
0x22c: {  	[tilespmem:s16], [sflag:$0x3] =	stream.indirect.gather [hbm4b:s4+s13], $0x80, s7, s13, $0xb8;
	[tilespmem:$0x1B800] =	vst v63  }
0x22d: {  	_ =	swait.ge [sflag:s17], $0x2000  }
0x22e: {  	[sflag:s17] =	ssyncset.done $0x0  }
0x22f: {  	s8 =	rddreg [dreg:$0x18];
	[sflag:s17] =	ssyncadd.s32 $0xFFFFE000  }
0x230: {  	[spmem:s2] =	stream.indirect.scatter.add.f32 [tilespmem:s14], [sflag:$0x4], $0x80, s8, s13, $0xb8;
	[tilespmem:$0x1B800] =	vst v63  }
0x231: {  	_ =	swait.ge [sflag:s10], $0x2000  }
0x232: {  	[sflag:s10] =	ssyncset.done $0x0  }
0x233: {  	s9 =	rddreg [dreg:$0x19];
	[sflag:s10] =	ssyncadd.s32 $0xFFFFE000  }
0x234: {  	[tilespmem:s14], [sflag:$0x1] =	stream.indirect.gather [hbm4b:s4+s13], $0x80, s9, s13, $0xb8;
	[tilespmem:$0x1B800] =	vst v63  }
0x235: {  	_ =	swait.ge [sflag:s18], $0x2000  }
0x236: {  	[sflag:s18] =	ssyncset.done $0x0  }
0x237: {  	s7 =	rddreg [dreg:$0x1a];
	[sflag:s18] =	ssyncadd.s32 $0xFFFFE000  }
0x238: {  	[spmem:s2] =	stream.indirect.scatter.add.f32 [tilespmem:s15], [sflag:$0x4], $0x80, s7, s13, $0xb8;
	[tilespmem:$0x1B800] =	vst v63  }
0x239: {  	_ =	swait.ge [sflag:s10], $0x2000  }
0x23a: {  	[sflag:s10] =	ssyncset.done $0x0  }
0x23b: {  	s8 =	rddreg [dreg:$0x1b];
	[sflag:s10] =	ssyncadd.s32 $0xFFFFE000  }
0x23c: {  	[tilespmem:s15], [sflag:$0x2] =	stream.indirect.gather [hbm4b:s4+s13], $0x80, s8, s13, $0xb8;
	[tilespmem:$0x1B800] =	vst v63  }
0x23d: {  	_ =	swait.ge [sflag:s19], $0x2000  }
0x23e: {  	[sflag:s19] =	ssyncset.done $0x0  }
0x23f: {  	s9 =	rddreg [dreg:$0x1c];
	[sflag:s19] =	ssyncadd.s32 $0xFFFFE000  }
0x240: {  	[spmem:s2] =	stream.indirect.scatter.add.f32 [tilespmem:s16], [sflag:$0x4], $0x80, s9, s13, $0xb8;
	[tilespmem:$0x1B800] =	vst v63  }
0x241: {  	_ =	swait.ge [sflag:s10], $0x2000  }
0x242: {  	[sflag:s10] =	ssyncset.done $0x0  }
0x243: {  	s7 =	rddreg [dreg:$0x1d];
	[sflag:s10] =	ssyncadd.s32 $0xFFFFE000  }
0x244: {  	[tilespmem:s16], [sflag:$0x3] =	stream.indirect.gather [hbm4b:s4+s13], $0x80, s7, s13, $0xb8;
	[tilespmem:$0x1B800] =	vst v63  }
0x245: {  	_ =	swait.ge [sflag:s17], $0x2000  }
0x246: {  	[sflag:s17] =	ssyncset.done $0x0  }
0x247: {  	s8 =	rddreg [dreg:$0x1e];
	[sflag:s17] =	ssyncadd.s32 $0xFFFFE000  }
0x248: {  	[spmem:s2] =	stream.indirect.scatter.add.f32 [tilespmem:s14], [sflag:$0x4], $0x80, s8, s13, $0xb8;
	[tilespmem:$0x1B800] =	vst v63  }
0x249: {  	_ =	swait.ge [sflag:s10], $0x2000  }
0x24a: {  	[sflag:s10] =	ssyncset.done $0x0  }
0x24b: {  	s9 =	rddreg [dreg:$0x1f];
	[sflag:s10] =	ssyncadd.s32 $0xFFFFE000  }
0x24c: {  	[tilespmem:s14], [sflag:$0x1] =	stream.indirect.gather [hbm4b:s4+s13], $0x80, s9, s13, $0xb8;
	[tilespmem:$0x1B800] =	vst v63  }
0x24d: {  	_ =	swait.ge [sflag:s18], $0x2000  }
0x24e: {  	s7 =	sld [smem:$0x7F7]  }
0x24f: {  	[sflag:s18] =	ssyncset.done $0x0  }
0x250: {  	[sflag:s18] =	ssyncadd.s32 $0xFFFFE000  }
0x251: {  	[spmem:s2] =	stream.indirect.scatter.add.f32 [tilespmem:s15], [sflag:$0x4], $0x80, s7, s13, $0xb8;
	[tilespmem:$0x1B800] =	vst v63  }
0x252: {  	_ =	swait.ge [sflag:s10], $0x2000  }
0x253: {  	s8 =	sld [smem:$0x7F8]  }
0x254: {  	[sflag:s10] =	ssyncset.done $0x0  }
0x255: {  	[sflag:s10] =	ssyncadd.s32 $0xFFFFE000  }
0x256: {  	[tilespmem:s15], [sflag:$0x2] =	stream.indirect.gather [hbm4b:s4+s13], $0x80, s8, s13, $0xb8;
	[tilespmem:$0x1B800] =	vst v63  }
0x257: {  	_ =	swait.ge [sflag:s19], $0x2000  }
0x258: {  	s9 =	sld [smem:$0x7F9]  }
0x259: {  	[sflag:s19] =	ssyncset.done $0x0  }
0x25a: {  	[sflag:s19] =	ssyncadd.s32 $0xFFFFE000  }
0x25b: {  	[spmem:s2] =	stream.indirect.scatter.add.f32 [tilespmem:s16], [sflag:$0x4], $0x80, s9, s13, $0xb8;
	[tilespmem:$0x1B800] =	vst v63  }
0x25c: {  	_ =	swait.ge [sflag:s10], $0x2000  }
0x25d: {  	s7 =	sld [smem:$0x7FA]  }
0x25e: {  	[sflag:s10] =	ssyncset.done $0x0  }
0x25f: {  	[sflag:s10] =	ssyncadd.s32 $0xFFFFE000  }
0x260: {  	[tilespmem:s16], [sflag:$0x3] =	stream.indirect.gather [hbm4b:s4+s13], $0x80, s7, s13, $0xb8;
	[tilespmem:$0x1B800] =	vst v63  }
0x261: {  	_ =	swait.ge [sflag:s17], $0x2000  }
0x262: {  	s8 =	sld [smem:$0x7FB]  }
0x263: {  	[sflag:s17] =	ssyncset.done $0x0  }
0x264: {  	[sflag:s17] =	ssyncadd.s32 $0xFFFFE000  }
0x265: {  	[spmem:s2] =	stream.indirect.scatter.add.f32 [tilespmem:s14], [sflag:$0x4], $0x80, s8, s13, $0xb8;
	[tilespmem:$0x1B800] =	vst v63  }
0x266: {  	_ =	swait.ge [sflag:s10], $0x2000  }
0x267: {  	[sflag:s10] =	ssyncset.done $0x0  }
0x268: {  	[sflag:s10] =	ssyncadd.s32 $0xFFFFE000  }
0x269: {  	[tilespmem:s14], [sflag:$0x1] =	stream.indirect.gather [hbm4b:s4+s13], $0x80, s20, s13, $0xb8;
	[tilespmem:$0x1B800] =	vst v63  }
0x26a: {  	_ =	swait.ge [sflag:s18], $0x2000  }
0x26b: {  	[sflag:s18] =	ssyncset.done $0x0  }
0x26c: {  	[sflag:s18] =	ssyncadd.s32 $0xFFFFE000  }
0x26d: {  	[spmem:s2] =	stream.indirect.scatter.add.f32 [tilespmem:s15], [sflag:$0x4], $0x80, s21, s13, $0xb8;
	[tilespmem:$0x1B800] =	vst v63  }
0x26e: {  	_ =	swait.ge [sflag:s10], $0x2000  }
0x26f: {  	[sflag:s10] =	ssyncset.done $0x0  }
0x270: {  	[sflag:s10] =	ssyncadd.s32 $0xFFFFE000  }
0x271: {  	[tilespmem:s15], [sflag:$0x2] =	stream.indirect.gather [hbm4b:s4+s13], $0x80, s22, s13, $0xb8;
	[tilespmem:$0x1B800] =	vst v63  }
0x272: {  	_ =	swait.ge [sflag:s19], $0x2000  }
0x273: {  	[sflag:s19] =	ssyncset.done $0x0  }
0x274: {  	[sflag:s19] =	ssyncadd.s32 $0xFFFFE000  }
0x275: {  	[spmem:s2] =	stream.indirect.scatter.add.f32 [tilespmem:s16], [sflag:$0x4], $0x80, s23, s13, $0xb8;
	[tilespmem:$0x1B800] =	vst v63  }
0x276: {  	_ =	swait.ge [sflag:s10], $0x2000  }
0x277: {  	[sflag:s10] =	ssyncset.done $0x0  }
0x278: {  	[sflag:s10] =	ssyncadd.s32 $0xFFFFE000  }
0x279: {  	[tilespmem:s16], [sflag:$0x3] =	stream.indirect.gather [hbm4b:s4+s13], $0x80, s24, s13, $0xb8;
	[tilespmem:$0x1B800] =	vst v63  }
0x27a: {  	_ =	swait.ge [sflag:s17], $0x2000  }
0x27b: {  	[sflag:s17] =	ssyncset.done $0x0  }
0x27c: {  	[sflag:s17] =	ssyncadd.s32 $0xFFFFE000  }
0x27d: {  	[spmem:s2] =	stream.indirect.scatter.add.f32 [tilespmem:s14], [sflag:$0x4], $0x80, s25, s13, $0xb8;
	[tilespmem:$0x1B800] =	vst v63  }
0x27e: {  	_ =	swait.ge [sflag:s10], $0x2000  }
0x27f: {  	[sflag:s10] =	ssyncset.done $0x0  }
0x280: {  	[sflag:s10] =	ssyncadd.s32 $0xFFFFE000  }
0x281: {  	[tilespmem:s14], [sflag:$0x1] =	stream.indirect.gather [hbm4b:s4+s13], $0x80, s26, s13, $0xb8;
	[tilespmem:$0x1B800] =	vst v63  }
0x282: {  	_ =	swait.ge [sflag:s18], $0x2000  }
0x283: {  	[sflag:s18] =	ssyncset.done $0x0  }
0x284: {  	[sflag:s18] =	ssyncadd.s32 $0xFFFFE000  }
0x285: {  	[spmem:s2] =	stream.indirect.scatter.add.f32 [tilespmem:s15], [sflag:$0x4], $0x80, s28, s13, $0xb8;
	[tilespmem:$0x1B800] =	vst v63  }
0x286: {  	_ =	swait.ge [sflag:s10], $0x2000  }
0x287: {  	[sflag:s10] =	ssyncset.done $0x0  }
0x288: {  	[sflag:s10] =	ssyncadd.s32 $0xFFFFE000  }
0x289: {  	[tilespmem:s15], [sflag:$0x2] =	stream.indirect.gather [hbm4b:s4+s13], $0x80, s29, s13, $0xb8;
	[tilespmem:$0x1B800] =	vst v63  }
0x28a: {  	_ =	swait.ge [sflag:s19], $0x2000  }
0x28b: {  	[sflag:s19] =	ssyncset.done $0x0  }
0x28c: {  	[sflag:s19] =	ssyncadd.s32 $0xFFFFE000  }
0x28d: {  	[spmem:s2] =	stream.indirect.scatter.add.f32 [tilespmem:s16], [sflag:$0x4], $0x80, s30, s13, $0xb8;
	[tilespmem:$0x1B800] =	vst v63  }
0x28e: {  	_ =	swait.ge [sflag:s10], $0x2000  }
0x28f: {  	[sflag:s10] =	ssyncset.done $0x0  }
0x290: {  	[sflag:s10] =	ssyncadd.s32 $0xFFFFE000  }
0x291: {  	[tilespmem:s16], [sflag:$0x3] =	stream.indirect.gather [hbm4b:s4+s13], $0x80, s31, s13, $0xb8;
	[tilespmem:$0x1B800] =	vst v63  }
0x292: {  	_ =	swait.ge [sflag:s17], $0x2000  }
0x293: {  	[sflag:s17] =	ssyncset.done $0x0  }
0x294: {  	[sflag:s17] =	ssyncadd.s32 $0xFFFFE000  }
0x295: {  	[spmem:s2] =	stream.indirect.scatter.add.f32 [tilespmem:s14], [sflag:$0x4], $0x80, s1, s13, $0xb8;
	[tilespmem:$0x1B800] =	vst v63  }
0x296: {  	_ =	swait.ge [sflag:s10], $0x2000  }
0x297: {  	[sflag:s10] =	ssyncset.done $0x0  }
0x298: {  	[sflag:s10] =	ssyncadd.s32 $0xFFFFE000  }
0x299: {  	_ =	swait.ge [sflag:s18], $0x2000  }
0x29a: {  	[sflag:s18] =	ssyncset.done $0x0  }
0x29b: {  	[sflag:s18] =	ssyncadd.s32 $0xFFFFE000  }
0x29c: {  	[spmem:s2] =	stream.indirect.scatter.add.f32 [tilespmem:s15], [sflag:$0x4], $0x80, s0, s13, $0xb8;
	[tilespmem:$0x1B800] =	vst v63  }
0x29d: {  	_ =	swait.ge [sflag:s10], $0x2000  }
0x29e: {  	[sflag:s10] =	ssyncset.done $0x0  }
0x29f: {  	[sflag:s10] =	ssyncadd.s32 $0xFFFFE000  }
0x2a0: {  	_ =	swait.ge [sflag:s19], $0x2000  }
0x2a1: {  	[sflag:s19] =	ssyncset.done $0x0  }
0x2a2: {  	[sflag:s19] =	ssyncadd.s32 $0xFFFFE000  }
0x2a3: {  	[spmem:s2] =	stream.indirect.scatter.add.f32 [tilespmem:s16], [sflag:$0x4], $0x80, s5, s13, $0xb8;
	[tilespmem:$0x1B800] =	vst v63  }
0x2a4: {  	_ =	swait.ge [sflag:s10], $0x2000  }
0x2a5: {  	[sflag:s10] =	ssyncset.done $0x0  }
0x2a6: {  	[sflag:s10] =	ssyncadd.s32 $0xFFFFE000  }
0x2a7: {  	[bflag:$0x0] =	sbarrier.arrive $0xFFFF  }
0x2a8: {  	s7 =	sld [smem:$0x7FC]  }
0x2a9: {  	s9 =	sld [smem:$0x7F5]  }
0x2aa: {  	s8 =	sld [smem:$0x7FD];
	_ =	sdelay $0x2  }
0x2ab: {  	[hbm:s9], [sflag:s7] =	dma.local [spmem:s8], $0x2800  }
0x2ac: {  	_ =	swait.ge [sflag:s10], $0x2800  }
0x2ad: {  	s6 =	sld [smem:$0x7F3];
	_ =	sdelay $0x2  }
0x2ae: {  	s9 =	sadd.s32 $0x1, s6;
	s6 =	sld [smem:$0x7F6];
	_ =	sdelay $0x2  }
0x2af: {  	p0 =	sne.s32 s9, s6  }
.Ltmp1:
0x2b0: {  	_ = 	snop;
	(pc) =	sbr.rel @p0 .LBB2_1-.Ltmp1, $3  }
0x2b1: {  	_ =	sdelay $0x1  }
0x2b2: {  	[sflag:s10] =	ssyncset.done $0x0  }
0x2b3: {  	[sflag:s10] =	ssyncadd.s32 $0xFFFFD800  }
0x2b4: {  	_ =	sfence.sel $0x180000  }
0x2b5: {  	[bflag:$0x0] =	sbarrier.arrive $0xFFFF  }
0x2b6: {  	_ =	strace $0x9000004A  }
0x2b7: {  	s0 =	stileid.u32;
	[bflag:$0x2] =	sbarrier.arrive $0xFFFF  }
0x2b8: {  	p0 =	sne.s32 s0, $0x0;
	s0 =	rddreg [dreg:$0x2]  }
0x2b9: {  	s0 =	sadd.s32 @!p0 $0x100000, s0  }
0x2ba: {  	[sflag:s0] =	ssyncadd.tile.s32 @!p0 $0x1;
	_ =	shalt  }
.Lfunc_end2:
_tile_overlayer_lowered:
.L_overlay_start_2:
0x2bb: {  	(tag) =	ssettag $0x2  }
0x2bc: {  	s0 =	rddreg [dreg:$0x0];
	s2 =	stileid.u32  }
0x2bd: {  	s1 =	rddreg [dreg:$0x1];
	p0 =	sne.s32 s2, $0x0  }
0x2be: {  	s3 =	rddreg [dreg:$0x2];
	[bflag:$0x3] =	sbarrier.arrive $0xFFFF;
	s2 =	simm.s32 @!p0 $0x1C04  }
0x2bf: {  	[timem:s3], [sflag:s2] =	dma.local @!p0 [hbm:s0], s1  }
0x2c0: {  	s0 =	simm.s32 @!p0 $0x4  }
0x2c1: {  	_ =	swait.ge @!p0 [sflag:s0], s1  }
0x2c2: {  	s1 =	ssub.s32 @!p0 $0x0, s1;
	[sflag:s0] =	ssyncset.done @!p0 $0x0  }
0x2c3: {  	[sflag:s0] =	ssyncadd.s32 @!p0 s1  }
0x2c4: {  	[bflag:$0x3] =	sbarrier.arrive $0xFFFF  }
0x2c5: {  	_ =	shalt  }

// kernel: kernel.14.cloned.1.call-start
scs
__scs_entry_jumppad:
0x0: {  	(pc) =	sbr.rel $0x88, $3  }
0x1: {  	(tag) =	ssettag $0x0;
	lr =	simm.s32 $0x1  }
0x2: {  	[smem:$0x3F9B] =	sst lr;
	_ =	strace $0xD0000000  }
0x3: {  	_ = 	snop  }
0x4: {  	_ = 	snop  }
0x5: {  	_ = 	snop  }
0x6: {  	_ = 	snop  }
0x7: {  	_ = 	snop  }
__scs_overlays_trampoline_lowered:
0x8: {  	[smem:$0x3FAA] =	sst s0  }
0x9: {  	[smem:$0x3FAB] =	sst s1  }
0xa: {  	[smem:$0x3FAC] =	sst s2  }
0xb: {  	[smem:$0x3FAD] =	sst s3  }
0xc: {  	[smem:$0x3FAE] =	sst s4  }
0xd: {  	[smem:$0x3FAF] =	sst s5  }
0xe: {  	[smem:$0x3FB0] =	sst s6  }
0xf: {  	[smem:$0x3FB1] =	sst s7  }
0x10: {  	[smem:$0x3FB2] =	sst s8  }
0x11: {  	[smem:$0x3FB3] =	sst s9;
	s0 =	simm.s32 @!p0 $0x0  }
0x12: {  	s1 =	sld [smem:$0x3F99];
	s0 =	simm.s32 @p0 $0x1  }
0x13: {  	[smem:$0x3FB4] =	sst s0;
	s0 =	simm.s32 @!p1 $0x0  }
0x14: {  	s2 =	sld [smem:$0x3F98];
	s0 =	simm.s32 @p1 $0x1  }
0x15: {  	[smem:$0x3FB5] =	sst s0;
	s0 =	simm.s32 @!p2 $0x0  }
0x16: {  	s3 =	sld [smem:$0x3FDB];
	s0 =	simm.s32 @p2 $0x1  }
0x17: {  	s4 =	simm.s32 $0x1BF5;
	[smem:$0x3FB7] =	sst s0  }
0x18: {  	s0 =	sld [smem:$0x3F9A];
	_ =	swait.ge [sflag:s4], $0x0  }
0x19: {  	s7 =	sld [smem:$0x3F9B]  }
0x1a: {  	s8 =	sadd.s32 $0xFFFFE003, lr  }
0x1b: {  	s9 =	sadd.s32 $0xFFFFFEF7, lr;
	s5 =	simm.s32 $0xFFFFFFFF;
	p2 =	slt.u32 s8, $0xFFFFF086  }
0x1c: {  	p1 =	slt.u32 s9, $0xF7A;
	s5 =	simm.s32 @!p2 $0x0  }
0x1d: {  	s5 =	simm.s32 @p1 $0x1;
	p0 =	seq.s32 s7, s2  }
0x1e: {  	s7 =	smul.u32 @!p0 $0xF7A, s2;
	p2 =	seq.s32 @!p0 s5, $0x0  }
0x1f: {  	s9 =	smul.u32 $0xF7A, s1;
	s8 =	simm.s32 @!p0 $0x1BF5;
	p2 =	por !p2, p0  }
0x20: {  	[sflag:s8] =	ssyncset.s32 @!p0 $0xFFFFF086;
	s6 =	sadd.s32 @!p0 s3, s7;
	s7 =	simm.s32 @!p0 $0x108  }
0x21: {  	s3 =	sadd.s32 s3, s9;
	s6 =	sadd.s32 @!p0 $0x88, s6;
	s7 =	simm.s32 @p2 $0x1082  }
0x22: {  	[simem:s7], [sflag:s8] =	dma.local @!p0 [hbm:s6], $0xF7A  }
0x23: {  	s9 =	sor.u32 $0xD0000000, s2;
	s6 =	simm.s32 $0x108;
	_ =	swait.ge @!p0 [sflag:s8], $0x0  }
0x24: {  	s3 =	sadd.s32 $0x88, s3;
	s6 =	simm.s32 @!p1 $0x1082;
	[sflag:s4] =	ssyncset.s32 $0xFFFFF086  }
0x25: {  	[simem:s6], [sflag:s4] =	dma.local [hbm:s3], $0xF7A  }
0x26: {  	[smem:$0x3F9B] =	sst s1;
	(tag) =	ssettag s2;
	_ =	strace s9  }
0x27: {  	s1 =	sld [smem:$0x3FAB]  }
0x28: {  	s2 =	sld [smem:$0x3FAC]  }
0x29: {  	s4 =	sld [smem:$0x3FAE]  }
0x2a: {  	p0 =	seq.s32 s5, $0x0;
	s5 =	sld [smem:$0x3FAF]  }
0x2b: {  	s6 =	sld [smem:$0x3FB0]  }
0x2c: {  	s7 =	sld [smem:$0x3FB1]  }
0x2d: {  	s3 =	simm.s32 $0x108;
	s8 =	sld [smem:$0x3FB2]  }
0x2e: {  	s3 =	simm.s32 @!p0 $0x1082;
	s9 =	sld [smem:$0x3FB3]  }
0x2f: {  	lr =	sadd.s32 s0, s3;
	s0 =	sld [smem:$0x3FAA]  }
0x30: {  	s3 =	sld [smem:$0x3FAD]  }
0x31: {  	[smem:$0x3FB6] =	sst s10  }
0x32: {  	s10 =	sld [smem:$0x3FB4];
	_ =	sdelay $0x3  }
0x33: {  	p0 =	seq.s32 s10, $0x1;
	s10 =	sld [smem:$0x3FB6];
	_ =	sdelay $0x3  }
0x34: {  	[smem:$0x3FB6] =	sst s10  }
0x35: {  	s10 =	sld [smem:$0x3FB5];
	_ =	sdelay $0x3  }
0x36: {  	p1 =	seq.s32 s10, $0x1;
	s10 =	sld [smem:$0x3FB6];
	_ =	sdelay $0x3  }
0x37: {  	[smem:$0x3FB6] =	sst s10  }
0x38: {  	s10 =	sld [smem:$0x3FB7]  }
0x39: {  	_ = 	snop;
	(pc) =	sbr.ind lr, $3  }
0x3a: {  	_ = 	snop  }
0x3b: {  	_ = 	snop  }
0x3c: {  	p2 =	seq.s32 s10, $0x1;
	s10 =	sld [smem:$0x3FB6]  }
0x3d: {  	_ =	shalt  }
0x3e: {  	_ =	shalt  }
0x3f: {  	_ =	shalt  }
0x40: {  	_ =	shalt  }
0x41: {  	_ =	shalt  }
0x42: {  	_ =	shalt  }
0x43: {  	_ =	shalt  }
0x44: {  	_ =	shalt  }
0x45: {  	_ =	shalt  }
0x46: {  	_ =	shalt  }
0x47: {  	_ =	shalt  }
0x48: {  	_ =	shalt  }
0x49: {  	_ =	shalt  }
0x4a: {  	_ =	shalt  }
0x4b: {  	_ =	shalt  }
0x4c: {  	_ =	shalt  }
0x4d: {  	_ =	shalt  }
0x4e: {  	_ =	shalt  }
0x4f: {  	_ =	shalt  }
0x50: {  	_ =	shalt  }
0x51: {  	_ =	shalt  }
0x52: {  	_ =	shalt  }
0x53: {  	_ =	shalt  }
0x54: {  	_ =	shalt  }
0x55: {  	_ =	shalt  }
0x56: {  	_ =	shalt  }
0x57: {  	_ =	shalt  }
0x58: {  	_ =	shalt  }
0x59: {  	_ =	shalt  }
0x5a: {  	_ =	shalt  }
0x5b: {  	_ =	shalt  }
0x5c: {  	_ =	shalt  }
0x5d: {  	_ =	shalt  }
0x5e: {  	_ =	shalt  }
0x5f: {  	_ =	shalt  }
0x60: {  	_ =	shalt  }
0x61: {  	_ =	shalt  }
0x62: {  	_ =	shalt  }
0x63: {  	_ =	shalt  }
0x64: {  	_ =	shalt  }
0x65: {  	_ =	shalt  }
0x66: {  	_ =	shalt  }
0x67: {  	_ =	shalt  }
0x68: {  	_ =	shalt  }
0x69: {  	_ =	shalt  }
0x6a: {  	_ =	shalt  }
0x6b: {  	_ =	shalt  }
0x6c: {  	_ =	shalt  }
0x6d: {  	_ =	shalt  }
0x6e: {  	_ =	shalt  }
0x6f: {  	_ =	shalt  }
0x70: {  	_ =	shalt  }
0x71: {  	_ =	shalt  }
0x72: {  	_ =	shalt  }
0x73: {  	_ =	shalt  }
0x74: {  	_ =	shalt  }
0x75: {  	_ =	shalt  }
0x76: {  	_ =	shalt  }
0x77: {  	_ =	shalt  }
0x78: {  	_ =	shalt  }
0x79: {  	_ =	shalt  }
0x7a: {  	_ =	shalt  }
0x7b: {  	_ =	shalt  }
0x7c: {  	_ =	shalt  }
0x7d: {  	_ =	shalt  }
0x7e: {  	_ =	shalt  }
0x7f: {  	_ =	shalt  }
0x80: {  	_ =	shalt  }
0x81: {  	_ =	shalt  }
0x82: {  	_ =	shalt  }
0x83: {  	_ =	shalt  }
0x84: {  	_ =	shalt  }
0x85: {  	_ =	shalt  }
0x86: {  	_ =	shalt  }
0x87: {  	_ =	shalt  }
.Lfunc_end0:
.L_simem_size_0:
called_computation.2_lowered:
.L_overlay_start_0:
0x88: {  	s2 =	sld [smem:$0x3FD9]  }
0x89: {  	s3 =	sld [smem:$0x3FFE];
	_ =	sdelay $0x1  }
0x8a: {  	s1 =	srdreg.scid  }
0x8b: {  	s0 =	sand.u32 $0x1, s1  }
0x8c: {  	s16 =	sshll.u32 s0, $0xA;
	s2 =	sadd.s32 s3, s2  }
0x8d: {  	s2 =	sadd.s32 s2, s16  }
0x8e: {  	[smem:$0x3FC2] =	sst s2  }
0x8f: {  	_ = 	snop  }
0x90: {  	(tm) =	ssettm $0x1  }
0x91: {  	s17 =	sld [smem:$0x3FFB];
	_ =	sdelay $0x3  }
0x92: {  	_ =	strace s17  }
0x93: {  	s2 =	sld [smem:$0x3FFC];
	_ =	sdelay $0x3  }
0x94: {  	_ =	strace s2  }
0x95: {  	s2 =	sld [smem:$0x3FFD];
	_ =	sdelay $0x3  }
0x96: {  	_ =	strace s2  }
0x97: {  	_ =	strace $0x8FFFFFFF  }
0x98: {  	s18 =	sld [smem:$0x3FDB];
	_ =	sdelay $0x1  }
0x99: {  	s19 =	simm.s32 $_scs_section_size  }
0x9a: {  	s4 =	simm.s32 $_size__tile_overlayer_lowered;
	s5 =	simm.s32 $_tile_overlayer_lowered  }
0x9b: {  	s22 =	simm.s32 $0x1BFF;
	s21 =	sshll.u32 s5, $0x1;
	s2 =	sadd.s32 s19, s18  }
0x9c: {  	s6 =	simm.s32 $0x0;
	s20 =	sshll.u32 s4, $0x1;
	s4 =	sadd.s32 s21, s2  }
0x9d: {  	[timem:s6], [sflag:s22] =	dma.local [hbm:s4], s20  }
0x9e: {  	_ =	swait.ge [sflag:s22], s20  }
0x9f: {  	s3 =	ssub.s32 $0x0, s20;
	[sflag:s22] =	ssyncset.done $0x0  }
0xa0: {  	[sflag:s22] =	ssyncadd.s32 s3;
	_ =	sdelay $0x1  }
0xa1: {  	s23 =	simm.s32 $0x1B8B  }
0xa2: {  	_ =	swait.ge [sflag:s23], $0x1  }
0xa3: {  	[sflag:s23] =	ssyncset.done $0x0  }
0xa4: {  	s25 =	simm.s32 $0x1B8E;
	s24 =	sld [smem:$0x3FFE];
	[sflag:s23] =	ssyncadd.s32 $0xFFFFFFFF  }
0xa5: {  	s26 =	simm.s32 $execute0_lowered;
	[smem:$0x3FD2] =	sst s25  }
0xa6: {  	s4 =	sshll.u32 s26, $0x1;
	_ =	strace $0x8000004C;
	[dreg:$0x1] =	wrdreg $0xFFFFFFFF  }
0xa7: {  	s28 =	simm.s32 $_size_execute0_lowered;
	s2 =	sadd.s32 s2, s4;
	[dreg:$0x0] =	wrdreg $0x0  }
0xa8: {  	s4 =	sshll.u32 s28, $0x1;
	[dreg:$0x2] =	wrdreg s2  }
0xa9: {  	[dreg:$0x3] =	wrdreg s4  }
0xaa: {  	[dreg:$0x4] =	wrdreg $0xC0  }
0xab: {  	_ =	task [dreg:s6], $0x5FFFF  }
0xac: {  	[dreg:$0x1] =	wrdreg $0xFFFFFFFF  }
0xad: {  	[dreg:$0x0] =	wrdreg $0x60  }
0xae: {  	[dreg:$0x2] =	wrdreg s24  }
0xaf: {  	[dreg:$0x3] =	wrdreg $0x0  }
0xb0: {  	[dreg:$0x4] =	wrdreg $0x9  }
0xb1: {  	_ =	task.clear_ibuf [dreg:s6], $0x5FFFF;
	_ =	strace $0x9000004C  }
0xb2: {  	s29 =	simm.s32 $0x9;
	_ =	strace $0x8000004E  }
0xb3: {  	_ =	swait.ge [sflag:s29], $0x1  }
0xb4: {  	[sflag:s29] =	ssyncadd.s32 $0xFFFFFFFF  }
0xb5: {  	_ =	strace $0x9000004E  }
0xb6: {  	_ =	sfence  }
0xb7: {  	s30 =	sld [smem:$0x0];
	_ =	sdelay $0x2  }
0xb8: {  	s31 =	sshll.u32 s1, $0xD;
	s1 =	sshrl.u32 s1, $0x2  }
0xb9: {  	s3 =	sand.u32 $0x4000, s31;
	s1 =	sadd.s32 s1, s30  }
0xba: {  	s0 =	sor.u32 s3, s0;
	s1 =	sshll.u32 s1, $0x11  }
0xbb: {  	s0 =	sor.u32 s1, s0  }
0xbc: {  	s0 =	sadd.s32 $0x8F2B, s0  }
0xbd: {  	[sflag:s0] =	ssyncadd.remote.s32 $0x1  }
0xbe: {  	_ =	sfence.sel $0xFFFF  }
0xbf: {  	[dreg:$0x0] =	wrdreg $0xFFFFFFFF;
	(pc) =	sbr.abs _section_cstart, $3  }
0xc0: {  	[dreg:$0x1] =	wrdreg $0xFFFFFFFF  }
0xc1: {  	_ =	task.clear_ibuf [dreg:s6], $0x2FFFF;
	_ =	strace $0x9FFFFFFF  }
0xc2: {  	(tm) =	ssettm $0x7FFFFFFF  }
0xc3: {  	_ =	shalt  }
tec
execute0_lowered:
.L_overlay_start_1:
0x0: {  	(tag) =	ssettag $0x1  }
0x1: {  	s1 =	srdreg.scid  }
0x2: {  	s0 =	stileid.u32;
	s6 =	rddreg [dreg:$0x0]  }
0x3: {  	s2 =	rddreg [dreg:$0x1];
	s3 =	simm.s32 $0x0;
	s14 =	simm.s32 $0x5200  }
0x4: {  	s15 =	simm.s32 $0x3;
	s16 =	simm.s32 $0x2800;
	s17 =	simm.s32 $0x3D00  }
0x5: {  	s18 =	simm.s32 $0x80;
	s19 =	simm.s32 $0x2880;
	s20 =	simm.s32 $0x5A00  }
0x6: {  	s21 =	simm.s32 $0x1;
	s22 =	simm.s32 $0x2;
	s23 =	simm.s32 $0x5100  }
0x7: {  	s24 =	simm.s32 $0x5180;
	s5 =	sand.u32 $0x1, s1;
	s8 =	smul.u32 $0x2800, s0  }
0x8: {  	s28 =	sshll.u32 s0, $0x1;
	[smem:$0x7FF] =	sst s3;
	s10 =	smul.u32 $0xA000, s0  }
0x9: {  	s4 =	sadd.s32 $0x16E00, s6;
	s1 =	sor.u32 s5, s28;
	s9 =	smul.u32 $0x28000, s5  }
0xa: {  	s5 =	ssub.s32 $0x2, s5;
	s7 =	smul.u32 $0x2A0, s1;
	s1 =	rddreg [dreg:$0x2]  }
0xb: {  	_ =	strace $0x8000004D;
	s30 =	sshrl.u32 s10, $0x2;
	s31 =	sshrl.u32 s5, $0x1  }
0xc: {  	s29 =	sadd.s32 s8, s9;
	s9 =	sadd.s32 s30, s2;
	s13 =	ssub.s32 s5, s31  }
0xd: {  	s5 =	sadd.s32 s8, s2;
	s11 =	sadd.s32 s7, s6;
	s7 =	sshrl.u32 s29, $0x3  }
0xe: {  	s8 =	sadd.s32 $0x1800, s9;
	s13 =	smax.u32 s13, $0x1;
	s12 =	sadd.s32 s7, s6  }
0xf: {  	s6 =	sadd.s32 $0x800, s9;
	s7 =	sadd.s32 $0x1000, s9;
	s9 =	sadd.s32 $0x2000, s9  }
0x10: {  	v0 =	vimm.f32 $0.0e+00;
	s10 =	sadd.s32 $0x7A00, s11;
	s11 =	sadd.s32 $0x2600, s11;
	s12 =	sadd.s32 $0x1BE00, s12  }
.LBB2_1:
0x11: {  	s25 =	simm.s32 $0x40;
	s26 =	simm.s32 $0x0  }
.LBB2_2:
0x12: {  	p0 =	sne.s32 s25, $0x1FC0;
	[tilespmem:s26+$0x5200] =	vst v0;
	s26 =	smov.u32 s25;
	s25 =	sadd.s32 $0x40, s25  }
.Ltmp0:
0x13: {  	(pc) =	sbr.rel @p0 .LBB2_2-.Ltmp0, $2  }
0x14: {  	_ =	sdelay $0x2  }
0x15: {  	s26 =	sshra.s32 s26, $0x2  }
0x16: {  	[tilespmem:s26+$0x5200] =	vst v0  }
0x17: {  	[spmem:s5] =	stream.linear.scatter [tilespmem:s14], [sflag:$0x3], $0x800, $0x38;
	[tilespmem:$0x6200] =	vst v63  }
0x18: {  	_ =	swait.ge [sflag:s15], $0x800  }
0x19: {  	[sflag:s15] =	ssyncset.done $0x0  }
0x1a: {  	[sflag:s15] =	ssyncadd.s32 $0xFFFFF800  }
0x1b: {  	[spmem:s6] =	stream.linear.scatter [tilespmem:s14], [sflag:$0x3], $0x800, $0x38;
	[tilespmem:$0x6200] =	vst v63  }
0x1c: {  	_ =	swait.ge [sflag:s15], $0x800  }
0x1d: {  	[sflag:s15] =	ssyncset.done $0x0  }
0x1e: {  	[sflag:s15] =	ssyncadd.s32 $0xFFFFF800  }
0x1f: {  	[spmem:s7] =	stream.linear.scatter [tilespmem:s14], [sflag:$0x3], $0x800, $0x38;
	[tilespmem:$0x6200] =	vst v63  }
0x20: {  	_ =	swait.ge [sflag:s15], $0x800  }
0x21: {  	[sflag:s15] =	ssyncset.done $0x0  }
0x22: {  	[sflag:s15] =	ssyncadd.s32 $0xFFFFF800  }
0x23: {  	[spmem:s8] =	stream.linear.scatter [tilespmem:s14], [sflag:$0x3], $0x800, $0x38;
	[tilespmem:$0x6200] =	vst v63  }
0x24: {  	_ =	swait.ge [sflag:s15], $0x800  }
0x25: {  	[sflag:s15] =	ssyncset.done $0x0  }
0x26: {  	[sflag:s15] =	ssyncadd.s32 $0xFFFFF800  }
0x27: {  	[spmem:s9] =	stream.linear.scatter [tilespmem:s14], [sflag:$0x3], $0x800, $0x38;
	[tilespmem:$0x6200] =	vst v63  }
0x28: {  	_ =	swait.ge [sflag:s15], $0x800  }
0x29: {  	[sflag:s15] =	ssyncset.done $0x0  }
0x2a: {  	[sflag:s15] =	ssyncadd.s32 $0xFFFFF800  }
0x2b: {  	s25 =	simm.s32 $0x0;
	[bflag:$0x0] =	sbarrier.arrive $0xFFFF  }
0x2c: {  	[tilespmem:s16], [sflag:$0x3] =	stream.linear.gather [hbm4b:s10+s25], $0x1500, $0x38;
	[tilespmem:$0x6200] =	vst v63  }
0x2d: {  	_ =	swait.ge [sflag:s15], $0x1500  }
0x2e: {  	[sflag:s15] =	ssyncset.done $0x0  }
0x2f: {  	[sflag:s15] =	ssyncadd.s32 $0xFFFFEB00  }
0x30: {  	[tilespmem:s17], [sflag:$0x3] =	stream.linear.gather [hbm4b:s11+s25], $0x1500, $0x38;
	[tilespmem:$0x6200] =	vst v63  }
0x31: {  	_ =	swait.ge [sflag:s15], $0x1500  }
0x32: {  	[sflag:s15] =	ssyncset.done $0x0  }
0x33: {  	[sflag:s15] =	ssyncadd.s32 $0xFFFFEB00  }
0x34: {  	[tilespmem:s14], [sflag:$0x1] =	stream.indirect.gather [hbm4b:s4+s18], $0x10, s16, s18, $0xb8;
	[tilespmem:$0x6200] =	vst v63  }
0x35: {  	_ = 	snop  }
0x36: {  	[tilespmem:s20], [sflag:$0x2] =	stream.indirect.gather [hbm4b:s4+s18], $0x10, s19, s18, $0xb8;
	[tilespmem:$0x6200] =	vst v63  }
0x37: {  	_ =	swait.ge [sflag:s21], $0x800  }
0x38: {  	[sflag:s21] =	ssyncset.done $0x0  }
0x39: {  	s29 =	simm.s32 $0x3D00;
	[sflag:s21] =	ssyncadd.s32 $0xFFFFF800  }
0x3a: {  	[spmem:s2] =	stream.indirect.scatter.add.f32 [tilespmem:s14], [sflag:$0x3], $0x10, s29, s18, $0xb8;
	[tilespmem:$0x6200] =	vst v63  }
0x3b: {  	_ =	swait.ge [sflag:s15], $0x800  }
0x3c: {  	[sflag:s15] =	ssyncset.done $0x0  }
0x3d: {  	s30 =	simm.s32 $0x2900;
	[sflag:s15] =	ssyncadd.s32 $0xFFFFF800  }
0x3e: {  	[tilespmem:s14], [sflag:$0x1] =	stream.indirect.gather [hbm4b:s4+s18], $0x10, s30, s18, $0xb8;
	[tilespmem:$0x6200] =	vst v63  }
0x3f: {  	_ =	swait.ge [sflag:s22], $0x800  }
0x40: {  	[sflag:s22] =	ssyncset.done $0x0  }
0x41: {  	s31 =	simm.s32 $0x3D80;
	[sflag:s22] =	ssyncadd.s32 $0xFFFFF800  }
0x42: {  	[spmem:s2] =	stream.indirect.scatter.add.f32 [tilespmem:s20], [sflag:$0x3], $0x10, s31, s18, $0xb8;
	[tilespmem:$0x6200] =	vst v63  }
0x43: {  	_ =	swait.ge [sflag:s15], $0x800  }
0x44: {  	[sflag:s15] =	ssyncset.done $0x0  }
0x45: {  	s26 =	simm.s32 $0x2980;
	s25 =	simm.s32 $0x400;
	[sflag:s15] =	ssyncadd.s32 $0xFFFFF800  }
.LBB2_4:
0x46: {  	[tilespmem:s20], [sflag:$0x2] =	stream.indirect.gather [hbm4b:s4+s18], $0x10, s26, s18, $0xb8;
	[tilespmem:$0x6200] =	vst v63  }
0x47: {  	s26 =	smov.u32 s25  }
0x48: {  	p0 =	sne.s32 s25, $0x4C00;
	s25 =	sadd.s32 $0x400, s25;
	_ =	swait.ge [sflag:s21], $0x800  }
0x49: {  	s26 =	sshra.s32 s26, $0x2;
	[sflag:s21] =	ssyncset.done $0x0  }
0x4a: {  	s28 =	sadd.s32 $0x3D00, s26;
	[sflag:s21] =	ssyncadd.s32 $0xFFFFF800  }
0x4b: {  	[spmem:s2] =	stream.indirect.scatter.add.f32 [tilespmem:s14], [sflag:$0x3], $0x10, s28, s18, $0xb8;
	[tilespmem:$0x6200] =	vst v63  }
0x4c: {  	_ =	swait.ge [sflag:s15], $0x800  }
0x4d: {  	[sflag:s15] =	ssyncset.done $0x0  }
0x4e: {  	s28 =	sadd.s32 $0x2900, s26;
	[sflag:s15] =	ssyncadd.s32 $0xFFFFF800  }
0x4f: {  	[tilespmem:s14], [sflag:$0x1] =	stream.indirect.gather [hbm4b:s4+s18], $0x10, s28, s18, $0xb8;
	[tilespmem:$0x6200] =	vst v63  }
0x50: {  	_ =	swait.ge [sflag:s22], $0x800  }
0x51: {  	[sflag:s22] =	ssyncset.done $0x0  }
.Ltmp1:
0x52: {  	s28 =	sadd.s32 $0x3D80, s26;
	[sflag:s22] =	ssyncadd.s32 $0xFFFFF800;
	(pc) =	sbr.rel @p0 .LBB2_4-.Ltmp1, $4  }
0x53: {  	[spmem:s2] =	stream.indirect.scatter.add.f32 [tilespmem:s20], [sflag:$0x3], $0x10, s28, s18, $0xb8;
	[tilespmem:$0x6200] =	vst v63  }
0x54: {  	_ =	swait.ge [sflag:s15], $0x800  }
0x55: {  	[sflag:s15] =	ssyncset.done $0x0  }
0x56: {  	s26 =	sadd.s32 $0x2980, s26;
	[sflag:s15] =	ssyncadd.s32 $0xFFFFF800  }
0x57: {  	[tilespmem:s20], [sflag:$0x2] =	stream.indirect.gather [hbm4b:s4+s18], $0x10, s26, s18, $0xb8;
	[tilespmem:$0x6200] =	vst v63  }
0x58: {  	_ =	swait.ge [sflag:s21], $0x800  }
0x59: {  	[sflag:s21] =	ssyncset.done $0x0  }
0x5a: {  	[sflag:s21] =	ssyncadd.s32 $0xFFFFF800  }
0x5b: {  	[spmem:s2] =	stream.indirect.scatter.add.f32 [tilespmem:s14], [sflag:$0x3], $0x10, s23, s18, $0xb8;
	[tilespmem:$0x6200] =	vst v63  }
0x5c: {  	_ =	swait.ge [sflag:s15], $0x800  }
0x5d: {  	[sflag:s15] =	ssyncset.done $0x0  }
0x5e: {  	[sflag:s15] =	ssyncadd.s32 $0xFFFFF800  }
0x5f: {  	_ =	swait.ge [sflag:s22], $0x800  }
0x60: {  	[sflag:s22] =	ssyncset.done $0x0  }
0x61: {  	[sflag:s22] =	ssyncadd.s32 $0xFFFFF800  }
0x62: {  	[spmem:s2] =	stream.indirect.scatter.add.f32 [tilespmem:s20], [sflag:$0x3], $0x10, s24, s18, $0xb8;
	[tilespmem:$0x6200] =	vst v63  }
0x63: {  	_ =	swait.ge [sflag:s15], $0x800  }
0x64: {  	s25 =	sshll.u32 s0, $0x6;
	s3 =	sadd.s32 $0x1, s3;
	[sflag:s15] =	ssyncset.done $0x0  }
0x65: {  	s31 =	sshrl.u32 s5, $0x3;
	p0 =	sne.s32 s3, s13;
	[sflag:s15] =	ssyncadd.s32 $0xFFFFF800  }
.Ltmp2:
0x66: {  	s25 =	sor.u32 $0x1C03, s25;
	[bflag:$0x0] =	sbarrier.arrive $0xFFFF;
	(pc) =	sbr.rel @p0 .LBB2_1-.Ltmp2, $4  }
0x67: {  	[hbm:s12], [sflag:s25] =	dma.local [spmem:s31], $0x500  }
0x68: {  	_ =	swait.ge [sflag:s15], $0x500  }
0x69: {  	[sflag:s15] =	ssyncset.done $0x0  }
0x6a: {  	[sflag:s15] =	ssyncadd.s32 $0xFFFFFB00  }
0x6b: {  	_ =	sfence.sel $0x180000  }
0x6c: {  	[bflag:$0x0] =	sbarrier.arrive $0xFFFF  }
0x6d: {  	p0 =	sne.s32 s0, $0x0;
	_ =	strace $0x9000004D  }
0x6e: {  	s0 =	sadd.s32 @!p0 $0x100000, s1;
	[bflag:$0x2] =	sbarrier.arrive $0xFFFF  }
0x6f: {  	[sflag:s0] =	ssyncadd.tile.s32 @!p0 $0x1;
	_ =	shalt  }
.Lfunc_end2:
_tile_overlayer_lowered:
.L_overlay_start_2:
0x70: {  	(tag) =	ssettag $0x2  }
0x71: {  	s0 =	rddreg [dreg:$0x0];
	s2 =	stileid.u32  }
0x72: {  	s1 =	rddreg [dreg:$0x1];
	p0 =	sne.s32 s2, $0x0  }
0x73: {  	s3 =	rddreg [dreg:$0x2];
	[bflag:$0x3] =	sbarrier.arrive $0xFFFF;
	s2 =	simm.s32 @!p0 $0x1C03  }
0x74: {  	[timem:s3], [sflag:s2] =	dma.local @!p0 [hbm:s0], s1  }
0x75: {  	s0 =	simm.s32 @!p0 $0x3  }
0x76: {  	_ =	swait.ge @!p0 [sflag:s0], s1  }
0x77: {  	s1 =	ssub.s32 @!p0 $0x0, s1;
	[sflag:s0] =	ssyncset.done @!p0 $0x0  }
0x78: {  	[sflag:s0] =	ssyncadd.s32 @!p0 s1  }
0x79: {  	[bflag:$0x3] =	sbarrier.arrive $0xFFFF  }
0x7a: {  	_ =	shalt  }

// kernel: kernel.17.cloned.1.call-start
scs
__scs_entry_jumppad:
0x0: {  	(pc) =	sbr.rel $0x88, $3  }
0x1: {  	(tag) =	ssettag $0x0;
	lr =	simm.s32 $0x1  }
0x2: {  	[smem:$0x3F9B] =	sst lr;
	_ =	strace $0xD0000000  }
0x3: {  	_ = 	snop  }
0x4: {  	_ = 	snop  }
0x5: {  	_ = 	snop  }
0x6: {  	_ = 	snop  }
0x7: {  	_ = 	snop  }
__scs_overlays_trampoline_lowered:
0x8: {  	[smem:$0x3FAA] =	sst s0  }
0x9: {  	[smem:$0x3FAB] =	sst s1  }
0xa: {  	[smem:$0x3FAC] =	sst s2  }
0xb: {  	[smem:$0x3FAD] =	sst s3  }
0xc: {  	[smem:$0x3FAE] =	sst s4  }
0xd: {  	[smem:$0x3FAF] =	sst s5  }
0xe: {  	[smem:$0x3FB0] =	sst s6  }
0xf: {  	[smem:$0x3FB1] =	sst s7  }
0x10: {  	[smem:$0x3FB2] =	sst s8  }
0x11: {  	[smem:$0x3FB3] =	sst s9;
	s0 =	simm.s32 @!p0 $0x0  }
0x12: {  	s1 =	sld [smem:$0x3F99];
	s0 =	simm.s32 @p0 $0x1  }
0x13: {  	[smem:$0x3FB4] =	sst s0;
	s0 =	simm.s32 @!p1 $0x0  }
0x14: {  	s2 =	sld [smem:$0x3F98];
	s0 =	simm.s32 @p1 $0x1  }
0x15: {  	[smem:$0x3FB5] =	sst s0;
	s0 =	simm.s32 @!p2 $0x0  }
0x16: {  	s3 =	sld [smem:$0x3FDB];
	s0 =	simm.s32 @p2 $0x1  }
0x17: {  	s4 =	simm.s32 $0x1BF5;
	[smem:$0x3FB7] =	sst s0  }
0x18: {  	s0 =	sld [smem:$0x3F9A];
	_ =	swait.ge [sflag:s4], $0x0  }
0x19: {  	s7 =	sld [smem:$0x3F9B]  }
0x1a: {  	s8 =	sadd.s32 $0xFFFFE003, lr  }
0x1b: {  	s9 =	sadd.s32 $0xFFFFFEF7, lr;
	s5 =	simm.s32 $0xFFFFFFFF;
	p2 =	slt.u32 s8, $0xFFFFF086  }
0x1c: {  	p1 =	slt.u32 s9, $0xF7A;
	s5 =	simm.s32 @!p2 $0x0  }
0x1d: {  	s5 =	simm.s32 @p1 $0x1;
	p0 =	seq.s32 s7, s2  }
0x1e: {  	s7 =	smul.u32 @!p0 $0xF7A, s2;
	p2 =	seq.s32 @!p0 s5, $0x0  }
0x1f: {  	s9 =	smul.u32 $0xF7A, s1;
	s8 =	simm.s32 @!p0 $0x1BF5;
	p2 =	por !p2, p0  }
0x20: {  	[sflag:s8] =	ssyncset.s32 @!p0 $0xFFFFF086;
	s6 =	sadd.s32 @!p0 s3, s7;
	s7 =	simm.s32 @!p0 $0x108  }
0x21: {  	s3 =	sadd.s32 s3, s9;
	s6 =	sadd.s32 @!p0 $0x88, s6;
	s7 =	simm.s32 @p2 $0x1082  }
0x22: {  	[simem:s7], [sflag:s8] =	dma.local @!p0 [hbm:s6], $0xF7A  }
0x23: {  	s9 =	sor.u32 $0xD0000000, s2;
	s6 =	simm.s32 $0x108;
	_ =	swait.ge @!p0 [sflag:s8], $0x0  }
0x24: {  	s3 =	sadd.s32 $0x88, s3;
	s6 =	simm.s32 @!p1 $0x1082;
	[sflag:s4] =	ssyncset.s32 $0xFFFFF086  }
0x25: {  	[simem:s6], [sflag:s4] =	dma.local [hbm:s3], $0xF7A  }
0x26: {  	[smem:$0x3F9B] =	sst s1;
	(tag) =	ssettag s2;
	_ =	strace s9  }
0x27: {  	s1 =	sld [smem:$0x3FAB]  }
0x28: {  	s2 =	sld [smem:$0x3FAC]  }
0x29: {  	s4 =	sld [smem:$0x3FAE]  }
0x2a: {  	p0 =	seq.s32 s5, $0x0;
	s5 =	sld [smem:$0x3FAF]  }
0x2b: {  	s6 =	sld [smem:$0x3FB0]  }
0x2c: {  	s7 =	sld [smem:$0x3FB1]  }
0x2d: {  	s3 =	simm.s32 $0x108;
	s8 =	sld [smem:$0x3FB2]  }
0x2e: {  	s3 =	simm.s32 @!p0 $0x1082;
	s9 =	sld [smem:$0x3FB3]  }
0x2f: {  	lr =	sadd.s32 s0, s3;
	s0 =	sld [smem:$0x3FAA]  }
0x30: {  	s3 =	sld [smem:$0x3FAD]  }
0x31: {  	[smem:$0x3FB6] =	sst s10  }
0x32: {  	s10 =	sld [smem:$0x3FB4];
	_ =	sdelay $0x3  }
0x33: {  	p0 =	seq.s32 s10, $0x1;
	s10 =	sld [smem:$0x3FB6];
	_ =	sdelay $0x3  }
0x34: {  	[smem:$0x3FB6] =	sst s10  }
0x35: {  	s10 =	sld [smem:$0x3FB5];
	_ =	sdelay $0x3  }
0x36: {  	p1 =	seq.s32 s10, $0x1;
	s10 =	sld [smem:$0x3FB6];
	_ =	sdelay $0x3  }
0x37: {  	[smem:$0x3FB6] =	sst s10  }
0x38: {  	s10 =	sld [smem:$0x3FB7]  }
0x39: {  	_ = 	snop;
	(pc) =	sbr.ind lr, $3  }
0x3a: {  	_ = 	snop  }
0x3b: {  	_ = 	snop  }
0x3c: {  	p2 =	seq.s32 s10, $0x1;
	s10 =	sld [smem:$0x3FB6]  }
0x3d: {  	_ =	shalt  }
0x3e: {  	_ =	shalt  }
0x3f: {  	_ =	shalt  }
0x40: {  	_ =	shalt  }
0x41: {  	_ =	shalt  }
0x42: {  	_ =	shalt  }
0x43: {  	_ =	shalt  }
0x44: {  	_ =	shalt  }
0x45: {  	_ =	shalt  }
0x46: {  	_ =	shalt  }
0x47: {  	_ =	shalt  }
0x48: {  	_ =	shalt  }
0x49: {  	_ =	shalt  }
0x4a: {  	_ =	shalt  }
0x4b: {  	_ =	shalt  }
0x4c: {  	_ =	shalt  }
0x4d: {  	_ =	shalt  }
0x4e: {  	_ =	shalt  }
0x4f: {  	_ =	shalt  }
0x50: {  	_ =	shalt  }
0x51: {  	_ =	shalt  }
0x52: {  	_ =	shalt  }
0x53: {  	_ =	shalt  }
0x54: {  	_ =	shalt  }
0x55: {  	_ =	shalt  }
0x56: {  	_ =	shalt  }
0x57: {  	_ =	shalt  }
0x58: {  	_ =	shalt  }
0x59: {  	_ =	shalt  }
0x5a: {  	_ =	shalt  }
0x5b: {  	_ =	shalt  }
0x5c: {  	_ =	shalt  }
0x5d: {  	_ =	shalt  }
0x5e: {  	_ =	shalt  }
0x5f: {  	_ =	shalt  }
0x60: {  	_ =	shalt  }
0x61: {  	_ =	shalt  }
0x62: {  	_ =	shalt  }
0x63: {  	_ =	shalt  }
0x64: {  	_ =	shalt  }
0x65: {  	_ =	shalt  }
0x66: {  	_ =	shalt  }
0x67: {  	_ =	shalt  }
0x68: {  	_ =	shalt  }
0x69: {  	_ =	shalt  }
0x6a: {  	_ =	shalt  }
0x6b: {  	_ =	shalt  }
0x6c: {  	_ =	shalt  }
0x6d: {  	_ =	shalt  }
0x6e: {  	_ =	shalt  }
0x6f: {  	_ =	shalt  }
0x70: {  	_ =	shalt  }
0x71: {  	_ =	shalt  }
0x72: {  	_ =	shalt  }
0x73: {  	_ =	shalt  }
0x74: {  	_ =	shalt  }
0x75: {  	_ =	shalt  }
0x76: {  	_ =	shalt  }
0x77: {  	_ =	shalt  }
0x78: {  	_ =	shalt  }
0x79: {  	_ =	shalt  }
0x7a: {  	_ =	shalt  }
0x7b: {  	_ =	shalt  }
0x7c: {  	_ =	shalt  }
0x7d: {  	_ =	shalt  }
0x7e: {  	_ =	shalt  }
0x7f: {  	_ =	shalt  }
0x80: {  	_ =	shalt  }
0x81: {  	_ =	shalt  }
0x82: {  	_ =	shalt  }
0x83: {  	_ =	shalt  }
0x84: {  	_ =	shalt  }
0x85: {  	_ =	shalt  }
0x86: {  	_ =	shalt  }
0x87: {  	_ =	shalt  }
.Lfunc_end0:
.L_simem_size_0:
called_computation.3_lowered:
.L_overlay_start_0:
0x88: {  	s2 =	sld [smem:$0x3FD9]  }
0x89: {  	s3 =	sld [smem:$0x3FFE];
	_ =	sdelay $0x1  }
0x8a: {  	s1 =	srdreg.scid  }
0x8b: {  	s0 =	sand.u32 $0x1, s1  }
0x8c: {  	s17 =	sshll.u32 s0, $0xA;
	s2 =	sadd.s32 s3, s2  }
0x8d: {  	s2 =	sadd.s32 s2, s17  }
0x8e: {  	[smem:$0x3FC2] =	sst s2  }
0x8f: {  	_ = 	snop  }
0x90: {  	s2 =	sld [smem:$0x3FD0];
	(tm) =	ssettm $0x1  }
0x91: {  	s18 =	sld [smem:$0x3FFB];
	_ =	sdelay $0x3  }
0x92: {  	_ =	strace s18  }
0x93: {  	s3 =	sld [smem:$0x3FFC];
	_ =	sdelay $0x3  }
0x94: {  	_ =	strace s3  }
0x95: {  	s3 =	sld [smem:$0x3FFD];
	_ =	sdelay $0x3  }
0x96: {  	_ =	strace s3  }
0x97: {  	_ =	strace $0x8FFFFFFF  }
0x98: {  	s19 =	sld [smem:$0x3FDB];
	_ =	sdelay $0x1  }
0x99: {  	s4 =	simm.s32 $_scs_section_size  }
0x9a: {  	s5 =	simm.s32 $_size__tile_overlayer_lowered;
	s6 =	simm.s32 $_tile_overlayer_lowered  }
0x9b: {  	s22 =	simm.s32 $0x1BFF;
	s21 =	sshll.u32 s6, $0x1;
	s3 =	sadd.s32 s4, s19  }
0x9c: {  	s7 =	simm.s32 $0x0;
	s20 =	sshll.u32 s5, $0x1;
	s5 =	sadd.s32 s21, s3  }
0x9d: {  	[timem:s7], [sflag:s22] =	dma.local [hbm:s5], s20  }
0x9e: {  	_ =	swait.ge [sflag:s22], s20  }
0x9f: {  	s4 =	ssub.s32 $0x0, s20;
	[sflag:s22] =	ssyncset.done $0x0  }
0xa0: {  	[sflag:s22] =	ssyncadd.s32 s4;
	_ =	sdelay $0x1  }
0xa1: {  	s23 =	simm.s32 $0x1B8B  }
0xa2: {  	_ =	swait.ge [sflag:s23], $0x1  }
0xa3: {  	[sflag:s23] =	ssyncset.done $0x0  }
0xa4: {  	s25 =	simm.s32 $0x1B8E;
	s24 =	sld [smem:$0x3FFE];
	[sflag:s23] =	ssyncadd.s32 $0xFFFFFFFF  }
0xa5: {  	s26 =	simm.s32 $execute0_lowered;
	[smem:$0x3FD2] =	sst s25  }
0xa6: {  	s5 =	sshll.u32 s26, $0x1;
	_ =	strace $0x8000004F;
	[dreg:$0x1] =	wrdreg $0xFFFFFFFF  }
0xa7: {  	s28 =	simm.s32 $_size_execute0_lowered;
	s3 =	sadd.s32 s3, s5;
	[dreg:$0x0] =	wrdreg $0x0  }
0xa8: {  	s5 =	sshll.u32 s28, $0x1;
	[dreg:$0x2] =	wrdreg s3  }
0xa9: {  	[dreg:$0x3] =	wrdreg s5  }
0xaa: {  	[dreg:$0x4] =	wrdreg $0xC0  }
0xab: {  	_ =	task [dreg:s7], $0x5FFFF  }
0xac: {  	[dreg:$0x1] =	wrdreg $0xFFFFFFFF  }
0xad: {  	[dreg:$0x0] =	wrdreg $0x60  }
0xae: {  	[dreg:$0x2] =	wrdreg s24  }
0xaf: {  	[dreg:$0x3] =	wrdreg s2  }
0xb0: {  	[dreg:$0x4] =	wrdreg $0x9  }
0xb1: {  	_ =	task.clear_ibuf [dreg:s7], $0x5FFFF;
	_ =	strace $0x9000004F  }
0xb2: {  	s29 =	simm.s32 $0x9;
	_ =	strace $0x80000051  }
0xb3: {  	_ =	swait.ge [sflag:s29], $0x1  }
0xb4: {  	[sflag:s29] =	ssyncadd.s32 $0xFFFFFFFF  }
0xb5: {  	_ =	strace $0x90000051  }
0xb6: {  	_ =	sfence  }
0xb7: {  	s30 =	sld [smem:$0x0];
	_ =	sdelay $0x2  }
0xb8: {  	s31 =	sshll.u32 s1, $0xD;
	s1 =	sshrl.u32 s1, $0x2  }
0xb9: {  	s3 =	sand.u32 $0x4000, s31;
	s1 =	sadd.s32 s1, s30  }
0xba: {  	s0 =	sor.u32 s3, s0;
	s1 =	sshll.u32 s1, $0x11  }
0xbb: {  	s0 =	sor.u32 s1, s0  }
0xbc: {  	s0 =	sadd.s32 $0x8F2B, s0  }
0xbd: {  	[sflag:s0] =	ssyncadd.remote.s32 $0x1  }
0xbe: {  	_ =	sfence.sel $0xFFFF  }
0xbf: {  	[dreg:$0x0] =	wrdreg $0xFFFFFFFF;
	(pc) =	sbr.abs _section_cstart, $3  }
0xc0: {  	[dreg:$0x1] =	wrdreg $0xFFFFFFFF  }
0xc1: {  	_ =	task.clear_ibuf [dreg:s7], $0x2FFFF;
	_ =	strace $0x9FFFFFFF  }
0xc2: {  	(tm) =	ssettm $0x7FFFFFFF  }
0xc3: {  	_ =	shalt  }
tec
execute0_lowered:
.L_overlay_start_1:
0x0: {  	(tag) =	ssettag $0x1  }
0x1: {  	s1 =	srdreg.scid  }
0x2: {  	s0 =	stileid.u32;
	s6 =	rddreg [dreg:$0x0]  }
0x3: {  	s2 =	rddreg [dreg:$0x1];
	s3 =	simm.s32 $0x0;
	s9 =	simm.s32 $0x1  }
0x4: {  	s11 =	simm.s32 $0x1400;
	s12 =	simm.s32 $0x2800;
	s15 =	simm.s32 $0x5000  }
0x5: {  	s16 =	simm.s32 $0x7800;
	s17 =	simm.s32 $0x6400;
	s18 =	simm.s32 $0x0  }
0x6: {  	s4 =	sand.u32 $0x1, s1;
	s30 =	sshll.u32 s0, $0x1;
	s1 =	rddreg [dreg:$0x2]  }
0x7: {  	[smem:$0x7FF] =	sst s3;
	s5 =	sor.u32 s4, s30;
	s4 =	ssub.s32 $0x2, s4  }
0x8: {  	s10 =	sadd.s32 $0x11E00, s6;
	s13 =	smul.u32 $0x280, s5;
	s31 =	sshrl.u32 s4, $0x1  }
0x9: {  	s14 =	sadd.s32 $0x20E00, s6;
	_ =	strace $0x80000050;
	s8 =	ssub.s32 s4, s31  }
0xa: {  	s7 =	sadd.s32 s13, s6;
	s8 =	smax.u32 s8, $0x1;
	s10 =	sadd.s32 s13, s10  }
0xb: {  	s13 =	sadd.s32 s13, s14;
	s14 =	simm.s32 $0x3C00;
	s4 =	sadd.s32 $0xCE00, s7  }
0xc: {  	s5 =	sadd.s32 $0x1BE00, s7;
	s6 =	sadd.s32 $0x16E00, s7;
	s7 =	sadd.s32 $0x2600, s7  }
.LBB2_1:
0xd: {  	[tilespmem:s3], [sflag:$0x1] =	stream.linear.gather [hbm4b:s4+s3], $0x1400, $0x38;
	[tilespmem:$0x7880] =	vst v63  }
0xe: {  	_ =	swait.ge [sflag:s9], $0x1400  }
0xf: {  	[sflag:s9] =	ssyncset.done $0x0  }
0x10: {  	[sflag:s9] =	ssyncadd.s32 $0xFFFFEC00  }
0x11: {  	[tilespmem:s11], [sflag:$0x1] =	stream.linear.gather [hbm4b:s10+s3], $0x1400, $0x38;
	[tilespmem:$0x7880] =	vst v63  }
0x12: {  	_ =	swait.ge [sflag:s9], $0x1400  }
0x13: {  	[sflag:s9] =	ssyncset.done $0x0  }
0x14: {  	[sflag:s9] =	ssyncadd.s32 $0xFFFFEC00  }
0x15: {  	[tilespmem:s12], [sflag:$0x1] =	stream.linear.gather [hbm4b:s5+s3], $0x1400, $0x38;
	[tilespmem:$0x7880] =	vst v63  }
0x16: {  	_ =	swait.ge [sflag:s9], $0x1400  }
0x17: {  	[sflag:s9] =	ssyncset.done $0x0  }
0x18: {  	[sflag:s9] =	ssyncadd.s32 $0xFFFFEC00  }
0x19: {  	[tilespmem:s14], [sflag:$0x1] =	stream.linear.gather [hbm4b:s13+s3], $0x1400, $0x38;
	[tilespmem:$0x7880] =	vst v63  }
0x1a: {  	_ =	swait.ge [sflag:s9], $0x1400  }
0x1b: {  	[sflag:s9] =	ssyncset.done $0x0  }
0x1c: {  	[sflag:s9] =	ssyncadd.s32 $0xFFFFEC00  }
0x1d: {  	[tilespmem:s15], [sflag:$0x1] =	stream.linear.gather [hbm4b:s6+s3], $0x1400, $0x38;
	[tilespmem:$0x7880] =	vst v63  }
0x1e: {  	_ =	swait.ge [sflag:s9], $0x1400  }
0x1f: {  	[sflag:s9] =	ssyncset.done $0x0  }
0x20: {  	[sflag:s9] =	ssyncadd.s32 $0xFFFFEC00  }
0x21: {  	[tilespmem:s16], [sflag:$0x1] =	stream.linear.gather [hbm4b:s2+s3], $0x80, $0x38;
	[tilespmem:$0x7880] =	vst v63  }
0x22: {  	_ =	swait.ge [sflag:s9], $0x80  }
0x23: {  	[sflag:s9] =	ssyncset.done $0x0  }
0x24: {  	s23 =	simm.s32 $0x0;
	[sflag:s9] =	ssyncadd.s32 $0xFFFFFF80  }
0x25: {  	v0 =	vld [tilespmem:s23+$0x0]  }
0x26: {  	v1 =	vld [tilespmem:s23+$0x1400];
	_ =	sdelay $0x4  }
0x27: {  	s22 =	simm.s32 $0x10;
	v0 =	vadd.f32 v1, v0  }
0x28: {  	v2 =	vld [tilespmem:s22+$0x1400]  }
0x29: {  	v1 =	vld [tilespmem:s22+$0x0];
	v0 =	vadd.f32 $1.000000000e+00, v0;
	_ =	sdelay $0x1  }
0x2a: {  	v3 =	vshrl.u32 v0, $0x1;
	v0 =	vmul.f32 $5.000000000e-01, v0  }
0x2b: {  	v3 =	vsub.s32 $0x5F3759DF, v3  }
0x2c: {  	s21 =	simm.s32 $0x20;
	v4 =	vmul.f32 v3, v0  }
0x2d: {  	v5 =	vld [tilespmem:s21+$0x1400];
	v1 =	vadd.f32 v2, v1  }
0x2e: {  	v2 =	vld [tilespmem:s21+$0x0];
	v4 =	vmul.f32 v3, v4  }
0x2f: {  	v1 =	vadd.f32 $1.000000000e+00, v1  }
0x30: {  	v4 =	vsub.f32 $1.500000000e+00, v4  }
0x31: {  	v6 =	vshrl.u32 v1, $0x1;
	v14 =	vmul.f32 $5.000000000e-01, v1  }
0x32: {  	v6 =	vsub.s32 $0x5F3759DF, v6;
	v3 =	vmul.f32 v3, v4  }
0x33: {  	s20 =	simm.s32 $0x30;
	v2 =	vadd.f32 v5, v2;
	v1 =	vmul.f32 v6, v14  }
0x34: {  	v7 =	vld [tilespmem:s20+$0x1400];
	v4 =	vmul.f32 v3, v0  }
0x35: {  	v5 =	vld [tilespmem:s20+$0x0];
	v2 =	vadd.f32 $1.000000000e+00, v2;
	v1 =	vmul.f32 v6, v1  }
0x36: {  	v4 =	vmul.f32 v4, v3  }
0x37: {  	v9 =	vshrl.u32 v2, $0x1;
	v8 =	vsub.f32 $1.500000000e+00, v1;
	v1 =	vmul.f32 $5.000000000e-01, v2  }
0x38: {  	v10 =	vld [tilespmem:s23+$0x2800];
	v9 =	vsub.s32 $0x5F3759DF, v9;
	v2 =	vsub.f32 $1.500000000e+00, v4  }
0x39: {  	v6 =	vmul.f32 v6, v8;
	v8 =	vmul.f32 v9, v1;
	v4 =	vld [tilespmem:s23+$0x3C00]  }
0x3a: {  	s19 =	simm.s32 $0x40;
	v11 =	vmul.f32 v2, v3;
	v2 =	vadd.f32 v7, v5  }
0x3b: {  	v12 =	vld [tilespmem:s19+$0x1400];
	v3 =	vmul.f32 v6, v14;
	v5 =	vmul.f32 v9, v8  }
0x3c: {  	v7 =	vld [tilespmem:s19+$0x0];
	v0 =	vmul.f32 v11, v0;
	v2 =	vadd.f32 $1.000000000e+00, v2  }
0x3d: {  	v15 =	vld [tilespmem:s23+$0x5000];
	v3 =	vmul.f32 v3, v6;
	v8 =	vsub.f32 $1.500000000e+00, v5  }
0x3e: {  	v5 =	vld [tilespmem:s22+$0x2800];
	v10 =	vadd.f32 v4, v10;
	v13 =	vmul.f32 v0, v11;
	v4 =	vshrl.u32 v2, $0x1  }
0x3f: {  	v2 =	vmul.f32 $5.000000000e-01, v2;
	v16 =	vsub.f32 $1.500000000e+00, v3;
	v3 =	vmul.f32 v9, v8;
	v8 =	vld [tilespmem:s22+$0x3C00]  }
0x40: {  	v4 =	vsub.s32 $0x5F3759DF, v4;
	v9 =	vsub.f32 $1.500000000e+00, v13  }
0x41: {  	s24 =	simm.s32 $0x50;
	v0 =	vld [tilespmem:$0x7800];
	v17 =	vadd.f32 v12, v7;
	v18 =	vmul.f32 v4, v2;
	v7 =	vmul.f32 v16, v6  }
0x42: {  	v12 =	vadd.f32 v15, v10;
	v6 =	vld [tilespmem:s24+$0x0];
	v13 =	vmul.f32 v3, v1;
	v11 =	vmul.f32 v9, v11  }
0x43: {  	s25 =	simm.s32 $0x180;
	v10 =	vadd.f32 $1.000000000e+00, v17;
	v9 =	vld [tilespmem:s24+$0x1400];
	v15 =	vmul.f32 v4, v18;
	v14 =	vmul.f32 v7, v14  }
.LBB2_2:
0x44: {  	p0 =	sne.s32 s25, $0x4FC0;
	v13 =	vmul.f32 v13, v3;
	v16 =	vadd.f32 v8, v5;
	v17 =	vld [tilespmem:s22+$0x5000];
	v11 =	vmul.f32 v11, v12;
	v12 =	vmovc v7  }
0x45: {  	v7 =	vshrl.u32 v10, $0x1;
	v15 =	vsub.f32 $1.500000000e+00, v15;
	v5 =	vld [tilespmem:s21+$0x2800];
	v14 =	vmul.f32 v14, v12  }
.Ltmp0:
0x46: {  	v18 =	vmul.f32 $5.000000000e-01, v10;
	v10 =	vsub.f32 $1.500000000e+00, v13;
	v8 =	vld [tilespmem:s21+$0x3C00];
	v11 =	vadd.f32 v11, v0;
	(pc) =	sbr.rel @p0 .LBB2_2-.Ltmp0, $4  }
0x47: {  	v15 =	vmul.f32 v4, v15;
	v4 =	vsub.s32 $0x5F3759DF, v7;
	v14 =	vsub.f32 $1.500000000e+00, v14  }
0x48: {  	s26 =	sshra.s32 s25, $0x2;
	v19 =	vadd.f32 v9, v6;
	v20 =	vmul.f32 v4, v18;
	v7 =	vmul.f32 v10, v3;
	[tilespmem:s23+$0x6400] =	vst v11;
	s23 =	smov.u32 s22;
	s22 =	smov.u32 s21  }
0x49: {  	s21 =	smov.u32 s20;
	s20 =	smov.u32 s19;
	s19 =	smov.u32 s24;
	v6 =	vld [tilespmem:s26+$0x0];
	v13 =	vmul.f32 v15, v2;
	v11 =	vmul.f32 v14, v12;
	v12 =	vadd.f32 v17, v16;
	v3 =	vmovc v15  }
0x4a: {  	s25 =	sadd.s32 $0x40, s25;
	s24 =	smov.u32 s26;
	v9 =	vld [tilespmem:s26+$0x1400];
	v10 =	vadd.f32 $1.000000000e+00, v19;
	v15 =	vmul.f32 v4, v20;
	v14 =	vmul.f32 v7, v1;
	v1 =	vmovc v2;
	v2 =	vmovc v18  }
0x4b: {  	_ =	sdelay $0x1  }
0x4c: {  	v13 =	vmul.f32 v13, v3;
	v23 =	vld [tilespmem:s22+$0x5000];
	v15 =	vsub.f32 $1.500000000e+00, v15  }
0x4d: {  	v5 =	vadd.f32 v8, v5;
	v11 =	vmul.f32 v11, v12;
	v14 =	vmul.f32 v14, v7  }
0x4e: {  	v24 =	vshrl.u32 v10, $0x1;
	v4 =	vmul.f32 v4, v15;
	v6 =	vadd.f32 v9, v6  }
0x4f: {  	v26 =	vmul.f32 $5.000000000e-01, v10;
	v13 =	vsub.f32 $1.500000000e+00, v13;
	v14 =	vsub.f32 $1.500000000e+00, v14  }
0x50: {  	v11 =	vadd.f32 v11, v0;
	v16 =	vmul.f32 v4, v2;
	v6 =	vadd.f32 $1.000000000e+00, v6  }
0x51: {  	v12 =	vsub.s32 $0x5F3759DF, v24;
	v29 =	vmul.f32 v14, v7;
	v5 =	vadd.f32 v23, v5  }
0x52: {  	v30 =	vmul.f32 v16, v4;
	v31 =	vshrl.u32 v6, $0x1;
	v6 =	vmul.f32 $5.000000000e-01, v6  }
0x53: {  	v25 =	vld [tilespmem:s21+$0x2800];
	v32 =	vmul.f32 v12, v26;
	v28 =	vmul.f32 v13, v3;
	v33 =	vsub.s32 $0x5F3759DF, v31  }
0x54: {  	v27 =	vld [tilespmem:s21+$0x3C00];
	[tilespmem:s23+$0x6400] =	vst v11;
	v5 =	vmul.f32 v29, v5;
	v35 =	vsub.f32 $1.500000000e+00, v30;
	v36 =	vmul.f32 v33, v6  }
0x55: {  	v34 =	vld [tilespmem:s21+$0x5000];
	v14 =	vmul.f32 v12, v32;
	v1 =	vmul.f32 v28, v1  }
0x56: {  	v37 =	vld [tilespmem:s20+$0x2800];
	v5 =	vadd.f32 v5, v0;
	v4 =	vmul.f32 v35, v4;
	v38 =	vmul.f32 v33, v36  }
0x57: {  	v40 =	vld [tilespmem:s20+$0x3C00];
	v39 =	vsub.f32 $1.500000000e+00, v14;
	v1 =	vmul.f32 v1, v28  }
0x58: {  	[tilespmem:s22+$0x6400] =	vst v5;
	v41 =	vmul.f32 v4, v2;
	v42 =	vsub.f32 $1.500000000e+00, v38  }
0x59: {  	v9 =	vadd.f32 v27, v25;
	v43 =	vmul.f32 v12, v39;
	v1 =	vsub.f32 $1.500000000e+00, v1;
	v45 =	vld [tilespmem:s20+$0x5000]  }
0x5a: {  	v2 =	vmul.f32 v41, v4;
	v5 =	vmul.f32 v33, v42  }
0x5b: {  	v44 =	vadd.f32 v34, v9;
	v46 =	vmul.f32 v43, v26;
	v1 =	vmul.f32 v1, v28  }
0x5c: {  	v47 =	vadd.f32 v40, v37;
	v2 =	vsub.f32 $1.500000000e+00, v2;
	v11 =	vmul.f32 v5, v6  }
0x5d: {  	v9 =	vmul.f32 v46, v43;
	v1 =	vmul.f32 v1, v44  }
0x5e: {  	v3 =	vadd.f32 v45, v47;
	v2 =	vmul.f32 v2, v4;
	v49 =	vmul.f32 v11, v5  }
0x5f: {  	v50 =	vsub.f32 $1.500000000e+00, v9;
	v1 =	vadd.f32 v1, v0  }
0x60: {  	v48 =	vld [tilespmem:s19+$0x2800];
	v52 =	vmul.f32 v2, v3;
	v53 =	vsub.f32 $1.500000000e+00, v49  }
0x61: {  	v51 =	vld [tilespmem:s19+$0x3C00];
	v54 =	vmul.f32 v50, v43;
	[tilespmem:s21+$0x6400] =	vst v1  }
0x62: {  	v56 =	vld [tilespmem:s24+$0x2800];
	v1 =	vadd.f32 v52, v0;
	v2 =	vmul.f32 v53, v5  }
0x63: {  	v57 =	vmul.f32 v54, v26;
	v58 =	vld [tilespmem:s24+$0x3C00]  }
0x64: {  	v55 =	vld [tilespmem:s19+$0x5000];
	[tilespmem:s20+$0x6400] =	vst v1;
	v59 =	vmul.f32 v2, v6  }
0x65: {  	v5 =	vmul.f32 v57, v54;
	v60 =	vld [tilespmem:s24+$0x5000]  }
0x66: {  	v1 =	vmul.f32 v59, v2  }
0x67: {  	v9 =	vadd.f32 v51, v48;
	v5 =	vsub.f32 $1.500000000e+00, v5  }
0x68: {  	v7 =	vadd.f32 v58, v56;
	v1 =	vsub.f32 $1.500000000e+00, v1  }
0x69: {  	v4 =	vadd.f32 v55, v9;
	v3 =	vmul.f32 v5, v54  }
0x6a: {  	v61 =	vadd.f32 v60, v7;
	v1 =	vmul.f32 v1, v2  }
0x6b: {  	v3 =	vmul.f32 v3, v4  }
0x6c: {  	v1 =	vmul.f32 v1, v61  }
0x6d: {  	v62 =	vadd.f32 v3, v0  }
0x6e: {  	s18 =	sadd.s32 $0x1, s18;
	v63 =	vadd.f32 v1, v0  }
0x6f: {  	p0 =	sne.s32 s18, s8;
	[tilespmem:s19+$0x6400] =	vst v62  }
.Ltmp1:
0x70: {  	[tilespmem:s24+$0x6400] =	vst v63;
	(pc) =	sbr.rel @p0 .LBB2_1-.Ltmp1, $4  }
0x71: {  	[hbm4b:s7+s3] =	stream.linear.scatter [tilespmem:s17], [sflag:$0x1], $0x1400, $0x38;
	[tilespmem:$0x7880] =	vst v63  }
0x72: {  	_ =	swait.ge [sflag:s9], $0x1400  }
0x73: {  	[sflag:s9] =	ssyncset.done $0x0  }
0x74: {  	[sflag:s9] =	ssyncadd.s32 $0xFFFFEC00  }
0x75: {  	_ =	sfence.sel $0x180000  }
0x76: {  	[bflag:$0x0] =	sbarrier.arrive $0xFFFF  }
0x77: {  	p0 =	sne.s32 s0, $0x0;
	_ =	strace $0x90000050  }
0x78: {  	s0 =	sadd.s32 @!p0 $0x100000, s1;
	[bflag:$0x2] =	sbarrier.arrive $0xFFFF  }
0x79: {  	[sflag:s0] =	ssyncadd.tile.s32 @!p0 $0x1;
	_ =	shalt  }
.Lfunc_end2:
_tile_overlayer_lowered:
.L_overlay_start_2:
0x7a: {  	(tag) =	ssettag $0x2  }
0x7b: {  	s0 =	rddreg [dreg:$0x0];
	s2 =	stileid.u32  }
0x7c: {  	s1 =	rddreg [dreg:$0x1];
	p0 =	sne.s32 s2, $0x0  }
0x7d: {  	s3 =	rddreg [dreg:$0x2];
	[bflag:$0x3] =	sbarrier.arrive $0xFFFF;
	s2 =	simm.s32 @!p0 $0x1C01  }
0x7e: {  	[timem:s3], [sflag:s2] =	dma.local @!p0 [hbm:s0], s1  }
0x7f: {  	s0 =	simm.s32 @!p0 $0x1  }
0x80: {  	_ =	swait.ge @!p0 [sflag:s0], s1  }
0x81: {  	s1 =	ssub.s32 @!p0 $0x0, s1;
	[sflag:s0] =	ssyncset.done @!p0 $0x0  }
0x82: {  	[sflag:s0] =	ssyncadd.s32 @!p0 s1  }
0x83: {  	[bflag:$0x3] =	sbarrier.arrive $0xFFFF  }
0x84: {  	_ =	shalt  }

// kernel: kernel.8.cloned.1.call-start
scs
__scs_entry_jumppad:
0x0: {  	(pc) =	sbr.rel $0x88, $3  }
0x1: {  	(tag) =	ssettag $0x0;
	lr =	simm.s32 $0x1  }
0x2: {  	[smem:$0x3F9B] =	sst lr;
	_ =	strace $0xD0000000  }
0x3: {  	_ = 	snop  }
0x4: {  	_ = 	snop  }
0x5: {  	_ = 	snop  }
0x6: {  	_ = 	snop  }
0x7: {  	_ = 	snop  }
__scs_overlays_trampoline_lowered:
0x8: {  	[smem:$0x3FAA] =	sst s0  }
0x9: {  	[smem:$0x3FAB] =	sst s1  }
0xa: {  	[smem:$0x3FAC] =	sst s2  }
0xb: {  	[smem:$0x3FAD] =	sst s3  }
0xc: {  	[smem:$0x3FAE] =	sst s4  }
0xd: {  	[smem:$0x3FAF] =	sst s5  }
0xe: {  	[smem:$0x3FB0] =	sst s6  }
0xf: {  	[smem:$0x3FB1] =	sst s7  }
0x10: {  	[smem:$0x3FB2] =	sst s8  }
0x11: {  	[smem:$0x3FB3] =	sst s9;
	s0 =	simm.s32 @!p0 $0x0  }
0x12: {  	s1 =	sld [smem:$0x3F99];
	s0 =	simm.s32 @p0 $0x1  }
0x13: {  	[smem:$0x3FB4] =	sst s0;
	s0 =	simm.s32 @!p1 $0x0  }
0x14: {  	s2 =	sld [smem:$0x3F98];
	s0 =	simm.s32 @p1 $0x1  }
0x15: {  	[smem:$0x3FB5] =	sst s0;
	s0 =	simm.s32 @!p2 $0x0  }
0x16: {  	s3 =	sld [smem:$0x3FDB];
	s0 =	simm.s32 @p2 $0x1  }
0x17: {  	s4 =	simm.s32 $0x1BF5;
	[smem:$0x3FB7] =	sst s0  }
0x18: {  	s0 =	sld [smem:$0x3F9A];
	_ =	swait.ge [sflag:s4], $0x0  }
0x19: {  	s7 =	sld [smem:$0x3F9B]  }
0x1a: {  	s8 =	sadd.s32 $0xFFFFE003, lr  }
0x1b: {  	s9 =	sadd.s32 $0xFFFFFEF7, lr;
	s5 =	simm.s32 $0xFFFFFFFF;
	p2 =	slt.u32 s8, $0xFFFFF086  }
0x1c: {  	p1 =	slt.u32 s9, $0xF7A;
	s5 =	simm.s32 @!p2 $0x0  }
0x1d: {  	s5 =	simm.s32 @p1 $0x1;
	p0 =	seq.s32 s7, s2  }
0x1e: {  	s7 =	smul.u32 @!p0 $0xF7A, s2;
	p2 =	seq.s32 @!p0 s5, $0x0  }
0x1f: {  	s9 =	smul.u32 $0xF7A, s1;
	s8 =	simm.s32 @!p0 $0x1BF5;
	p2 =	por !p2, p0  }
0x20: {  	[sflag:s8] =	ssyncset.s32 @!p0 $0xFFFFF086;
	s6 =	sadd.s32 @!p0 s3, s7;
	s7 =	simm.s32 @!p0 $0x108  }
0x21: {  	s3 =	sadd.s32 s3, s9;
	s6 =	sadd.s32 @!p0 $0x88, s6;
	s7 =	simm.s32 @p2 $0x1082  }
0x22: {  	[simem:s7], [sflag:s8] =	dma.local @!p0 [hbm:s6], $0xF7A  }
0x23: {  	s9 =	sor.u32 $0xD0000000, s2;
	s6 =	simm.s32 $0x108;
	_ =	swait.ge @!p0 [sflag:s8], $0x0  }
0x24: {  	s3 =	sadd.s32 $0x88, s3;
	s6 =	simm.s32 @!p1 $0x1082;
	[sflag:s4] =	ssyncset.s32 $0xFFFFF086  }
0x25: {  	[simem:s6], [sflag:s4] =	dma.local [hbm:s3], $0xF7A  }
0x26: {  	[smem:$0x3F9B] =	sst s1;
	(tag) =	ssettag s2;
	_ =	strace s9  }
0x27: {  	s1 =	sld [smem:$0x3FAB]  }
0x28: {  	s2 =	sld [smem:$0x3FAC]  }
0x29: {  	s4 =	sld [smem:$0x3FAE]  }
0x2a: {  	p0 =	seq.s32 s5, $0x0;
	s5 =	sld [smem:$0x3FAF]  }
0x2b: {  	s6 =	sld [smem:$0x3FB0]  }
0x2c: {  	s7 =	sld [smem:$0x3FB1]  }
0x2d: {  	s3 =	simm.s32 $0x108;
	s8 =	sld [smem:$0x3FB2]  }
0x2e: {  	s3 =	simm.s32 @!p0 $0x1082;
	s9 =	sld [smem:$0x3FB3]  }
0x2f: {  	lr =	sadd.s32 s0, s3;
	s0 =	sld [smem:$0x3FAA]  }
0x30: {  	s3 =	sld [smem:$0x3FAD]  }
0x31: {  	[smem:$0x3FB6] =	sst s10  }
0x32: {  	s10 =	sld [smem:$0x3FB4];
	_ =	sdelay $0x3  }
0x33: {  	p0 =	seq.s32 s10, $0x1;
	s10 =	sld [smem:$0x3FB6];
	_ =	sdelay $0x3  }
0x34: {  	[smem:$0x3FB6] =	sst s10  }
0x35: {  	s10 =	sld [smem:$0x3FB5];
	_ =	sdelay $0x3  }
0x36: {  	p1 =	seq.s32 s10, $0x1;
	s10 =	sld [smem:$0x3FB6];
	_ =	sdelay $0x3  }
0x37: {  	[smem:$0x3FB6] =	sst s10  }
0x38: {  	s10 =	sld [smem:$0x3FB7]  }
0x39: {  	_ = 	snop;
	(pc) =	sbr.ind lr, $3  }
0x3a: {  	_ = 	snop  }
0x3b: {  	_ = 	snop  }
0x3c: {  	p2 =	seq.s32 s10, $0x1;
	s10 =	sld [smem:$0x3FB6]  }
0x3d: {  	_ =	shalt  }
0x3e: {  	_ =	shalt  }
0x3f: {  	_ =	shalt  }
0x40: {  	_ =	shalt  }
0x41: {  	_ =	shalt  }
0x42: {  	_ =	shalt  }
0x43: {  	_ =	shalt  }
0x44: {  	_ =	shalt  }
0x45: {  	_ =	shalt  }
0x46: {  	_ =	shalt  }
0x47: {  	_ =	shalt  }
0x48: {  	_ =	shalt  }
0x49: {  	_ =	shalt  }
0x4a: {  	_ =	shalt  }
0x4b: {  	_ =	shalt  }
0x4c: {  	_ =	shalt  }
0x4d: {  	_ =	shalt  }
0x4e: {  	_ =	shalt  }
0x4f: {  	_ =	shalt  }
0x50: {  	_ =	shalt  }
0x51: {  	_ =	shalt  }
0x52: {  	_ =	shalt  }
0x53: {  	_ =	shalt  }
0x54: {  	_ =	shalt  }
0x55: {  	_ =	shalt  }
0x56: {  	_ =	shalt  }
0x57: {  	_ =	shalt  }
0x58: {  	_ =	shalt  }
0x59: {  	_ =	shalt  }
0x5a: {  	_ =	shalt  }
0x5b: {  	_ =	shalt  }
0x5c: {  	_ =	shalt  }
0x5d: {  	_ =	shalt  }
0x5e: {  	_ =	shalt  }
0x5f: {  	_ =	shalt  }
0x60: {  	_ =	shalt  }
0x61: {  	_ =	shalt  }
0x62: {  	_ =	shalt  }
0x63: {  	_ =	shalt  }
0x64: {  	_ =	shalt  }
0x65: {  	_ =	shalt  }
0x66: {  	_ =	shalt  }
0x67: {  	_ =	shalt  }
0x68: {  	_ =	shalt  }
0x69: {  	_ =	shalt  }
0x6a: {  	_ =	shalt  }
0x6b: {  	_ =	shalt  }
0x6c: {  	_ =	shalt  }
0x6d: {  	_ =	shalt  }
0x6e: {  	_ =	shalt  }
0x6f: {  	_ =	shalt  }
0x70: {  	_ =	shalt  }
0x71: {  	_ =	shalt  }
0x72: {  	_ =	shalt  }
0x73: {  	_ =	shalt  }
0x74: {  	_ =	shalt  }
0x75: {  	_ =	shalt  }
0x76: {  	_ =	shalt  }
0x77: {  	_ =	shalt  }
0x78: {  	_ =	shalt  }
0x79: {  	_ =	shalt  }
0x7a: {  	_ =	shalt  }
0x7b: {  	_ =	shalt  }
0x7c: {  	_ =	shalt  }
0x7d: {  	_ =	shalt  }
0x7e: {  	_ =	shalt  }
0x7f: {  	_ =	shalt  }
0x80: {  	_ =	shalt  }
0x81: {  	_ =	shalt  }
0x82: {  	_ =	shalt  }
0x83: {  	_ =	shalt  }
0x84: {  	_ =	shalt  }
0x85: {  	_ =	shalt  }
0x86: {  	_ =	shalt  }
0x87: {  	_ =	shalt  }
.Lfunc_end0:
.L_simem_size_0:
called_computation_lowered:
.L_overlay_start_0:
0x88: {  	s2 =	sld [smem:$0x3FD9]  }
0x89: {  	s3 =	sld [smem:$0x3FFE];
	_ =	sdelay $0x1  }
0x8a: {  	s1 =	srdreg.scid  }
0x8b: {  	s0 =	sand.u32 $0x1, s1  }
0x8c: {  	s16 =	sshll.u32 s0, $0xA;
	s2 =	sadd.s32 s3, s2  }
0x8d: {  	s2 =	sadd.s32 s2, s16  }
0x8e: {  	[smem:$0x3FC2] =	sst s2  }
0x8f: {  	_ = 	snop  }
0x90: {  	(tm) =	ssettm $0x1  }
0x91: {  	s17 =	sld [smem:$0x3FFB];
	_ =	sdelay $0x3  }
0x92: {  	_ =	strace s17  }
0x93: {  	s2 =	sld [smem:$0x3FFC];
	_ =	sdelay $0x3  }
0x94: {  	_ =	strace s2  }
0x95: {  	s2 =	sld [smem:$0x3FFD];
	_ =	sdelay $0x3  }
0x96: {  	_ =	strace s2  }
0x97: {  	_ =	strace $0x8FFFFFFF  }
0x98: {  	s18 =	sld [smem:$0x3FDB];
	_ =	sdelay $0x1  }
0x99: {  	s19 =	simm.s32 $_scs_section_size  }
0x9a: {  	s4 =	simm.s32 $_size__tile_overlayer_lowered;
	s5 =	simm.s32 $_tile_overlayer_lowered  }
0x9b: {  	s22 =	simm.s32 $0x1BFF;
	s21 =	sshll.u32 s5, $0x1;
	s2 =	sadd.s32 s19, s18  }
0x9c: {  	s6 =	simm.s32 $0x0;
	s20 =	sshll.u32 s4, $0x1;
	s4 =	sadd.s32 s21, s2  }
0x9d: {  	[timem:s6], [sflag:s22] =	dma.local [hbm:s4], s20  }
0x9e: {  	_ =	swait.ge [sflag:s22], s20  }
0x9f: {  	s3 =	ssub.s32 $0x0, s20;
	[sflag:s22] =	ssyncset.done $0x0  }
0xa0: {  	[sflag:s22] =	ssyncadd.s32 s3;
	_ =	sdelay $0x1  }
0xa1: {  	s23 =	simm.s32 $0x1B8B  }
0xa2: {  	_ =	swait.ge [sflag:s23], $0x1  }
0xa3: {  	[sflag:s23] =	ssyncset.done $0x0  }
0xa4: {  	s25 =	simm.s32 $0x1B8E;
	s24 =	sld [smem:$0x3FFE];
	[sflag:s23] =	ssyncadd.s32 $0xFFFFFFFF  }
0xa5: {  	s26 =	simm.s32 $execute0_lowered;
	[smem:$0x3FD2] =	sst s25  }
0xa6: {  	s4 =	sshll.u32 s26, $0x1;
	_ =	strace $0x80000046;
	[dreg:$0x1] =	wrdreg $0xFFFFFFFF  }
0xa7: {  	s28 =	simm.s32 $_size_execute0_lowered;
	s2 =	sadd.s32 s2, s4;
	[dreg:$0x0] =	wrdreg $0x0  }
0xa8: {  	s4 =	sshll.u32 s28, $0x1;
	[dreg:$0x2] =	wrdreg s2  }
0xa9: {  	[dreg:$0x3] =	wrdreg s4  }
0xaa: {  	[dreg:$0x4] =	wrdreg $0xC0  }
0xab: {  	_ =	task [dreg:s6], $0x5FFFF  }
0xac: {  	[dreg:$0x1] =	wrdreg $0xFFFFFFFF  }
0xad: {  	[dreg:$0x0] =	wrdreg $0x60  }
0xae: {  	[dreg:$0x2] =	wrdreg s24  }
0xaf: {  	[dreg:$0x3] =	wrdreg $0x0  }
0xb0: {  	[dreg:$0x4] =	wrdreg $0x9  }
0xb1: {  	_ =	task.clear_ibuf [dreg:s6], $0x5FFFF;
	_ =	strace $0x90000046  }
0xb2: {  	s29 =	simm.s32 $0x9;
	_ =	strace $0x80000048  }
0xb3: {  	_ =	swait.ge [sflag:s29], $0x1  }
0xb4: {  	[sflag:s29] =	ssyncadd.s32 $0xFFFFFFFF  }
0xb5: {  	_ =	strace $0x90000048  }
0xb6: {  	_ =	sfence  }
0xb7: {  	s30 =	sld [smem:$0x0];
	_ =	sdelay $0x2  }
0xb8: {  	s31 =	sshll.u32 s1, $0xD;
	s1 =	sshrl.u32 s1, $0x2  }
0xb9: {  	s3 =	sand.u32 $0x4000, s31;
	s1 =	sadd.s32 s1, s30  }
0xba: {  	s0 =	sor.u32 s3, s0;
	s1 =	sshll.u32 s1, $0x11  }
0xbb: {  	s0 =	sor.u32 s1, s0  }
0xbc: {  	s0 =	sadd.s32 $0x8F2B, s0  }
0xbd: {  	[sflag:s0] =	ssyncadd.remote.s32 $0x1  }
0xbe: {  	_ =	sfence.sel $0xFFFF  }
0xbf: {  	[dreg:$0x0] =	wrdreg $0xFFFFFFFF;
	(pc) =	sbr.abs _section_cstart, $3  }
0xc0: {  	[dreg:$0x1] =	wrdreg $0xFFFFFFFF  }
0xc1: {  	_ =	task.clear_ibuf [dreg:s6], $0x2FFFF;
	_ =	strace $0x9FFFFFFF  }
0xc2: {  	(tm) =	ssettm $0x7FFFFFFF  }
0xc3: {  	_ =	shalt  }
tec
execute0_lowered:
.L_overlay_start_1:
0x0: {  	(tag) =	ssettag $0x1  }
0x1: {  	s4 =	rddreg [dreg:$0x0]  }
0x2: {  	s2 =	rddreg [dreg:$0x1]  }
0x3: {  	s0 =	rddreg [dreg:$0x2];
	s3 =	srdreg.scid  }
0x4: {  	s1 =	stileid.u32;
	s13 =	simm.s32 $0x1;
	s14 =	simm.s32 $0x2800  }
0x5: {  	s15 =	simm.s32 $0x80;
	s16 =	simm.s32 $0x3D00;
	s5 =	sand.u32 $0x1, s3  }
0x6: {  	s6 =	sshll.u32 s1, $0x1;
	s7 =	smul.u32 $0x2800, s1;
	s3 =	simm.s32 $0x0  }
0x7: {  	s9 =	smul.u32 $0xA000, s1;
	s17 =	sshll.u32 s1, $0x6;
	s6 =	sor.u32 s5, s6  }
0x8: {  	s8 =	smul.u32 $0x28000, s5;
	[smem:$0x7FF] =	sst s3;
	s5 =	ssub.s32 $0x2, s5  }
0x9: {  	s17 =	sor.u32 $0x1C01, s17;
	s6 =	smul.u32 $0x2A0, s6;
	_ =	strace $0x80000047  }
0xa: {  	s29 =	sshrl.u32 s5, $0x1;
	s30 =	sshrl.u32 s9, $0x2;
	s8 =	sadd.s32 s7, s8  }
0xb: {  	s12 =	ssub.s32 s5, s29;
	s31 =	sadd.s32 s30, s2;
	s10 =	sadd.s32 s6, s4  }
0xc: {  	s28 =	sshrl.u32 s8, $0x3;
	s5 =	sadd.s32 $0x800, s31;
	s6 =	sadd.s32 $0x1000, s31  }
0xd: {  	s8 =	sadd.s32 $0x2000, s31;
	s11 =	sadd.s32 s28, s4;
	s4 =	sadd.s32 s7, s2  }
0xe: {  	s7 =	sadd.s32 $0x1800, s31;
	s9 =	sadd.s32 $0x2600, s10;
	s10 =	sadd.s32 $0xCE00, s11  }
0xf: {  	v0 =	vimm.f32 $1.000000000e+00;
	v1 =	vimm.f32 $0.0e+00;
	s11 =	smax.u32 s12, $0x1;
	s12 =	simm.s32 $0x4500;
	s18 =	sshrl.u32 s4, $0x3  }
.LBB2_1:
0x10: {  	s19 =	simm.s32 $0x0  }
.LBB2_2:
0x11: {  	p0 =	sne.s32 s19, $0x1FC0  }
.Ltmp0:
0x12: {  	_ = 	snop;
	(pc) =	sbr.rel @p0 .LBB2_2-.Ltmp0, $3  }
0x13: {  	_ =	sdelay $0x1  }
0x14: {  	s20 =	sshra.s32 s19, $0x2  }
0x15: {  	s19 =	sadd.s32 $0x40, s19;
	[tilespmem:s20+$0x3D00] =	vst v0  }
0x16: {  	s19 =	simm.s32 $0x40;
	s20 =	simm.s32 $0x0  }
.LBB2_4:
0x17: {  	p0 =	sne.s32 s19, $0x1FC0;
	[tilespmem:s20+$0x4500] =	vst v1;
	s20 =	smov.u32 s19;
	s19 =	sadd.s32 $0x40, s19  }
.Ltmp1:
0x18: {  	(pc) =	sbr.rel @p0 .LBB2_4-.Ltmp1, $2  }
0x19: {  	_ =	sdelay $0x2  }
0x1a: {  	s20 =	sshra.s32 s20, $0x2  }
0x1b: {  	[tilespmem:s20+$0x4500] =	vst v1  }
0x1c: {  	[spmem:s4] =	stream.linear.scatter [tilespmem:s12], [sflag:$0x1], $0x800, $0x38;
	[tilespmem:$0x4D00] =	vst v63  }
0x1d: {  	_ =	swait.ge [sflag:s13], $0x800  }
0x1e: {  	[sflag:s13] =	ssyncset.done $0x0  }
0x1f: {  	[sflag:s13] =	ssyncadd.s32 $0xFFFFF800  }
0x20: {  	[spmem:s5] =	stream.linear.scatter [tilespmem:s12], [sflag:$0x1], $0x800, $0x38;
	[tilespmem:$0x4D00] =	vst v63  }
0x21: {  	_ =	swait.ge [sflag:s13], $0x800  }
0x22: {  	[sflag:s13] =	ssyncset.done $0x0  }
0x23: {  	[sflag:s13] =	ssyncadd.s32 $0xFFFFF800  }
0x24: {  	[spmem:s6] =	stream.linear.scatter [tilespmem:s12], [sflag:$0x1], $0x800, $0x38;
	[tilespmem:$0x4D00] =	vst v63  }
0x25: {  	_ =	swait.ge [sflag:s13], $0x800  }
0x26: {  	[sflag:s13] =	ssyncset.done $0x0  }
0x27: {  	[sflag:s13] =	ssyncadd.s32 $0xFFFFF800  }
0x28: {  	[spmem:s7] =	stream.linear.scatter [tilespmem:s12], [sflag:$0x1], $0x800, $0x38;
	[tilespmem:$0x4D00] =	vst v63  }
0x29: {  	_ =	swait.ge [sflag:s13], $0x800  }
0x2a: {  	[sflag:s13] =	ssyncset.done $0x0  }
0x2b: {  	[sflag:s13] =	ssyncadd.s32 $0xFFFFF800  }
0x2c: {  	[spmem:s8] =	stream.linear.scatter [tilespmem:s12], [sflag:$0x1], $0x800, $0x38;
	[tilespmem:$0x4D00] =	vst v63  }
0x2d: {  	_ =	swait.ge [sflag:s13], $0x800  }
0x2e: {  	[sflag:s13] =	ssyncset.done $0x0  }
0x2f: {  	[sflag:s13] =	ssyncadd.s32 $0xFFFFF800  }
0x30: {  	s19 =	simm.s32 $0x0;
	[bflag:$0x0] =	sbarrier.arrive $0xFFFF  }
0x31: {  	[tilespmem:s14], [sflag:$0x1] =	stream.linear.gather [hbm4b:s9+s19], $0x1500, $0x38;
	[tilespmem:$0x4D00] =	vst v63  }
0x32: {  	_ =	swait.ge [sflag:s13], $0x1500  }
0x33: {  	[sflag:s13] =	ssyncset.done $0x0  }
0x34: {  	s31 =	simm.s32 $0x2800;
	[sflag:s13] =	ssyncadd.s32 $0xFFFFEB00  }
0x35: {  	[spmem:s2] =	stream.indirect.scatter.add.f32 [tilespmem:s16], [sflag:$0x1], $0x10, s31, s15, $0xb8;
	[tilespmem:$0x4D00] =	vst v63  }
0x36: {  	s19 =	simm.s32 $0x200;
	_ =	swait.ge [sflag:s13], $0x800  }
.LBB2_6:
0x37: {  	s20 =	sshra.s32 s19, $0x2;
	[sflag:s13] =	ssyncset.done $0x0;
	p0 =	sne.s32 s19, $0x5200  }
.Ltmp2:
0x38: {  	s20 =	sadd.s32 $0x2800, s20;
	[sflag:s13] =	ssyncadd.s32 $0xFFFFF800;
	(pc) =	sbr.rel @p0 .LBB2_6-.Ltmp2, $3  }
0x39: {  	[spmem:s2] =	stream.indirect.scatter.add.f32 [tilespmem:s16], [sflag:$0x1], $0x10, s20, s15, $0xb8;
	[tilespmem:$0x4D00] =	vst v63  }
0x3a: {  	s19 =	sadd.s32 $0x200, s19;
	_ =	sdelay $0x1  }
0x3b: {  	_ =	swait.ge [sflag:s13], $0x800  }
0x3c: {  	[sflag:s13] =	ssyncset.done $0x0;
	s3 =	sadd.s32 $0x1, s3  }
0x3d: {  	[sflag:s13] =	ssyncadd.s32 $0xFFFFF800;
	p0 =	sne.s32 s3, s11  }
.Ltmp3:
0x3e: {  	[bflag:$0x0] =	sbarrier.arrive $0xFFFF;
	(pc) =	sbr.rel @p0 .LBB2_1-.Ltmp3, $4  }
0x3f: {  	[hbm:s10], [sflag:s17] =	dma.local [spmem:s18], $0x500  }
0x40: {  	_ =	swait.ge [sflag:s13], $0x500  }
0x41: {  	[sflag:s13] =	ssyncset.done $0x0  }
0x42: {  	[sflag:s13] =	ssyncadd.s32 $0xFFFFFB00  }
0x43: {  	_ =	sfence.sel $0x180000  }
0x44: {  	[bflag:$0x0] =	sbarrier.arrive $0xFFFF  }
0x45: {  	p0 =	sne.s32 s1, $0x0;
	_ =	strace $0x90000047  }
0x46: {  	s0 =	sadd.s32 @!p0 $0x100000, s0;
	[bflag:$0x2] =	sbarrier.arrive $0xFFFF  }
0x47: {  	[sflag:s0] =	ssyncadd.tile.s32 @!p0 $0x1;
	_ =	shalt  }
.Lfunc_end2:
_tile_overlayer_lowered:
.L_overlay_start_2:
0x48: {  	(tag) =	ssettag $0x2  }
0x49: {  	s0 =	rddreg [dreg:$0x0];
	s2 =	stileid.u32  }
0x4a: {  	s1 =	rddreg [dreg:$0x1];
	p0 =	sne.s32 s2, $0x0  }
0x4b: {  	s3 =	rddreg [dreg:$0x2];
	[bflag:$0x3] =	sbarrier.arrive $0xFFFF;
	s2 =	simm.s32 @!p0 $0x1C01  }
0x4c: {  	[timem:s3], [sflag:s2] =	dma.local @!p0 [hbm:s0], s1  }
0x4d: {  	s0 =	simm.s32 @!p0 $0x1  }
0x4e: {  	_ =	swait.ge @!p0 [sflag:s0], s1  }
0x4f: {  	s1 =	ssub.s32 @!p0 $0x0, s1;
	[sflag:s0] =	ssyncset.done @!p0 $0x0  }
0x50: {  	[sflag:s0] =	ssyncadd.s32 @!p0 s1  }
0x51: {  	[bflag:$0x3] =	sbarrier.arrive $0xFFFF  }
0x52: {  	_ =	shalt  }

</sc_bundles>
